<compile_context>
chip_gen: v7x
topology: tpu7x:2x2x1
jax: 0.10.2.dev20260603
libtpu: 0.0.44.dev20260713+nightly
codegen_flags: <defaults>
</compile_context>

<pallas_src>
import functools

import numpy as np
import jax
import jax.numpy as jnp
from jax import lax
from jax.experimental import pallas as pl
from jax.experimental.pallas import tpu as pltpu
from jax.experimental.pallas import tpu_sc as plsc


HARD_P = 0.5
RAND_P = 0.1



def _threefry2x32(k0, k1, x0, x1):
    rotations = ((13, 15, 26, 6), (17, 29, 16, 24))
    ks = (np.uint32(k0), np.uint32(k1),
          np.uint32(k0) ^ np.uint32(k1) ^ np.uint32(0x1BD11BDA))
    x0 = (x0 + ks[0]).astype(np.uint32)
    x1 = (x1 + ks[1]).astype(np.uint32)
    for i in range(5):
        for r in rotations[i % 2]:
            x0 = (x0 + x1).astype(np.uint32)
            x1 = ((x1 << np.uint32(r)) | (x1 >> np.uint32(32 - r))) ^ x0
        x0 = (x0 + ks[(i + 1) % 3]).astype(np.uint32)
        x1 = (x1 + ks[(i + 2) % 3] + np.uint32(i + 1)).astype(np.uint32)
    return x0, x1


def _threefry_bits(k0, k1, size):
    hi = np.zeros(size, dtype=np.uint32)
    lo = np.arange(size, dtype=np.uint32)
    x0, x1 = _threefry2x32(k0, k1, hi, lo)
    return x0 ^ x1


def _key_split(k0, k1, num):
    hi = np.zeros(num, dtype=np.uint32)
    lo = np.arange(num, dtype=np.uint32)
    b0, b1 = _threefry2x32(k0, k1, hi, lo)
    return np.stack([b0, b1], axis=1)


@functools.lru_cache(maxsize=None)
def _random_tag_np(b: int, h: int, w: int) -> np.ndarray:
    n = h * w
    rand_k = int(RAND_P * n)
    row_keys = _key_split(0, 1, b)
    num_rounds = int(np.ceil(3 * np.log(max(2, n)) / np.log(2**32 - 1)))
    mask = np.zeros((b, n), dtype=np.uint32)
    for i in range(b):
        k0, k1 = row_keys[i]
        perm = np.arange(n, dtype=np.int32)
        for _ in range(num_rounds):
            subs = _key_split(k0, k1, 2)
            (k0, k1), (s0, s1) = subs[0], subs[1]
            sort_keys = _threefry_bits(s0, s1, n)
            perm = perm[np.argsort(sort_keys, kind="stable")]
        mask[i] = perm < rand_k
    return (mask << np.uint32(31)).view(np.int32).reshape(b, h, w)



def _res_body(x_ref, y_ref, rt_ref, out_ref):
    d = jnp.abs(x_ref[0] - y_ref[0])
    res = jnp.sum(d, axis=0)
    out_ref[0] = lax.bitcast_convert_type(res, jnp.int32) | rt_ref[0]


def _residual_tagged(x, y, rtag):
    b, c, h, w = x.shape
    return pl.pallas_call(
        _res_body,
        grid=(b,),
        in_specs=[
            pl.BlockSpec((1, c, h, w), lambda i: (i, 0, 0, 0)),
            pl.BlockSpec((1, c, h, w), lambda i: (i, 0, 0, 0)),
            pl.BlockSpec((1, h, w), lambda i: (i, 0, 0)),
        ],
        out_specs=pl.BlockSpec((1, h, w), lambda i: (i, 0, 0)),
        out_shape=jax.ShapeDtypeStruct((b, h, w), jnp.int32),
    )(x, y, rtag)



_ROUNDS = ((23, 8), (15, 8), (7, 8), (0, 7))
_NBMAX = 256


def _make_select(b, n, hard_k):
    info = plsc.get_sparse_core_info()
    ncores, nsub = info.num_cores, info.num_subcores
    rows_per_core = b // ncores
    wpr = nsub // rows_per_core
    qwords = n // wpr
    mesh = plsc.VectorSubcoreMesh(core_axis_name="c", subcore_axis_name="s")

    @functools.partial(
        pl.kernel,
        out_type=jax.ShapeDtypeStruct((b, 16), jnp.int32),
        mesh=mesh,
        compiler_params=pltpu.CompilerParams(needs_layout_passes=False),
        scratch_types=[
            pltpu.VMEM((qwords,), jnp.int32),
            pltpu.VMEM((_NBMAX * 16,), jnp.int32),
            pltpu.VMEM((wpr, _NBMAX * 16), jnp.int32),
            pltpu.VMEM((16,), jnp.int32),
            pltpu.VMEM_SHARED((rows_per_core, wpr, _NBMAX * 16), jnp.int32),
        ],
    )
    def select(rt_hbm, out_hbm, data, hist, scanb, obuf, sh_hist):
        s = lax.axis_index("s")
        row_local = s // wpr
        q = s % wpr
        row = lax.axis_index("c") * rows_per_core + row_local
        lane = lax.iota(jnp.int32, 16)
        ones = jnp.ones((16,), jnp.int32)

        pltpu.sync_copy(rt_hbm.at[row, pl.ds(q * qwords, qwords)], data)

        pfx = jnp.int32(0)
        kk = jnp.int32(hard_k)
        done_bits = 0
        for (shift, rbits) in _ROUNDS:
            nb = 1 << rbits
            nwords = nb * 16

            def zero_body(i, _):
                hist[pl.ds(i * 16, 16)] = jnp.zeros((16,), jnp.int32)
                return 0

            lax.fori_loop(0, nb, zero_body, 0)

            pfx_vec = jnp.broadcast_to(pfx, (16,))

            def data_body(j, _):
                t = data[pl.ds(j * 16, 16)]
                vb = t & jnp.int32(0x7FFFFFFF)
                bin_ = (vb >> shift) & jnp.int32(nb - 1)
                addr = bin_ * 16 + lane
                if done_bits == 0:
                    plsc.addupdate_scatter(hist, [addr], ones)
                else:
                    ok = (vb >> (shift + rbits)) == pfx_vec
                    plsc.addupdate_scatter(hist, [addr], ones, mask=ok)
                return 0

            lax.fori_loop(0, qwords // 16, data_body, 0)

            pltpu.sync_copy(hist.at[pl.ds(0, nwords)],
                            sh_hist.at[row_local, q, pl.ds(0, nwords)])
            plsc.subcore_barrier()
            pltpu.sync_copy(sh_hist.at[row_local], scanb)
            plsc.subcore_barrier()

            ngroups = nb // 16

            def gscan(i, carry):
                g = ngroups - 1 - i
                running, found, gstar, above = carry

                def accw(wi, acc):
                    def accv(v, acc2):
                        return acc2 + scanb[wi, pl.ds(g * 256 + v * 16, 16)]
                    return lax.fori_loop(0, 16, accv, acc)

                acc = lax.fori_loop(0, wpr, accw,
                                    jnp.zeros((16,), jnp.int32))
                gsum = jnp.sum(acc)
                cross = jnp.logical_and(found == 0, running + gsum >= kk + 1)
                gstar = jnp.where(cross, g, gstar)
                above = jnp.where(cross, running, above)
                found = jnp.where(cross, 1, found)
                return (running + gsum, found, gstar, above)

            init = (jnp.int32(0), jnp.int32(0), jnp.int32(0), jnp.int32(0))
            _, _, gstar, above_g = lax.fori_loop(0, ngroups, gscan, init)

            def bscan(i, carry):
                bin_ = gstar * 16 + (15 - i)
                running, found, bstar, above = carry

                def accw(wi, acc):
                    return acc + scanb[wi, pl.ds(bin_ * 16, 16)]

                acc = lax.fori_loop(0, wpr, accw,
                                    jnp.zeros((16,), jnp.int32))
                bsum = jnp.sum(acc)
                cross = jnp.logical_and(found == 0, running + bsum >= kk + 1)
                bstar = jnp.where(cross, bin_, bstar)
                above = jnp.where(cross, running, above)
                found = jnp.where(cross, 1, found)
                return (running + bsum, found, bstar, above)

            init2 = (above_g, jnp.int32(0), jnp.int32(0), above_g)
            _, _, bstar, above_b = lax.fori_loop(0, 16, bscan, init2)

            pfx = (pfx << rbits) | bstar
            kk = kk - above_b
            done_bits += rbits

        @pl.when(q == 0)
        def _write_out():
            obuf[...] = jnp.broadcast_to(pfx, (16,))
            pltpu.sync_copy(obuf, out_hbm.at[row])

    return select



def _sum_body(rt_ref, thre_ref, out_ref):
    i = pl.program_id(0)
    t = rt_ref[0]
    vb = t & jnp.int32(0x7FFFFFFF)
    res = lax.bitcast_convert_type(vb, jnp.float32)
    keep = (vb > thre_ref[i]) | (t < 0)
    contrib = jnp.sum(jnp.where(keep, res, 0.0))

    @pl.when(i == 0)
    def _():
        out_ref[0, 0] = 0.0

    out_ref[0, 0] += contrib


def _masked_sum(rt, thre):
    b, h, w = rt.shape
    return pl.pallas_call(
        _sum_body,
        grid=(b,),
        in_specs=[
            pl.BlockSpec((1, h, w), lambda i: (i, 0, 0)),
            pl.BlockSpec(memory_space=pltpu.SMEM),
        ],
        out_specs=pl.BlockSpec(memory_space=pltpu.SMEM),
        out_shape=jax.ShapeDtypeStruct((1, 1), jnp.float32),
    )(rt, thre)


def kernel(x, y):
    b, c, h, w = x.shape
    n = h * w
    hard_k = int(HARD_P * n)
    rtag = jnp.asarray(_random_tag_np(b, h, w))
    rt = _residual_tagged(x, y, rtag)
    thre16 = _make_select(b, n, hard_k)(rt.reshape(b, n))
    out = _masked_sum(rt, thre16[:, 0])
    return out[0, 0] / (b * c * h * w)

# --- scband reference (transcript-rebuilt; emitter-appended) ---
"""Pipeline reference for scband-hem-1803886265834 (READ-ONLY COPY).

The authoritative reference and input builder live on the scoring server;
editing this copy changes nothing except your own understanding.
"""

import jax, jax.numpy as jnp
import numpy as np

HARD_THRE_P = 0.5
RANDOM_THRE_P = 0.1


def setup_inputs(seed: int = 0) -> dict:
    key = jax.random.key(seed)
    k1, k2 = jax.random.split(key)
    x = jax.random.normal(k1, (8, 3, 512, 512), dtype=jnp.float32)
    y = jax.random.normal(k2, (8, 3, 512, 512), dtype=jnp.float32)
    return {"x": x, "y": y}


def _hard_mining_mask(x, y):
    b, c, h, w = x.shape
    # per-pixel residual summed over channels, [b, 1, h, w]
    res = jnp.sum(jnp.abs(x - y), axis=1, keepdims=True)
    res_line = res.reshape(b, -1)
    # descending sort per batch row
    res_sort = -jnp.sort(-res_line, axis=1)
    hard_thre_ind = int(HARD_THRE_P * w * h)
    thre = res_sort[:, hard_thre_ind]  # [b]
    hard_mask = (res > thre[:, None, None, None]).astype(jnp.float32)
    # random mask: first random_thre_ind entries set to 1, then shuffled per row
    random_thre_ind = int(RANDOM_THRE_P * w * h)
    base = jnp.zeros((b, h * w), dtype=jnp.float32).at[:, :random_thre_ind].set(1.0)
    mkey = jax.random.key(1)
    keys = jax.random.split(mkey, b)
    perms = jax.vmap(lambda k: jax.random.permutation(k, h * w))(keys)
    random_mask = jnp.take_along_axis(base, perms, axis=1).reshape(b, 1, h, w)
    mask = ((hard_mask + random_mask) > 0.0).astype(jnp.float32)
    # mask computed under no_grad in the original module
    return jax.lax.stop_gradient(mask)


def reference(x, y):
    mask = _hard_mining_mask(x, y)
    # nn.L1Loss default reduction='mean' over all elements of [b, c, h, w]
    hem_loss = jnp.mean(jnp.abs(x * mask - y * mask))
    return hem_loss

if __name__ == "__main__":
    import jax
    _d = setup_inputs()
    print(jax.jit(kernel)(*tuple(_d.values())))

</pallas_src>

<mosaic_0001>
#map = affine_map<(d0, d1) -> (0, 0)>
module attributes {stable_mosaic.version = 14 : i64} {
  func.func @select(%arg0: i32, %arg1: i32, %arg2: memref<8x262144xi32, #tpu.memory_space<hbm>>, %arg3: memref<8x16xi32, #tpu.memory_space<hbm>>, %arg4: memref<65536xi32, #tpu.memory_space<vmem>>, %arg5: memref<4096xi32, #tpu.memory_space<vmem>>, %arg6: memref<4x4096xi32, #tpu.memory_space<vmem>>, %arg7: memref<16xi32, #tpu.memory_space<vmem>>, %arg8: memref<4x4x4096xi32, #tpu.memory_space<vmem_shared>>) attributes {dimension_semantics = [#tpu.dimension_semantics<core_parallel>, #tpu.dimension_semantics<subcore_parallel>], iteration_bounds = array<i64: 2, 16>, scalar_prefetch = 0 : i64, scratch_operands = 5 : i64, tpu.core_type = #tpu.core_type<sc_vector_subcore>, window_params = [{transform_indices = #map}, {transform_indices = #map}]} {
    %jit3A = arith.constant 4 : i32
    %div3A = arith.divsi %arg1, %jit3A : i32
    %sign3A = arith.constant 0 : i32
    %sign3A_0 = arith.cmpi sgt, %arg1, %sign3A : i32
    %sign3A_1 = arith.extui %sign3A_0 : i1 to i32
    %sign3A_2 = arith.constant 0 : i32
    %sign3A_3 = arith.cmpi slt, %arg1, %sign3A_2 : i32
    %sign3A_4 = arith.extui %sign3A_3 : i1 to i32
    %sign3A_5 = arith.subi %sign3A_1, %sign3A_4 : i32
    %sign3A_6 = arith.constant 0 : i32
    %sign3A_7 = arith.cmpi sgt, %jit3A, %sign3A_6 : i32
    %sign3A_8 = arith.extui %sign3A_7 : i1 to i32
    %sign3A_9 = arith.constant 0 : i32
    %sign3A_10 = arith.cmpi slt, %jit3A, %sign3A_9 : i32
    %sign3A_11 = arith.extui %sign3A_10 : i1 to i32
    %sign3A_12 = arith.subi %sign3A_8, %sign3A_11 : i32
    %ne3A = arith.cmpi ne, %sign3A_5, %sign3A_12 : i32
    %rem3A = arith.remsi %arg1, %jit3A : i32
    %ne3A_13 = arith.constant 0 : i32
    %ne3A_14 = arith.cmpi ne, %rem3A, %ne3A_13 : i32
    %and3A = arith.andi %ne3A, %ne3A_14 : i1
    %sub3A = arith.constant 1 : i32
    %sub3A_15 = arith.subi %div3A, %sub3A : i32
    %select_n3A = arith.select %and3A, %sub3A_15, %div3A : i32
    %jit3A_16 = arith.constant 4 : i32
    %eq3A = arith.constant 0 : i32
    %eq3A_17 = arith.cmpi eq, %jit3A_16, %eq3A : i32
    %jit3A_18 = arith.constant 1 : i32
    %select_n3A_19 = arith.select %eq3A_17, %jit3A_18, %jit3A_16 : i32
    %rem3A_20 = arith.remsi %arg1, %select_n3A_19 : i32
    %ne3A_21 = arith.constant 0 : i32
    %ne3A_22 = arith.cmpi ne, %rem3A_20, %ne3A_21 : i32
    %lt3A = arith.constant 0 : i32
    %lt3A_23 = arith.cmpi slt, %rem3A_20, %lt3A : i32
    %lt3A_24 = arith.constant 0 : i32
    %lt3A_25 = arith.cmpi slt, %select_n3A_19, %lt3A_24 : i32
    %ne3A_26 = arith.xori %lt3A_23, %lt3A_25 : i1
    %and3A_27 = arith.andi %ne3A_26, %ne3A_22 : i1
    %add3A = arith.addi %rem3A_20, %select_n3A_19 : i32
    %select_n3A_28 = arith.select %and3A_27, %add3A, %rem3A_20 : i32
    %mul3A = arith.constant 4 : i32
    %mul3A_29 = arith.muli %arg0, %mul3A : i32
    %add3A_30 = arith.addi %mul3A_29, %select_n3A : i32
    %iota3A = tpu.iota {dimensions = array<i32: 0>} : vector<16xi32>
    %broadcast_in_dim3A = arith.constant 1 : i32
    %broadcast_in_dim3A_31 = vector.broadcast %broadcast_in_dim3A : i32 to vector<16xi32>
    %mul3A_32 = arith.constant 65536 : i32
    %mul3A_33 = arith.muli %select_n3A_28, %mul3A_32 : i32
    "tpu.region"() ({
      %run_scoped3A = tpu.sem_alloc : memref<!tpu.dma_semaphore, #tpu.memory_space<semaphore_mem>>
      %dma_start3A = tpu.memref_slice %arg2[%add3A_30, %mul3A_33] : memref<8x262144xi32, #tpu.memory_space<hbm>> -> memref<1x65536xi32, #tpu.memory_space<hbm>>
      %dma_start3A_194 = tpu.memref_squeeze %dma_start3A : memref<1x65536xi32, #tpu.memory_space<hbm>> -> memref<65536xi32, #tpu.memory_space<hbm>>
      %dma_start3A_195 = tpu.memref_slice %arg2[%add3A_30, %mul3A_33] : memref<8x262144xi32, #tpu.memory_space<hbm>> -> memref<1x65536xi32, #tpu.memory_space<hbm>>
      %dma_start3A_196 = tpu.memref_squeeze %dma_start3A_195 : memref<1x65536xi32, #tpu.memory_space<hbm>> -> memref<65536xi32, #tpu.memory_space<hbm>>
      tpu.enqueue_dma source(%dma_start3A_196 : memref<65536xi32, #tpu.memory_space<hbm>>) target(%arg4 : memref<65536xi32, #tpu.memory_space<vmem>>) target_semaphore(%run_scoped3A : memref<!tpu.dma_semaphore, #tpu.memory_space<semaphore_mem>>)
      %dma_wait3A = tpu.memref_slice %arg2[%add3A_30, %mul3A_33] : memref<8x262144xi32, #tpu.memory_space<hbm>> -> memref<1x65536xi32, #tpu.memory_space<hbm>>
      %dma_wait3A_197 = tpu.memref_squeeze %dma_wait3A : memref<1x65536xi32, #tpu.memory_space<hbm>> -> memref<65536xi32, #tpu.memory_space<hbm>>
      %dma_wait3A_198 = tpu.memref_slice %arg2[%add3A_30, %mul3A_33] : memref<8x262144xi32, #tpu.memory_space<hbm>> -> memref<1x65536xi32, #tpu.memory_space<hbm>>
      %dma_wait3A_199 = tpu.memref_squeeze %dma_wait3A_198 : memref<1x65536xi32, #tpu.memory_space<hbm>> -> memref<65536xi32, #tpu.memory_space<hbm>>
      tpu.wait_dma2 semaphore(%run_scoped3A : memref<!tpu.dma_semaphore, #tpu.memory_space<semaphore_mem>>) src(%dma_wait3A_199 : memref<65536xi32, #tpu.memory_space<hbm>>) dst(%arg4 : memref<65536xi32, #tpu.memory_space<vmem>>)
      tpu.yield
    }) : () -> ()
    %scan3A = arith.constant 0 : i32
    %scan3A_34 = arith.constant 0 : i32
    %scan3A_35 = arith.constant 256 : i32
    %scan3A_36 = arith.addi %scan3A_34, %scan3A_35 : i32
    %scan3A_37 = arith.constant 1 : i32
    %scan3A_38 = scf.for %scan3A_194 = %scan3A_34 to %scan3A_36 step %scan3A_37 iter_args(%scan3A_195 = %scan3A) -> (i32)  : i32 {
      %broadcast_in_dim3A_196 = arith.constant 0 : i32
      %broadcast_in_dim3A_197 = vector.broadcast %broadcast_in_dim3A_196 : i32 to vector<16xi32>
      %mul3A_198 = arith.constant 16 : i32
      %mul3A_199 = arith.muli %scan3A_194, %mul3A_198 : i32
      %swap3A = arith.index_cast %mul3A_199 : i32 to index
      %swap3A_200 = tpu.vector_load %arg5[%swap3A] {strides = array<i32>} : memref<4096xi32, #tpu.memory_space<vmem>>, vector<16xi32>,
      tpu.vector_store %arg5[%swap3A], %broadcast_in_dim3A_197 {strides = array<i32>} : memref<4096xi32, #tpu.memory_space<vmem>>, vector<16xi32>,
      %scan3A_201 = arith.constant 0 : i32
      scf.yield %scan3A_201 : i32
    }
    %scan3A_39 = arith.constant 256 : i32
    %broadcast_in_dim3A_40 = arith.constant 0 : i32
    %broadcast_in_dim3A_41 = vector.broadcast %broadcast_in_dim3A_40 : i32 to vector<16xi32>
    %scan3A_42 = arith.constant 0 : i32
    %scan3A_43 = arith.constant 0 : i32
    %scan3A_44 = arith.constant 4096 : i32
    %scan3A_45 = arith.addi %scan3A_43, %scan3A_44 : i32
    %scan3A_46 = arith.constant 1 : i32
    %scan3A_47 = scf.for %scan3A_194 = %scan3A_43 to %scan3A_45 step %scan3A_46 iter_args(%scan3A_195 = %scan3A_42) -> (i32)  : i32 {
      %mul3A_196 = arith.constant 16 : i32
      %mul3A_197 = arith.muli %scan3A_194, %mul3A_196 : i32
      %get3A = arith.index_cast %mul3A_197 : i32 to index
      %get3A_198 = tpu.vector_load %arg4[%get3A] {strides = array<i32>} : memref<65536xi32, #tpu.memory_space<vmem>>, vector<16xi32>,
      %and3A_199 = arith.constant 2147483647 : i32
      %and3A_200 = vector.broadcast %and3A_199 : i32 to vector<16xi32>
      %and3A_201 = arith.andi %get3A_198, %and3A_200 : vector<16xi32>
      %shift_right_arithmetic3A = arith.constant 23 : i32
      %shift_right_arithmetic3A_202 = vector.broadcast %shift_right_arithmetic3A : i32 to vector<16xi32>
      %shift_right_arithmetic3A_203 = arith.shrsi %and3A_201, %shift_right_arithmetic3A_202 : vector<16xi32>
      %and3A_204 = arith.constant 255 : i32
      %and3A_205 = vector.broadcast %and3A_204 : i32 to vector<16xi32>
      %and3A_206 = arith.andi %shift_right_arithmetic3A_203, %and3A_205 : vector<16xi32>
      %mul3A_207 = arith.constant 16 : i32
      %mul3A_208 = vector.broadcast %mul3A_207 : i32 to vector<16xi32>
      %mul3A_209 = arith.muli %and3A_206, %mul3A_208 : vector<16xi32>
      %add3A_210 = arith.addi %mul3A_209, %iota3A : vector<16xi32>
      tpu.vector_store_idx %arg5[%add3A_210], %broadcast_in_dim3A_31 {add = true} : memref<4096xi32, #tpu.memory_space<vmem>>[vector<16xi32>], vector<16xi32>,
      %scan3A_211 = arith.constant 0 : i32
      scf.yield %scan3A_211 : i32
    }
    %scan3A_48 = arith.constant 4096 : i32
    "tpu.region"() ({
      %run_scoped3A = tpu.sem_alloc : memref<!tpu.dma_semaphore, #tpu.memory_space<semaphore_mem>>
      %dma_start3A = arith.constant 0 : i32
      %dma_start3A_194 = tpu.memref_slice %arg5[%dma_start3A] : memref<4096xi32, #tpu.memory_space<vmem>> -> memref<4096xi32, #tpu.memory_space<vmem>>
      %dma_start3A_195 = arith.constant 0 : i32
      %dma_start3A_196 = tpu.memref_slice %arg8[%select_n3A, %select_n3A_28, %dma_start3A_195] : memref<4x4x4096xi32, #tpu.memory_space<vmem_shared>> -> memref<1x1x4096xi32, #tpu.memory_space<vmem_shared>>
      %dma_start3A_197 = tpu.memref_squeeze %dma_start3A_196 : memref<1x1x4096xi32, #tpu.memory_space<vmem_shared>> -> memref<4096xi32, #tpu.memory_space<vmem_shared>>
      %dma_start3A_198 = arith.constant 0 : i32
      %dma_start3A_199 = tpu.memref_slice %arg8[%select_n3A, %select_n3A_28, %dma_start3A_198] : memref<4x4x4096xi32, #tpu.memory_space<vmem_shared>> -> memref<1x1x4096xi32, #tpu.memory_space<vmem_shared>>
      %dma_start3A_200 = tpu.memref_squeeze %dma_start3A_199 : memref<1x1x4096xi32, #tpu.memory_space<vmem_shared>> -> memref<4096xi32, #tpu.memory_space<vmem_shared>>
      %dma_start3A_201 = arith.constant 0 : i32
      %dma_start3A_202 = tpu.memref_slice %arg5[%dma_start3A_201] : memref<4096xi32, #tpu.memory_space<vmem>> -> memref<4096xi32, #tpu.memory_space<vmem>>
      tpu.enqueue_dma source(%dma_start3A_202 : memref<4096xi32, #tpu.memory_space<vmem>>) target(%dma_start3A_200 : memref<4096xi32, #tpu.memory_space<vmem_shared>>) target_semaphore(%run_scoped3A : memref<!tpu.dma_semaphore, #tpu.memory_space<semaphore_mem>>)
      %dma_wait3A = arith.constant 0 : i32
      %dma_wait3A_203 = tpu.memref_slice %arg5[%dma_wait3A] : memref<4096xi32, #tpu.memory_space<vmem>> -> memref<4096xi32, #tpu.memory_space<vmem>>
      %dma_wait3A_204 = arith.constant 0 : i32
      %dma_wait3A_205 = tpu.memref_slice %arg8[%select_n3A, %select_n3A_28, %dma_wait3A_204] : memref<4x4x4096xi32, #tpu.memory_space<vmem_shared>> -> memref<1x1x4096xi32, #tpu.memory_space<vmem_shared>>
      %dma_wait3A_206 = tpu.memref_squeeze %dma_wait3A_205 : memref<1x1x4096xi32, #tpu.memory_space<vmem_shared>> -> memref<4096xi32, #tpu.memory_space<vmem_shared>>
      %dma_wait3A_207 = arith.constant 0 : i32
      %dma_wait3A_208 = tpu.memref_slice %arg8[%select_n3A, %select_n3A_28, %dma_wait3A_207] : memref<4x4x4096xi32, #tpu.memory_space<vmem_shared>> -> memref<1x1x4096xi32, #tpu.memory_space<vmem_shared>>
      %dma_wait3A_209 = tpu.memref_squeeze %dma_wait3A_208 : memref<1x1x4096xi32, #tpu.memory_space<vmem_shared>> -> memref<4096xi32, #tpu.memory_space<vmem_shared>>
      %dma_wait3A_210 = arith.constant 0 : i32
      %dma_wait3A_211 = tpu.memref_slice %arg5[%dma_wait3A_210] : memref<4096xi32, #tpu.memory_space<vmem>> -> memref<4096xi32, #tpu.memory_space<vmem>>
      tpu.wait_dma2 semaphore(%run_scoped3A : memref<!tpu.dma_semaphore, #tpu.memory_space<semaphore_mem>>) src(%dma_wait3A_211 : memref<4096xi32, #tpu.memory_space<vmem>>) dst(%dma_wait3A_209 : memref<4096xi32, #tpu.memory_space<vmem_shared>>)
      tpu.yield
    }) : () -> ()
    %barrier3A = arith.constant 0 : index
    tpu.barrier barrier_id(%barrier3A)
    "tpu.region"() ({
      %run_scoped3A = tpu.sem_alloc : memref<!tpu.dma_semaphore, #tpu.memory_space<semaphore_mem>>
      %dma_start3A = arith.constant 0 : i32
      %dma_start3A_194 = arith.constant 0 : i32
      %dma_start3A_195 = tpu.memref_slice %arg8[%select_n3A, %dma_start3A, %dma_start3A_194] : memref<4x4x4096xi32, #tpu.memory_space<vmem_shared>> -> memref<1x4x4096xi32, #tpu.memory_space<vmem_shared>>
      %dma_start3A_196 = tpu.memref_squeeze %dma_start3A_195 : memref<1x4x4096xi32, #tpu.memory_space<vmem_shared>> -> memref<4x4096xi32, #tpu.memory_space<vmem_shared>>
      %dma_start3A_197 = arith.constant 0 : i32
      %dma_start3A_198 = arith.constant 0 : i32
      %dma_start3A_199 = tpu.memref_slice %arg8[%select_n3A, %dma_start3A_197, %dma_start3A_198] : memref<4x4x4096xi32, #tpu.memory_space<vmem_shared>> -> memref<1x4x4096xi32, #tpu.memory_space<vmem_shared>>
      %dma_start3A_200 = tpu.memref_squeeze %dma_start3A_199 : memref<1x4x4096xi32, #tpu.memory_space<vmem_shared>> -> memref<4x4096xi32, #tpu.memory_space<vmem_shared>>
      tpu.enqueue_dma source(%dma_start3A_200 : memref<4x4096xi32, #tpu.memory_space<vmem_shared>>) target(%arg6 : memref<4x4096xi32, #tpu.memory_space<vmem>>) target_semaphore(%run_scoped3A : memref<!tpu.dma_semaphore, #tpu.memory_space<semaphore_mem>>)
      %dma_wait3A = arith.constant 0 : i32
      %dma_wait3A_201 = arith.constant 0 : i32
      %dma_wait3A_202 = tpu.memref_slice %arg8[%select_n3A, %dma_wait3A, %dma_wait3A_201] : memref<4x4x4096xi32, #tpu.memory_space<vmem_shared>> -> memref<1x4x4096xi32, #tpu.memory_space<vmem_shared>>
      %dma_wait3A_203 = tpu.memref_squeeze %dma_wait3A_202 : memref<1x4x4096xi32, #tpu.memory_space<vmem_shared>> -> memref<4x4096xi32, #tpu.memory_space<vmem_shared>>
      %dma_wait3A_204 = arith.constant 0 : i32
      %dma_wait3A_205 = arith.constant 0 : i32
      %dma_wait3A_206 = tpu.memref_slice %arg8[%select_n3A, %dma_wait3A_204, %dma_wait3A_205] : memref<4x4x4096xi32, #tpu.memory_space<vmem_shared>> -> memref<1x4x4096xi32, #tpu.memory_space<vmem_shared>>
      %dma_wait3A_207 = tpu.memref_squeeze %dma_wait3A_206 : memref<1x4x4096xi32, #tpu.memory_space<vmem_shared>> -> memref<4x4096xi32, #tpu.memory_space<vmem_shared>>
      tpu.wait_dma2 semaphore(%run_scoped3A : memref<!tpu.dma_semaphore, #tpu.memory_space<semaphore_mem>>) src(%dma_wait3A_207 : memref<4x4096xi32, #tpu.memory_space<vmem_shared>>) dst(%arg6 : memref<4x4096xi32, #tpu.memory_space<vmem>>)
      tpu.yield
    }) : () -> ()
    %barrier3A_49 = arith.constant 0 : index
    tpu.barrier barrier_id(%barrier3A_49)
    %scan3A_50 = arith.constant 131072 : i32
    %scan3A_51 = arith.constant 0 : i32
    %scan3A_52 = arith.constant 0 : i32
    %scan3A_53 = arith.constant 0 : i32
    %scan3A_54 = arith.constant 0 : i32
    %scan3A_55 = arith.constant 0 : i32
    %scan3A_56 = arith.constant 16 : i32
    %scan3A_57 = arith.addi %scan3A_55, %scan3A_56 : i32
    %scan3A_58 = arith.constant 1 : i32
    %scan3A_59:4 = scf.for %scan3A_194 = %scan3A_55 to %scan3A_57 step %scan3A_58 iter_args(%scan3A_195 = %scan3A_51, %scan3A_196 = %scan3A_52, %scan3A_197 = %scan3A_53, %scan3A_198 = %scan3A_54) -> (i32, i32, i32, i32)  : i32 {
      %sub3A_199 = arith.constant 15 : i32
      %sub3A_200 = arith.subi %sub3A_199, %scan3A_194 : i32
      %broadcast_in_dim3A_201 = arith.constant 0 : i32
      %broadcast_in_dim3A_202 = vector.broadcast %broadcast_in_dim3A_201 : i32 to vector<16xi32>
      %scan3A_203 = arith.constant 0 : i32
      %scan3A_204 = arith.constant 4 : i32
      %scan3A_205 = arith.addi %scan3A_203, %scan3A_204 : i32
      %scan3A_206 = arith.constant 1 : i32
      %scan3A_207 = scf.for %scan3A_223 = %scan3A_203 to %scan3A_205 step %scan3A_206 iter_args(%scan3A_224 = %broadcast_in_dim3A_202) -> (vector<16xi32>)  : i32 {
        %scan3A_225 = arith.constant 0 : i32
        %scan3A_226 = arith.constant 16 : i32
        %scan3A_227 = arith.addi %scan3A_225, %scan3A_226 : i32
        %scan3A_228 = arith.constant 1 : i32
        %scan3A_229 = scf.for %scan3A_231 = %scan3A_225 to %scan3A_227 step %scan3A_228 iter_args(%scan3A_232 = %scan3A_224) -> (vector<16xi32>)  : i32 {
          %mul3A_233 = arith.constant 256 : i32
          %mul3A_234 = arith.muli %sub3A_200, %mul3A_233 : i32
          %mul3A_235 = arith.constant 16 : i32
          %mul3A_236 = arith.muli %scan3A_231, %mul3A_235 : i32
          %add3A_237 = arith.addi %mul3A_234, %mul3A_236 : i32
          %get3A = arith.index_cast %scan3A_223 : i32 to index
          %get3A_238 = arith.index_cast %add3A_237 : i32 to index
          %get3A_239 = tpu.vector_load %arg6[%get3A, %get3A_238] {strides = array<i32>} : memref<4x4096xi32, #tpu.memory_space<vmem>>, vector<16xi32>,
          %add3A_240 = arith.addi %scan3A_232, %get3A_239 : vector<16xi32>
          scf.yield %add3A_240 : vector<16xi32>
        }
        %scan3A_230 = arith.constant 16 : i32
        scf.yield %scan3A_229 : vector<16xi32>
      }
      %scan3A_208 = arith.constant 4 : i32
      %reduce_sum3A = arith.constant true
      %reduce_sum3A_209 = vector.broadcast %reduce_sum3A : i1 to vector<16xi1>
      %reduce_sum3A_210 = tpu.scan <sum>, %scan3A_207 masked %reduce_sum3A_209 : vector<16xi32>, vector<16xi1> -> vector<16xi32>
      %reduce_sum3A_211 = vector.extract %reduce_sum3A_210[15] : i32 from vector<16xi32>
      %eq3A_212 = arith.constant 0 : i32
      %eq3A_213 = arith.cmpi eq, %scan3A_196, %eq3A_212 : i32
      %add3A_214 = arith.addi %scan3A_195, %reduce_sum3A_211 : i32
      %add3A_215 = arith.constant 1 : i32
      %add3A_216 = arith.addi %scan3A_50, %add3A_215 : i32
      %ge3A = arith.cmpi sge, %add3A_214, %add3A_216 : i32
      %and3A_217 = arith.andi %eq3A_213, %ge3A : i1
      %select_n3A_218 = arith.select %and3A_217, %sub3A_200, %scan3A_197 : i32
      %select_n3A_219 = arith.select %and3A_217, %scan3A_195, %scan3A_198 : i32
      %jit3A_220 = arith.constant 1 : i32
      %select_n3A_221 = arith.select %and3A_217, %jit3A_220, %scan3A_196 : i32
      %add3A_222 = arith.addi %scan3A_195, %reduce_sum3A_211 : i32
      scf.yield %add3A_222, %select_n3A_221, %select_n3A_218, %select_n3A_219 : i32, i32, i32, i32
    }
    %scan3A_60 = arith.constant 16 : i32
    %scan3A_61 = arith.constant 131072 : i32
    %scan3A_62 = arith.constant 0 : i32
    %scan3A_63 = arith.constant 0 : i32
    %scan3A_64 = arith.constant 0 : i32
    %scan3A_65 = arith.constant 16 : i32
    %scan3A_66 = arith.addi %scan3A_64, %scan3A_65 : i32
    %scan3A_67 = arith.constant 1 : i32
    %scan3A_68:4 = scf.for %scan3A_194 = %scan3A_64 to %scan3A_66 step %scan3A_67 iter_args(%scan3A_195 = %scan3A_59#3, %scan3A_196 = %scan3A_62, %scan3A_197 = %scan3A_63, %scan3A_198 = %scan3A_59#3) -> (i32, i32, i32, i32)  : i32 {
      %mul3A_199 = arith.constant 16 : i32
      %mul3A_200 = arith.muli %scan3A_59#2, %mul3A_199 : i32
      %sub3A_201 = arith.constant 15 : i32
      %sub3A_202 = arith.subi %sub3A_201, %scan3A_194 : i32
      %add3A_203 = arith.addi %mul3A_200, %sub3A_202 : i32
      %broadcast_in_dim3A_204 = arith.constant 0 : i32
      %broadcast_in_dim3A_205 = vector.broadcast %broadcast_in_dim3A_204 : i32 to vector<16xi32>
      %scan3A_206 = arith.constant 0 : i32
      %scan3A_207 = arith.constant 4 : i32
      %scan3A_208 = arith.addi %scan3A_206, %scan3A_207 : i32
      %scan3A_209 = arith.constant 1 : i32
      %scan3A_210 = scf.for %scan3A_226 = %scan3A_206 to %scan3A_208 step %scan3A_209 iter_args(%scan3A_227 = %broadcast_in_dim3A_205) -> (vector<16xi32>)  : i32 {
        %mul3A_228 = arith.constant 16 : i32
        %mul3A_229 = arith.muli %add3A_203, %mul3A_228 : i32
        %get3A = arith.index_cast %scan3A_226 : i32 to index
        %get3A_230 = arith.index_cast %mul3A_229 : i32 to index
        %get3A_231 = tpu.vector_load %arg6[%get3A, %get3A_230] {strides = array<i32>} : memref<4x4096xi32, #tpu.memory_space<vmem>>, vector<16xi32>,
        %add3A_232 = arith.addi %scan3A_227, %get3A_231 : vector<16xi32>
        scf.yield %add3A_232 : vector<16xi32>
      }
      %scan3A_211 = arith.constant 4 : i32
      %reduce_sum3A = arith.constant true
      %reduce_sum3A_212 = vector.broadcast %reduce_sum3A : i1 to vector<16xi1>
      %reduce_sum3A_213 = tpu.scan <sum>, %scan3A_210 masked %reduce_sum3A_212 : vector<16xi32>, vector<16xi1> -> vector<16xi32>
      %reduce_sum3A_214 = vector.extract %reduce_sum3A_213[15] : i32 from vector<16xi32>
      %eq3A_215 = arith.constant 0 : i32
      %eq3A_216 = arith.cmpi eq, %scan3A_196, %eq3A_215 : i32
      %add3A_217 = arith.addi %scan3A_195, %reduce_sum3A_214 : i32
      %add3A_218 = arith.constant 1 : i32
      %add3A_219 = arith.addi %scan3A_61, %add3A_218 : i32
      %ge3A = arith.cmpi sge, %add3A_217, %add3A_219 : i32
      %and3A_220 = arith.andi %eq3A_216, %ge3A : i1
      %select_n3A_221 = arith.select %and3A_220, %add3A_203, %scan3A_197 : i32
      %select_n3A_222 = arith.select %and3A_220, %scan3A_195, %scan3A_198 : i32
      %jit3A_223 = arith.constant 1 : i32
      %select_n3A_224 = arith.select %and3A_220, %jit3A_223, %scan3A_196 : i32
      %add3A_225 = arith.addi %scan3A_195, %reduce_sum3A_214 : i32
      scf.yield %add3A_225, %select_n3A_224, %select_n3A_221, %select_n3A_222 : i32, i32, i32, i32
    }
    %scan3A_69 = arith.constant 16 : i32
    %shift_left3A = arith.constant 0 : i32
    %shift_left3A_70 = arith.constant 8 : i32
    %shift_left3A_71 = arith.shli %shift_left3A, %shift_left3A_70 : i32
    %or3A = arith.ori %shift_left3A_71, %scan3A_68#2 : i32
    %sub3A_72 = arith.constant 131072 : i32
    %sub3A_73 = arith.subi %sub3A_72, %scan3A_68#3 : i32
    %scan3A_74 = arith.constant 0 : i32
    %scan3A_75 = arith.constant 0 : i32
    %scan3A_76 = arith.constant 256 : i32
    %scan3A_77 = arith.addi %scan3A_75, %scan3A_76 : i32
    %scan3A_78 = arith.constant 1 : i32
    %scan3A_79 = scf.for %scan3A_194 = %scan3A_75 to %scan3A_77 step %scan3A_78 iter_args(%scan3A_195 = %scan3A_74) -> (i32)  : i32 {
      %broadcast_in_dim3A_196 = arith.constant 0 : i32
      %broadcast_in_dim3A_197 = vector.broadcast %broadcast_in_dim3A_196 : i32 to vector<16xi32>
      %mul3A_198 = arith.constant 16 : i32
      %mul3A_199 = arith.muli %scan3A_194, %mul3A_198 : i32
      %swap3A = arith.index_cast %mul3A_199 : i32 to index
      %swap3A_200 = tpu.vector_load %arg5[%swap3A] {strides = array<i32>} : memref<4096xi32, #tpu.memory_space<vmem>>, vector<16xi32>,
      tpu.vector_store %arg5[%swap3A], %broadcast_in_dim3A_197 {strides = array<i32>} : memref<4096xi32, #tpu.memory_space<vmem>>, vector<16xi32>,
      %scan3A_201 = arith.constant 0 : i32
      scf.yield %scan3A_201 : i32
    }
    %scan3A_80 = arith.constant 256 : i32
    %broadcast_in_dim3A_81 = vector.broadcast %or3A : i32 to vector<16xi32>
    %scan3A_82 = arith.constant 0 : i32
    %scan3A_83 = arith.constant 0 : i32
    %scan3A_84 = arith.constant 4096 : i32
    %scan3A_85 = arith.addi %scan3A_83, %scan3A_84 : i32
    %scan3A_86 = arith.constant 1 : i32
    %scan3A_87 = scf.for %scan3A_194 = %scan3A_83 to %scan3A_85 step %scan3A_86 iter_args(%scan3A_195 = %scan3A_82) -> (i32)  : i32 {
      %mul3A_196 = arith.constant 16 : i32
      %mul3A_197 = arith.muli %scan3A_194, %mul3A_196 : i32
      %get3A = arith.index_cast %mul3A_197 : i32 to index
      %get3A_198 = tpu.vector_load %arg4[%get3A] {strides = array<i32>} : memref<65536xi32, #tpu.memory_space<vmem>>, vector<16xi32>,
      %and3A_199 = arith.constant 2147483647 : i32
      %and3A_200 = vector.broadcast %and3A_199 : i32 to vector<16xi32>
      %and3A_201 = arith.andi %get3A_198, %and3A_200 : vector<16xi32>
      %shift_right_arithmetic3A = arith.constant 15 : i32
      %shift_right_arithmetic3A_202 = vector.broadcast %shift_right_arithmetic3A : i32 to vector<16xi32>
      %shift_right_arithmetic3A_203 = arith.shrsi %and3A_201, %shift_right_arithmetic3A_202 : vector<16xi32>
      %and3A_204 = arith.constant 255 : i32
      %and3A_205 = vector.broadcast %and3A_204 : i32 to vector<16xi32>
      %and3A_206 = arith.andi %shift_right_arithmetic3A_203, %and3A_205 : vector<16xi32>
      %mul3A_207 = arith.constant 16 : i32
      %mul3A_208 = vector.broadcast %mul3A_207 : i32 to vector<16xi32>
      %mul3A_209 = arith.muli %and3A_206, %mul3A_208 : vector<16xi32>
      %add3A_210 = arith.addi %mul3A_209, %iota3A : vector<16xi32>
      %shift_right_arithmetic3A_211 = arith.constant 23 : i32
      %shift_right_arithmetic3A_212 = vector.broadcast %shift_right_arithmetic3A_211 : i32 to vector<16xi32>
      %shift_right_arithmetic3A_213 = arith.shrsi %and3A_201, %shift_right_arithmetic3A_212 : vector<16xi32>
      %eq3A_214 = arith.cmpi eq, %shift_right_arithmetic3A_213, %broadcast_in_dim3A_81 : vector<16xi32>
      tpu.vector_store_idx %arg5[%add3A_210], %broadcast_in_dim3A_31 masked %eq3A_214 {add = true} : memref<4096xi32, #tpu.memory_space<vmem>>[vector<16xi32>], vector<16xi32>, vector<16xi1>
      %scan3A_215 = arith.constant 0 : i32
      scf.yield %scan3A_215 : i32
    }
    %scan3A_88 = arith.constant 4096 : i32
    "tpu.region"() ({
      %run_scoped3A = tpu.sem_alloc : memref<!tpu.dma_semaphore, #tpu.memory_space<semaphore_mem>>
      %dma_start3A = arith.constant 0 : i32
      %dma_start3A_194 = tpu.memref_slice %arg5[%dma_start3A] : memref<4096xi32, #tpu.memory_space<vmem>> -> memref<4096xi32, #tpu.memory_space<vmem>>
      %dma_start3A_195 = arith.constant 0 : i32
      %dma_start3A_196 = tpu.memref_slice %arg8[%select_n3A, %select_n3A_28, %dma_start3A_195] : memref<4x4x4096xi32, #tpu.memory_space<vmem_shared>> -> memref<1x1x4096xi32, #tpu.memory_space<vmem_shared>>
      %dma_start3A_197 = tpu.memref_squeeze %dma_start3A_196 : memref<1x1x4096xi32, #tpu.memory_space<vmem_shared>> -> memref<4096xi32, #tpu.memory_space<vmem_shared>>
      %dma_start3A_198 = arith.constant 0 : i32
      %dma_start3A_199 = tpu.memref_slice %arg8[%select_n3A, %select_n3A_28, %dma_start3A_198] : memref<4x4x4096xi32, #tpu.memory_space<vmem_shared>> -> memref<1x1x4096xi32, #tpu.memory_space<vmem_shared>>
      %dma_start3A_200 = tpu.memref_squeeze %dma_start3A_199 : memref<1x1x4096xi32, #tpu.memory_space<vmem_shared>> -> memref<4096xi32, #tpu.memory_space<vmem_shared>>
      %dma_start3A_201 = arith.constant 0 : i32
      %dma_start3A_202 = tpu.memref_slice %arg5[%dma_start3A_201] : memref<4096xi32, #tpu.memory_space<vmem>> -> memref<4096xi32, #tpu.memory_space<vmem>>
      tpu.enqueue_dma source(%dma_start3A_202 : memref<4096xi32, #tpu.memory_space<vmem>>) target(%dma_start3A_200 : memref<4096xi32, #tpu.memory_space<vmem_shared>>) target_semaphore(%run_scoped3A : memref<!tpu.dma_semaphore, #tpu.memory_space<semaphore_mem>>)
      %dma_wait3A = arith.constant 0 : i32
      %dma_wait3A_203 = tpu.memref_slice %arg5[%dma_wait3A] : memref<4096xi32, #tpu.memory_space<vmem>> -> memref<4096xi32, #tpu.memory_space<vmem>>
      %dma_wait3A_204 = arith.constant 0 : i32
      %dma_wait3A_205 = tpu.memref_slice %arg8[%select_n3A, %select_n3A_28, %dma_wait3A_204] : memref<4x4x4096xi32, #tpu.memory_space<vmem_shared>> -> memref<1x1x4096xi32, #tpu.memory_space<vmem_shared>>
      %dma_wait3A_206 = tpu.memref_squeeze %dma_wait3A_205 : memref<1x1x4096xi32, #tpu.memory_space<vmem_shared>> -> memref<4096xi32, #tpu.memory_space<vmem_shared>>
      %dma_wait3A_207 = arith.constant 0 : i32
      %dma_wait3A_208 = tpu.memref_slice %arg8[%select_n3A, %select_n3A_28, %dma_wait3A_207] : memref<4x4x4096xi32, #tpu.memory_space<vmem_shared>> -> memref<1x1x4096xi32, #tpu.memory_space<vmem_shared>>
      %dma_wait3A_209 = tpu.memref_squeeze %dma_wait3A_208 : memref<1x1x4096xi32, #tpu.memory_space<vmem_shared>> -> memref<4096xi32, #tpu.memory_space<vmem_shared>>
      %dma_wait3A_210 = arith.constant 0 : i32
      %dma_wait3A_211 = tpu.memref_slice %arg5[%dma_wait3A_210] : memref<4096xi32, #tpu.memory_space<vmem>> -> memref<4096xi32, #tpu.memory_space<vmem>>
      tpu.wait_dma2 semaphore(%run_scoped3A : memref<!tpu.dma_semaphore, #tpu.memory_space<semaphore_mem>>) src(%dma_wait3A_211 : memref<4096xi32, #tpu.memory_space<vmem>>) dst(%dma_wait3A_209 : memref<4096xi32, #tpu.memory_space<vmem_shared>>)
      tpu.yield
    }) : () -> ()
    %barrier3A_89 = arith.constant 0 : index
    tpu.barrier barrier_id(%barrier3A_89)
    "tpu.region"() ({
      %run_scoped3A = tpu.sem_alloc : memref<!tpu.dma_semaphore, #tpu.memory_space<semaphore_mem>>
      %dma_start3A = arith.constant 0 : i32
      %dma_start3A_194 = arith.constant 0 : i32
      %dma_start3A_195 = tpu.memref_slice %arg8[%select_n3A, %dma_start3A, %dma_start3A_194] : memref<4x4x4096xi32, #tpu.memory_space<vmem_shared>> -> memref<1x4x4096xi32, #tpu.memory_space<vmem_shared>>
      %dma_start3A_196 = tpu.memref_squeeze %dma_start3A_195 : memref<1x4x4096xi32, #tpu.memory_space<vmem_shared>> -> memref<4x4096xi32, #tpu.memory_space<vmem_shared>>
      %dma_start3A_197 = arith.constant 0 : i32
      %dma_start3A_198 = arith.constant 0 : i32
      %dma_start3A_199 = tpu.memref_slice %arg8[%select_n3A, %dma_start3A_197, %dma_start3A_198] : memref<4x4x4096xi32, #tpu.memory_space<vmem_shared>> -> memref<1x4x4096xi32, #tpu.memory_space<vmem_shared>>
      %dma_start3A_200 = tpu.memref_squeeze %dma_start3A_199 : memref<1x4x4096xi32, #tpu.memory_space<vmem_shared>> -> memref<4x4096xi32, #tpu.memory_space<vmem_shared>>
      tpu.enqueue_dma source(%dma_start3A_200 : memref<4x4096xi32, #tpu.memory_space<vmem_shared>>) target(%arg6 : memref<4x4096xi32, #tpu.memory_space<vmem>>) target_semaphore(%run_scoped3A : memref<!tpu.dma_semaphore, #tpu.memory_space<semaphore_mem>>)
      %dma_wait3A = arith.constant 0 : i32
      %dma_wait3A_201 = arith.constant 0 : i32
      %dma_wait3A_202 = tpu.memref_slice %arg8[%select_n3A, %dma_wait3A, %dma_wait3A_201] : memref<4x4x4096xi32, #tpu.memory_space<vmem_shared>> -> memref<1x4x4096xi32, #tpu.memory_space<vmem_shared>>
      %dma_wait3A_203 = tpu.memref_squeeze %dma_wait3A_202 : memref<1x4x4096xi32, #tpu.memory_space<vmem_shared>> -> memref<4x4096xi32, #tpu.memory_space<vmem_shared>>
      %dma_wait3A_204 = arith.constant 0 : i32
      %dma_wait3A_205 = arith.constant 0 : i32
      %dma_wait3A_206 = tpu.memref_slice %arg8[%select_n3A, %dma_wait3A_204, %dma_wait3A_205] : memref<4x4x4096xi32, #tpu.memory_space<vmem_shared>> -> memref<1x4x4096xi32, #tpu.memory_space<vmem_shared>>
      %dma_wait3A_207 = tpu.memref_squeeze %dma_wait3A_206 : memref<1x4x4096xi32, #tpu.memory_space<vmem_shared>> -> memref<4x4096xi32, #tpu.memory_space<vmem_shared>>
      tpu.wait_dma2 semaphore(%run_scoped3A : memref<!tpu.dma_semaphore, #tpu.memory_space<semaphore_mem>>) src(%dma_wait3A_207 : memref<4x4096xi32, #tpu.memory_space<vmem_shared>>) dst(%arg6 : memref<4x4096xi32, #tpu.memory_space<vmem>>)
      tpu.yield
    }) : () -> ()
    %barrier3A_90 = arith.constant 0 : index
    tpu.barrier barrier_id(%barrier3A_90)
    %scan3A_91 = arith.constant 0 : i32
    %scan3A_92 = arith.constant 0 : i32
    %scan3A_93 = arith.constant 0 : i32
    %scan3A_94 = arith.constant 0 : i32
    %scan3A_95 = arith.constant 0 : i32
    %scan3A_96 = arith.constant 16 : i32
    %scan3A_97 = arith.addi %scan3A_95, %scan3A_96 : i32
    %scan3A_98 = arith.constant 1 : i32
    %scan3A_99:4 = scf.for %scan3A_194 = %scan3A_95 to %scan3A_97 step %scan3A_98 iter_args(%scan3A_195 = %scan3A_91, %scan3A_196 = %scan3A_92, %scan3A_197 = %scan3A_93, %scan3A_198 = %scan3A_94) -> (i32, i32, i32, i32)  : i32 {
      %sub3A_199 = arith.constant 15 : i32
      %sub3A_200 = arith.subi %sub3A_199, %scan3A_194 : i32
      %broadcast_in_dim3A_201 = arith.constant 0 : i32
      %broadcast_in_dim3A_202 = vector.broadcast %broadcast_in_dim3A_201 : i32 to vector<16xi32>
      %scan3A_203 = arith.constant 0 : i32
      %scan3A_204 = arith.constant 4 : i32
      %scan3A_205 = arith.addi %scan3A_203, %scan3A_204 : i32
      %scan3A_206 = arith.constant 1 : i32
      %scan3A_207 = scf.for %scan3A_223 = %scan3A_203 to %scan3A_205 step %scan3A_206 iter_args(%scan3A_224 = %broadcast_in_dim3A_202) -> (vector<16xi32>)  : i32 {
        %scan3A_225 = arith.constant 0 : i32
        %scan3A_226 = arith.constant 16 : i32
        %scan3A_227 = arith.addi %scan3A_225, %scan3A_226 : i32
        %scan3A_228 = arith.constant 1 : i32
        %scan3A_229 = scf.for %scan3A_231 = %scan3A_225 to %scan3A_227 step %scan3A_228 iter_args(%scan3A_232 = %scan3A_224) -> (vector<16xi32>)  : i32 {
          %mul3A_233 = arith.constant 256 : i32
          %mul3A_234 = arith.muli %sub3A_200, %mul3A_233 : i32
          %mul3A_235 = arith.constant 16 : i32
          %mul3A_236 = arith.muli %scan3A_231, %mul3A_235 : i32
          %add3A_237 = arith.addi %mul3A_234, %mul3A_236 : i32
          %get3A = arith.index_cast %scan3A_223 : i32 to index
          %get3A_238 = arith.index_cast %add3A_237 : i32 to index
          %get3A_239 = tpu.vector_load %arg6[%get3A, %get3A_238] {strides = array<i32>} : memref<4x4096xi32, #tpu.memory_space<vmem>>, vector<16xi32>,
          %add3A_240 = arith.addi %scan3A_232, %get3A_239 : vector<16xi32>
          scf.yield %add3A_240 : vector<16xi32>
        }
        %scan3A_230 = arith.constant 16 : i32
        scf.yield %scan3A_229 : vector<16xi32>
      }
      %scan3A_208 = arith.constant 4 : i32
      %reduce_sum3A = arith.constant true
      %reduce_sum3A_209 = vector.broadcast %reduce_sum3A : i1 to vector<16xi1>
      %reduce_sum3A_210 = tpu.scan <sum>, %scan3A_207 masked %reduce_sum3A_209 : vector<16xi32>, vector<16xi1> -> vector<16xi32>
      %reduce_sum3A_211 = vector.extract %reduce_sum3A_210[15] : i32 from vector<16xi32>
      %eq3A_212 = arith.constant 0 : i32
      %eq3A_213 = arith.cmpi eq, %scan3A_196, %eq3A_212 : i32
      %add3A_214 = arith.addi %scan3A_195, %reduce_sum3A_211 : i32
      %add3A_215 = arith.constant 1 : i32
      %add3A_216 = arith.addi %sub3A_73, %add3A_215 : i32
      %ge3A = arith.cmpi sge, %add3A_214, %add3A_216 : i32
      %and3A_217 = arith.andi %eq3A_213, %ge3A : i1
      %select_n3A_218 = arith.select %and3A_217, %sub3A_200, %scan3A_197 : i32
      %select_n3A_219 = arith.select %and3A_217, %scan3A_195, %scan3A_198 : i32
      %jit3A_220 = arith.constant 1 : i32
      %select_n3A_221 = arith.select %and3A_217, %jit3A_220, %scan3A_196 : i32
      %add3A_222 = arith.addi %scan3A_195, %reduce_sum3A_211 : i32
      scf.yield %add3A_222, %select_n3A_221, %select_n3A_218, %select_n3A_219 : i32, i32, i32, i32
    }
    %scan3A_100 = arith.constant 16 : i32
    %scan3A_101 = arith.constant 0 : i32
    %scan3A_102 = arith.constant 0 : i32
    %scan3A_103 = arith.constant 0 : i32
    %scan3A_104 = arith.constant 16 : i32
    %scan3A_105 = arith.addi %scan3A_103, %scan3A_104 : i32
    %scan3A_106 = arith.constant 1 : i32
    %scan3A_107:4 = scf.for %scan3A_194 = %scan3A_103 to %scan3A_105 step %scan3A_106 iter_args(%scan3A_195 = %scan3A_99#3, %scan3A_196 = %scan3A_101, %scan3A_197 = %scan3A_102, %scan3A_198 = %scan3A_99#3) -> (i32, i32, i32, i32)  : i32 {
      %mul3A_199 = arith.constant 16 : i32
      %mul3A_200 = arith.muli %scan3A_99#2, %mul3A_199 : i32
      %sub3A_201 = arith.constant 15 : i32
      %sub3A_202 = arith.subi %sub3A_201, %scan3A_194 : i32
      %add3A_203 = arith.addi %mul3A_200, %sub3A_202 : i32
      %broadcast_in_dim3A_204 = arith.constant 0 : i32
      %broadcast_in_dim3A_205 = vector.broadcast %broadcast_in_dim3A_204 : i32 to vector<16xi32>
      %scan3A_206 = arith.constant 0 : i32
      %scan3A_207 = arith.constant 4 : i32
      %scan3A_208 = arith.addi %scan3A_206, %scan3A_207 : i32
      %scan3A_209 = arith.constant 1 : i32
      %scan3A_210 = scf.for %scan3A_226 = %scan3A_206 to %scan3A_208 step %scan3A_209 iter_args(%scan3A_227 = %broadcast_in_dim3A_205) -> (vector<16xi32>)  : i32 {
        %mul3A_228 = arith.constant 16 : i32
        %mul3A_229 = arith.muli %add3A_203, %mul3A_228 : i32
        %get3A = arith.index_cast %scan3A_226 : i32 to index
        %get3A_230 = arith.index_cast %mul3A_229 : i32 to index
        %get3A_231 = tpu.vector_load %arg6[%get3A, %get3A_230] {strides = array<i32>} : memref<4x4096xi32, #tpu.memory_space<vmem>>, vector<16xi32>,
        %add3A_232 = arith.addi %scan3A_227, %get3A_231 : vector<16xi32>
        scf.yield %add3A_232 : vector<16xi32>
      }
      %scan3A_211 = arith.constant 4 : i32
      %reduce_sum3A = arith.constant true
      %reduce_sum3A_212 = vector.broadcast %reduce_sum3A : i1 to vector<16xi1>
      %reduce_sum3A_213 = tpu.scan <sum>, %scan3A_210 masked %reduce_sum3A_212 : vector<16xi32>, vector<16xi1> -> vector<16xi32>
      %reduce_sum3A_214 = vector.extract %reduce_sum3A_213[15] : i32 from vector<16xi32>
      %eq3A_215 = arith.constant 0 : i32
      %eq3A_216 = arith.cmpi eq, %scan3A_196, %eq3A_215 : i32
      %add3A_217 = arith.addi %scan3A_195, %reduce_sum3A_214 : i32
      %add3A_218 = arith.constant 1 : i32
      %add3A_219 = arith.addi %sub3A_73, %add3A_218 : i32
      %ge3A = arith.cmpi sge, %add3A_217, %add3A_219 : i32
      %and3A_220 = arith.andi %eq3A_216, %ge3A : i1
      %select_n3A_221 = arith.select %and3A_220, %add3A_203, %scan3A_197 : i32
      %select_n3A_222 = arith.select %and3A_220, %scan3A_195, %scan3A_198 : i32
      %jit3A_223 = arith.constant 1 : i32
      %select_n3A_224 = arith.select %and3A_220, %jit3A_223, %scan3A_196 : i32
      %add3A_225 = arith.addi %scan3A_195, %reduce_sum3A_214 : i32
      scf.yield %add3A_225, %select_n3A_224, %select_n3A_221, %select_n3A_222 : i32, i32, i32, i32
    }
    %scan3A_108 = arith.constant 16 : i32
    %shift_left3A_109 = arith.constant 8 : i32
    %shift_left3A_110 = arith.shli %or3A, %shift_left3A_109 : i32
    %or3A_111 = arith.ori %shift_left3A_110, %scan3A_107#2 : i32
    %sub3A_112 = arith.subi %sub3A_73, %scan3A_107#3 : i32
    %scan3A_113 = arith.constant 0 : i32
    %scan3A_114 = arith.constant 0 : i32
    %scan3A_115 = arith.constant 256 : i32
    %scan3A_116 = arith.addi %scan3A_114, %scan3A_115 : i32
    %scan3A_117 = arith.constant 1 : i32
    %scan3A_118 = scf.for %scan3A_194 = %scan3A_114 to %scan3A_116 step %scan3A_117 iter_args(%scan3A_195 = %scan3A_113) -> (i32)  : i32 {
      %broadcast_in_dim3A_196 = arith.constant 0 : i32
      %broadcast_in_dim3A_197 = vector.broadcast %broadcast_in_dim3A_196 : i32 to vector<16xi32>
      %mul3A_198 = arith.constant 16 : i32
      %mul3A_199 = arith.muli %scan3A_194, %mul3A_198 : i32
      %swap3A = arith.index_cast %mul3A_199 : i32 to index
      %swap3A_200 = tpu.vector_load %arg5[%swap3A] {strides = array<i32>} : memref<4096xi32, #tpu.memory_space<vmem>>, vector<16xi32>,
      tpu.vector_store %arg5[%swap3A], %broadcast_in_dim3A_197 {strides = array<i32>} : memref<4096xi32, #tpu.memory_space<vmem>>, vector<16xi32>,
      %scan3A_201 = arith.constant 0 : i32
      scf.yield %scan3A_201 : i32
    }
    %scan3A_119 = arith.constant 256 : i32
    %broadcast_in_dim3A_120 = vector.broadcast %or3A_111 : i32 to vector<16xi32>
    %scan3A_121 = arith.constant 0 : i32
    %scan3A_122 = arith.constant 0 : i32
    %scan3A_123 = arith.constant 4096 : i32
    %scan3A_124 = arith.addi %scan3A_122, %scan3A_123 : i32
    %scan3A_125 = arith.constant 1 : i32
    %scan3A_126 = scf.for %scan3A_194 = %scan3A_122 to %scan3A_124 step %scan3A_125 iter_args(%scan3A_195 = %scan3A_121) -> (i32)  : i32 {
      %mul3A_196 = arith.constant 16 : i32
      %mul3A_197 = arith.muli %scan3A_194, %mul3A_196 : i32
      %get3A = arith.index_cast %mul3A_197 : i32 to index
      %get3A_198 = tpu.vector_load %arg4[%get3A] {strides = array<i32>} : memref<65536xi32, #tpu.memory_space<vmem>>, vector<16xi32>,
      %and3A_199 = arith.constant 2147483647 : i32
      %and3A_200 = vector.broadcast %and3A_199 : i32 to vector<16xi32>
      %and3A_201 = arith.andi %get3A_198, %and3A_200 : vector<16xi32>
      %shift_right_arithmetic3A = arith.constant 7 : i32
      %shift_right_arithmetic3A_202 = vector.broadcast %shift_right_arithmetic3A : i32 to vector<16xi32>
      %shift_right_arithmetic3A_203 = arith.shrsi %and3A_201, %shift_right_arithmetic3A_202 : vector<16xi32>
      %and3A_204 = arith.constant 255 : i32
      %and3A_205 = vector.broadcast %and3A_204 : i32 to vector<16xi32>
      %and3A_206 = arith.andi %shift_right_arithmetic3A_203, %and3A_205 : vector<16xi32>
      %mul3A_207 = arith.constant 16 : i32
      %mul3A_208 = vector.broadcast %mul3A_207 : i32 to vector<16xi32>
      %mul3A_209 = arith.muli %and3A_206, %mul3A_208 : vector<16xi32>
      %add3A_210 = arith.addi %mul3A_209, %iota3A : vector<16xi32>
      %shift_right_arithmetic3A_211 = arith.constant 15 : i32
      %shift_right_arithmetic3A_212 = vector.broadcast %shift_right_arithmetic3A_211 : i32 to vector<16xi32>
      %shift_right_arithmetic3A_213 = arith.shrsi %and3A_201, %shift_right_arithmetic3A_212 : vector<16xi32>
      %eq3A_214 = arith.cmpi eq, %shift_right_arithmetic3A_213, %broadcast_in_dim3A_120 : vector<16xi32>
      tpu.vector_store_idx %arg5[%add3A_210], %broadcast_in_dim3A_31 masked %eq3A_214 {add = true} : memref<4096xi32, #tpu.memory_space<vmem>>[vector<16xi32>], vector<16xi32>, vector<16xi1>
      %scan3A_215 = arith.constant 0 : i32
      scf.yield %scan3A_215 : i32
    }
    %scan3A_127 = arith.constant 4096 : i32
    "tpu.region"() ({
      %run_scoped3A = tpu.sem_alloc : memref<!tpu.dma_semaphore, #tpu.memory_space<semaphore_mem>>
      %dma_start3A = arith.constant 0 : i32
      %dma_start3A_194 = tpu.memref_slice %arg5[%dma_start3A] : memref<4096xi32, #tpu.memory_space<vmem>> -> memref<4096xi32, #tpu.memory_space<vmem>>
      %dma_start3A_195 = arith.constant 0 : i32
      %dma_start3A_196 = tpu.memref_slice %arg8[%select_n3A, %select_n3A_28, %dma_start3A_195] : memref<4x4x4096xi32, #tpu.memory_space<vmem_shared>> -> memref<1x1x4096xi32, #tpu.memory_space<vmem_shared>>
      %dma_start3A_197 = tpu.memref_squeeze %dma_start3A_196 : memref<1x1x4096xi32, #tpu.memory_space<vmem_shared>> -> memref<4096xi32, #tpu.memory_space<vmem_shared>>
      %dma_start3A_198 = arith.constant 0 : i32
      %dma_start3A_199 = tpu.memref_slice %arg8[%select_n3A, %select_n3A_28, %dma_start3A_198] : memref<4x4x4096xi32, #tpu.memory_space<vmem_shared>> -> memref<1x1x4096xi32, #tpu.memory_space<vmem_shared>>
      %dma_start3A_200 = tpu.memref_squeeze %dma_start3A_199 : memref<1x1x4096xi32, #tpu.memory_space<vmem_shared>> -> memref<4096xi32, #tpu.memory_space<vmem_shared>>
      %dma_start3A_201 = arith.constant 0 : i32
      %dma_start3A_202 = tpu.memref_slice %arg5[%dma_start3A_201] : memref<4096xi32, #tpu.memory_space<vmem>> -> memref<4096xi32, #tpu.memory_space<vmem>>
      tpu.enqueue_dma source(%dma_start3A_202 : memref<4096xi32, #tpu.memory_space<vmem>>) target(%dma_start3A_200 : memref<4096xi32, #tpu.memory_space<vmem_shared>>) target_semaphore(%run_scoped3A : memref<!tpu.dma_semaphore, #tpu.memory_space<semaphore_mem>>)
      %dma_wait3A = arith.constant 0 : i32
      %dma_wait3A_203 = tpu.memref_slice %arg5[%dma_wait3A] : memref<4096xi32, #tpu.memory_space<vmem>> -> memref<4096xi32, #tpu.memory_space<vmem>>
      %dma_wait3A_204 = arith.constant 0 : i32
      %dma_wait3A_205 = tpu.memref_slice %arg8[%select_n3A, %select_n3A_28, %dma_wait3A_204] : memref<4x4x4096xi32, #tpu.memory_space<vmem_shared>> -> memref<1x1x4096xi32, #tpu.memory_space<vmem_shared>>
      %dma_wait3A_206 = tpu.memref_squeeze %dma_wait3A_205 : memref<1x1x4096xi32, #tpu.memory_space<vmem_shared>> -> memref<4096xi32, #tpu.memory_space<vmem_shared>>
      %dma_wait3A_207 = arith.constant 0 : i32
      %dma_wait3A_208 = tpu.memref_slice %arg8[%select_n3A, %select_n3A_28, %dma_wait3A_207] : memref<4x4x4096xi32, #tpu.memory_space<vmem_shared>> -> memref<1x1x4096xi32, #tpu.memory_space<vmem_shared>>
      %dma_wait3A_209 = tpu.memref_squeeze %dma_wait3A_208 : memref<1x1x4096xi32, #tpu.memory_space<vmem_shared>> -> memref<4096xi32, #tpu.memory_space<vmem_shared>>
      %dma_wait3A_210 = arith.constant 0 : i32
      %dma_wait3A_211 = tpu.memref_slice %arg5[%dma_wait3A_210] : memref<4096xi32, #tpu.memory_space<vmem>> -> memref<4096xi32, #tpu.memory_space<vmem>>
      tpu.wait_dma2 semaphore(%run_scoped3A : memref<!tpu.dma_semaphore, #tpu.memory_space<semaphore_mem>>) src(%dma_wait3A_211 : memref<4096xi32, #tpu.memory_space<vmem>>) dst(%dma_wait3A_209 : memref<4096xi32, #tpu.memory_space<vmem_shared>>)
      tpu.yield
    }) : () -> ()
    %barrier3A_128 = arith.constant 0 : index
    tpu.barrier barrier_id(%barrier3A_128)
    "tpu.region"() ({
      %run_scoped3A = tpu.sem_alloc : memref<!tpu.dma_semaphore, #tpu.memory_space<semaphore_mem>>
      %dma_start3A = arith.constant 0 : i32
      %dma_start3A_194 = arith.constant 0 : i32
      %dma_start3A_195 = tpu.memref_slice %arg8[%select_n3A, %dma_start3A, %dma_start3A_194] : memref<4x4x4096xi32, #tpu.memory_space<vmem_shared>> -> memref<1x4x4096xi32, #tpu.memory_space<vmem_shared>>
      %dma_start3A_196 = tpu.memref_squeeze %dma_start3A_195 : memref<1x4x4096xi32, #tpu.memory_space<vmem_shared>> -> memref<4x4096xi32, #tpu.memory_space<vmem_shared>>
      %dma_start3A_197 = arith.constant 0 : i32
      %dma_start3A_198 = arith.constant 0 : i32
      %dma_start3A_199 = tpu.memref_slice %arg8[%select_n3A, %dma_start3A_197, %dma_start3A_198] : memref<4x4x4096xi32, #tpu.memory_space<vmem_shared>> -> memref<1x4x4096xi32, #tpu.memory_space<vmem_shared>>
      %dma_start3A_200 = tpu.memref_squeeze %dma_start3A_199 : memref<1x4x4096xi32, #tpu.memory_space<vmem_shared>> -> memref<4x4096xi32, #tpu.memory_space<vmem_shared>>
      tpu.enqueue_dma source(%dma_start3A_200 : memref<4x4096xi32, #tpu.memory_space<vmem_shared>>) target(%arg6 : memref<4x4096xi32, #tpu.memory_space<vmem>>) target_semaphore(%run_scoped3A : memref<!tpu.dma_semaphore, #tpu.memory_space<semaphore_mem>>)
      %dma_wait3A = arith.constant 0 : i32
      %dma_wait3A_201 = arith.constant 0 : i32
      %dma_wait3A_202 = tpu.memref_slice %arg8[%select_n3A, %dma_wait3A, %dma_wait3A_201] : memref<4x4x4096xi32, #tpu.memory_space<vmem_shared>> -> memref<1x4x4096xi32, #tpu.memory_space<vmem_shared>>
      %dma_wait3A_203 = tpu.memref_squeeze %dma_wait3A_202 : memref<1x4x4096xi32, #tpu.memory_space<vmem_shared>> -> memref<4x4096xi32, #tpu.memory_space<vmem_shared>>
      %dma_wait3A_204 = arith.constant 0 : i32
      %dma_wait3A_205 = arith.constant 0 : i32
      %dma_wait3A_206 = tpu.memref_slice %arg8[%select_n3A, %dma_wait3A_204, %dma_wait3A_205] : memref<4x4x4096xi32, #tpu.memory_space<vmem_shared>> -> memref<1x4x4096xi32, #tpu.memory_space<vmem_shared>>
      %dma_wait3A_207 = tpu.memref_squeeze %dma_wait3A_206 : memref<1x4x4096xi32, #tpu.memory_space<vmem_shared>> -> memref<4x4096xi32, #tpu.memory_space<vmem_shared>>
      tpu.wait_dma2 semaphore(%run_scoped3A : memref<!tpu.dma_semaphore, #tpu.memory_space<semaphore_mem>>) src(%dma_wait3A_207 : memref<4x4096xi32, #tpu.memory_space<vmem_shared>>) dst(%arg6 : memref<4x4096xi32, #tpu.memory_space<vmem>>)
      tpu.yield
    }) : () -> ()
    %barrier3A_129 = arith.constant 0 : index
    tpu.barrier barrier_id(%barrier3A_129)
    %scan3A_130 = arith.constant 0 : i32
    %scan3A_131 = arith.constant 0 : i32
    %scan3A_132 = arith.constant 0 : i32
    %scan3A_133 = arith.constant 0 : i32
    %scan3A_134 = arith.constant 0 : i32
    %scan3A_135 = arith.constant 16 : i32
    %scan3A_136 = arith.addi %scan3A_134, %scan3A_135 : i32
    %scan3A_137 = arith.constant 1 : i32
    %scan3A_138:4 = scf.for %scan3A_194 = %scan3A_134 to %scan3A_136 step %scan3A_137 iter_args(%scan3A_195 = %scan3A_130, %scan3A_196 = %scan3A_131, %scan3A_197 = %scan3A_132, %scan3A_198 = %scan3A_133) -> (i32, i32, i32, i32)  : i32 {
      %sub3A_199 = arith.constant 15 : i32
      %sub3A_200 = arith.subi %sub3A_199, %scan3A_194 : i32
      %broadcast_in_dim3A_201 = arith.constant 0 : i32
      %broadcast_in_dim3A_202 = vector.broadcast %broadcast_in_dim3A_201 : i32 to vector<16xi32>
      %scan3A_203 = arith.constant 0 : i32
      %scan3A_204 = arith.constant 4 : i32
      %scan3A_205 = arith.addi %scan3A_203, %scan3A_204 : i32
      %scan3A_206 = arith.constant 1 : i32
      %scan3A_207 = scf.for %scan3A_223 = %scan3A_203 to %scan3A_205 step %scan3A_206 iter_args(%scan3A_224 = %broadcast_in_dim3A_202) -> (vector<16xi32>)  : i32 {
        %scan3A_225 = arith.constant 0 : i32
        %scan3A_226 = arith.constant 16 : i32
        %scan3A_227 = arith.addi %scan3A_225, %scan3A_226 : i32
        %scan3A_228 = arith.constant 1 : i32
        %scan3A_229 = scf.for %scan3A_231 = %scan3A_225 to %scan3A_227 step %scan3A_228 iter_args(%scan3A_232 = %scan3A_224) -> (vector<16xi32>)  : i32 {
          %mul3A_233 = arith.constant 256 : i32
          %mul3A_234 = arith.muli %sub3A_200, %mul3A_233 : i32
          %mul3A_235 = arith.constant 16 : i32
          %mul3A_236 = arith.muli %scan3A_231, %mul3A_235 : i32
          %add3A_237 = arith.addi %mul3A_234, %mul3A_236 : i32
          %get3A = arith.index_cast %scan3A_223 : i32 to index
          %get3A_238 = arith.index_cast %add3A_237 : i32 to index
          %get3A_239 = tpu.vector_load %arg6[%get3A, %get3A_238] {strides = array<i32>} : memref<4x4096xi32, #tpu.memory_space<vmem>>, vector<16xi32>,
          %add3A_240 = arith.addi %scan3A_232, %get3A_239 : vector<16xi32>
          scf.yield %add3A_240 : vector<16xi32>
        }
        %scan3A_230 = arith.constant 16 : i32
        scf.yield %scan3A_229 : vector<16xi32>
      }
      %scan3A_208 = arith.constant 4 : i32
      %reduce_sum3A = arith.constant true
      %reduce_sum3A_209 = vector.broadcast %reduce_sum3A : i1 to vector<16xi1>
      %reduce_sum3A_210 = tpu.scan <sum>, %scan3A_207 masked %reduce_sum3A_209 : vector<16xi32>, vector<16xi1> -> vector<16xi32>
      %reduce_sum3A_211 = vector.extract %reduce_sum3A_210[15] : i32 from vector<16xi32>
      %eq3A_212 = arith.constant 0 : i32
      %eq3A_213 = arith.cmpi eq, %scan3A_196, %eq3A_212 : i32
      %add3A_214 = arith.addi %scan3A_195, %reduce_sum3A_211 : i32
      %add3A_215 = arith.constant 1 : i32
      %add3A_216 = arith.addi %sub3A_112, %add3A_215 : i32
      %ge3A = arith.cmpi sge, %add3A_214, %add3A_216 : i32
      %and3A_217 = arith.andi %eq3A_213, %ge3A : i1
      %select_n3A_218 = arith.select %and3A_217, %sub3A_200, %scan3A_197 : i32
      %select_n3A_219 = arith.select %and3A_217, %scan3A_195, %scan3A_198 : i32
      %jit3A_220 = arith.constant 1 : i32
      %select_n3A_221 = arith.select %and3A_217, %jit3A_220, %scan3A_196 : i32
      %add3A_222 = arith.addi %scan3A_195, %reduce_sum3A_211 : i32
      scf.yield %add3A_222, %select_n3A_221, %select_n3A_218, %select_n3A_219 : i32, i32, i32, i32
    }
    %scan3A_139 = arith.constant 16 : i32
    %scan3A_140 = arith.constant 0 : i32
    %scan3A_141 = arith.constant 0 : i32
    %scan3A_142 = arith.constant 0 : i32
    %scan3A_143 = arith.constant 16 : i32
    %scan3A_144 = arith.addi %scan3A_142, %scan3A_143 : i32
    %scan3A_145 = arith.constant 1 : i32
    %scan3A_146:4 = scf.for %scan3A_194 = %scan3A_142 to %scan3A_144 step %scan3A_145 iter_args(%scan3A_195 = %scan3A_138#3, %scan3A_196 = %scan3A_140, %scan3A_197 = %scan3A_141, %scan3A_198 = %scan3A_138#3) -> (i32, i32, i32, i32)  : i32 {
      %mul3A_199 = arith.constant 16 : i32
      %mul3A_200 = arith.muli %scan3A_138#2, %mul3A_199 : i32
      %sub3A_201 = arith.constant 15 : i32
      %sub3A_202 = arith.subi %sub3A_201, %scan3A_194 : i32
      %add3A_203 = arith.addi %mul3A_200, %sub3A_202 : i32
      %broadcast_in_dim3A_204 = arith.constant 0 : i32
      %broadcast_in_dim3A_205 = vector.broadcast %broadcast_in_dim3A_204 : i32 to vector<16xi32>
      %scan3A_206 = arith.constant 0 : i32
      %scan3A_207 = arith.constant 4 : i32
      %scan3A_208 = arith.addi %scan3A_206, %scan3A_207 : i32
      %scan3A_209 = arith.constant 1 : i32
      %scan3A_210 = scf.for %scan3A_226 = %scan3A_206 to %scan3A_208 step %scan3A_209 iter_args(%scan3A_227 = %broadcast_in_dim3A_205) -> (vector<16xi32>)  : i32 {
        %mul3A_228 = arith.constant 16 : i32
        %mul3A_229 = arith.muli %add3A_203, %mul3A_228 : i32
        %get3A = arith.index_cast %scan3A_226 : i32 to index
        %get3A_230 = arith.index_cast %mul3A_229 : i32 to index
        %get3A_231 = tpu.vector_load %arg6[%get3A, %get3A_230] {strides = array<i32>} : memref<4x4096xi32, #tpu.memory_space<vmem>>, vector<16xi32>,
        %add3A_232 = arith.addi %scan3A_227, %get3A_231 : vector<16xi32>
        scf.yield %add3A_232 : vector<16xi32>
      }
      %scan3A_211 = arith.constant 4 : i32
      %reduce_sum3A = arith.constant true
      %reduce_sum3A_212 = vector.broadcast %reduce_sum3A : i1 to vector<16xi1>
      %reduce_sum3A_213 = tpu.scan <sum>, %scan3A_210 masked %reduce_sum3A_212 : vector<16xi32>, vector<16xi1> -> vector<16xi32>
      %reduce_sum3A_214 = vector.extract %reduce_sum3A_213[15] : i32 from vector<16xi32>
      %eq3A_215 = arith.constant 0 : i32
      %eq3A_216 = arith.cmpi eq, %scan3A_196, %eq3A_215 : i32
      %add3A_217 = arith.addi %scan3A_195, %reduce_sum3A_214 : i32
      %add3A_218 = arith.constant 1 : i32
      %add3A_219 = arith.addi %sub3A_112, %add3A_218 : i32
      %ge3A = arith.cmpi sge, %add3A_217, %add3A_219 : i32
      %and3A_220 = arith.andi %eq3A_216, %ge3A : i1
      %select_n3A_221 = arith.select %and3A_220, %add3A_203, %scan3A_197 : i32
      %select_n3A_222 = arith.select %and3A_220, %scan3A_195, %scan3A_198 : i32
      %jit3A_223 = arith.constant 1 : i32
      %select_n3A_224 = arith.select %and3A_220, %jit3A_223, %scan3A_196 : i32
      %add3A_225 = arith.addi %scan3A_195, %reduce_sum3A_214 : i32
      scf.yield %add3A_225, %select_n3A_224, %select_n3A_221, %select_n3A_222 : i32, i32, i32, i32
    }
    %scan3A_147 = arith.constant 16 : i32
    %shift_left3A_148 = arith.constant 8 : i32
    %shift_left3A_149 = arith.shli %or3A_111, %shift_left3A_148 : i32
    %or3A_150 = arith.ori %shift_left3A_149, %scan3A_146#2 : i32
    %sub3A_151 = arith.subi %sub3A_112, %scan3A_146#3 : i32
    %scan3A_152 = arith.constant 0 : i32
    %scan3A_153 = arith.constant 0 : i32
    %scan3A_154 = arith.constant 128 : i32
    %scan3A_155 = arith.addi %scan3A_153, %scan3A_154 : i32
    %scan3A_156 = arith.constant 1 : i32
    %scan3A_157 = scf.for %scan3A_194 = %scan3A_153 to %scan3A_155 step %scan3A_156 iter_args(%scan3A_195 = %scan3A_152) -> (i32)  : i32 {
      %broadcast_in_dim3A_196 = arith.constant 0 : i32
      %broadcast_in_dim3A_197 = vector.broadcast %broadcast_in_dim3A_196 : i32 to vector<16xi32>
      %mul3A_198 = arith.constant 16 : i32
      %mul3A_199 = arith.muli %scan3A_194, %mul3A_198 : i32
      %swap3A = arith.index_cast %mul3A_199 : i32 to index
      %swap3A_200 = tpu.vector_load %arg5[%swap3A] {strides = array<i32>} : memref<4096xi32, #tpu.memory_space<vmem>>, vector<16xi32>,
      tpu.vector_store %arg5[%swap3A], %broadcast_in_dim3A_197 {strides = array<i32>} : memref<4096xi32, #tpu.memory_space<vmem>>, vector<16xi32>,
      %scan3A_201 = arith.constant 0 : i32
      scf.yield %scan3A_201 : i32
    }
    %scan3A_158 = arith.constant 128 : i32
    %broadcast_in_dim3A_159 = vector.broadcast %or3A_150 : i32 to vector<16xi32>
    %scan3A_160 = arith.constant 0 : i32
    %scan3A_161 = arith.constant 0 : i32
    %scan3A_162 = arith.constant 4096 : i32
    %scan3A_163 = arith.addi %scan3A_161, %scan3A_162 : i32
    %scan3A_164 = arith.constant 1 : i32
    %scan3A_165 = scf.for %scan3A_194 = %scan3A_161 to %scan3A_163 step %scan3A_164 iter_args(%scan3A_195 = %scan3A_160) -> (i32)  : i32 {
      %mul3A_196 = arith.constant 16 : i32
      %mul3A_197 = arith.muli %scan3A_194, %mul3A_196 : i32
      %get3A = arith.index_cast %mul3A_197 : i32 to index
      %get3A_198 = tpu.vector_load %arg4[%get3A] {strides = array<i32>} : memref<65536xi32, #tpu.memory_space<vmem>>, vector<16xi32>,
      %and3A_199 = arith.constant 2147483647 : i32
      %and3A_200 = vector.broadcast %and3A_199 : i32 to vector<16xi32>
      %and3A_201 = arith.andi %get3A_198, %and3A_200 : vector<16xi32>
      %shift_right_arithmetic3A = arith.constant 0 : i32
      %shift_right_arithmetic3A_202 = vector.broadcast %shift_right_arithmetic3A : i32 to vector<16xi32>
      %shift_right_arithmetic3A_203 = arith.shrsi %and3A_201, %shift_right_arithmetic3A_202 : vector<16xi32>
      %and3A_204 = arith.constant 127 : i32
      %and3A_205 = vector.broadcast %and3A_204 : i32 to vector<16xi32>
      %and3A_206 = arith.andi %shift_right_arithmetic3A_203, %and3A_205 : vector<16xi32>
      %mul3A_207 = arith.constant 16 : i32
      %mul3A_208 = vector.broadcast %mul3A_207 : i32 to vector<16xi32>
      %mul3A_209 = arith.muli %and3A_206, %mul3A_208 : vector<16xi32>
      %add3A_210 = arith.addi %mul3A_209, %iota3A : vector<16xi32>
      %shift_right_arithmetic3A_211 = arith.constant 7 : i32
      %shift_right_arithmetic3A_212 = vector.broadcast %shift_right_arithmetic3A_211 : i32 to vector<16xi32>
      %shift_right_arithmetic3A_213 = arith.shrsi %and3A_201, %shift_right_arithmetic3A_212 : vector<16xi32>
      %eq3A_214 = arith.cmpi eq, %shift_right_arithmetic3A_213, %broadcast_in_dim3A_159 : vector<16xi32>
      tpu.vector_store_idx %arg5[%add3A_210], %broadcast_in_dim3A_31 masked %eq3A_214 {add = true} : memref<4096xi32, #tpu.memory_space<vmem>>[vector<16xi32>], vector<16xi32>, vector<16xi1>
      %scan3A_215 = arith.constant 0 : i32
      scf.yield %scan3A_215 : i32
    }
    %scan3A_166 = arith.constant 4096 : i32
    "tpu.region"() ({
      %run_scoped3A = tpu.sem_alloc : memref<!tpu.dma_semaphore, #tpu.memory_space<semaphore_mem>>
      %dma_start3A = arith.constant 0 : i32
      %dma_start3A_194 = tpu.memref_slice %arg5[%dma_start3A] : memref<4096xi32, #tpu.memory_space<vmem>> -> memref<2048xi32, #tpu.memory_space<vmem>>
      %dma_start3A_195 = arith.constant 0 : i32
      %dma_start3A_196 = tpu.memref_slice %arg8[%select_n3A, %select_n3A_28, %dma_start3A_195] : memref<4x4x4096xi32, #tpu.memory_space<vmem_shared>> -> memref<1x1x2048xi32, #tpu.memory_space<vmem_shared>>
      %dma_start3A_197 = tpu.memref_squeeze %dma_start3A_196 : memref<1x1x2048xi32, #tpu.memory_space<vmem_shared>> -> memref<2048xi32, #tpu.memory_space<vmem_shared>>
      %dma_start3A_198 = arith.constant 0 : i32
      %dma_start3A_199 = tpu.memref_slice %arg8[%select_n3A, %select_n3A_28, %dma_start3A_198] : memref<4x4x4096xi32, #tpu.memory_space<vmem_shared>> -> memref<1x1x2048xi32, #tpu.memory_space<vmem_shared>>
      %dma_start3A_200 = tpu.memref_squeeze %dma_start3A_199 : memref<1x1x2048xi32, #tpu.memory_space<vmem_shared>> -> memref<2048xi32, #tpu.memory_space<vmem_shared>>
      %dma_start3A_201 = arith.constant 0 : i32
      %dma_start3A_202 = tpu.memref_slice %arg5[%dma_start3A_201] : memref<4096xi32, #tpu.memory_space<vmem>> -> memref<2048xi32, #tpu.memory_space<vmem>>
      tpu.enqueue_dma source(%dma_start3A_202 : memref<2048xi32, #tpu.memory_space<vmem>>) target(%dma_start3A_200 : memref<2048xi32, #tpu.memory_space<vmem_shared>>) target_semaphore(%run_scoped3A : memref<!tpu.dma_semaphore, #tpu.memory_space<semaphore_mem>>)
      %dma_wait3A = arith.constant 0 : i32
      %dma_wait3A_203 = tpu.memref_slice %arg5[%dma_wait3A] : memref<4096xi32, #tpu.memory_space<vmem>> -> memref<2048xi32, #tpu.memory_space<vmem>>
      %dma_wait3A_204 = arith.constant 0 : i32
      %dma_wait3A_205 = tpu.memref_slice %arg8[%select_n3A, %select_n3A_28, %dma_wait3A_204] : memref<4x4x4096xi32, #tpu.memory_space<vmem_shared>> -> memref<1x1x2048xi32, #tpu.memory_space<vmem_shared>>
      %dma_wait3A_206 = tpu.memref_squeeze %dma_wait3A_205 : memref<1x1x2048xi32, #tpu.memory_space<vmem_shared>> -> memref<2048xi32, #tpu.memory_space<vmem_shared>>
      %dma_wait3A_207 = arith.constant 0 : i32
      %dma_wait3A_208 = tpu.memref_slice %arg8[%select_n3A, %select_n3A_28, %dma_wait3A_207] : memref<4x4x4096xi32, #tpu.memory_space<vmem_shared>> -> memref<1x1x2048xi32, #tpu.memory_space<vmem_shared>>
      %dma_wait3A_209 = tpu.memref_squeeze %dma_wait3A_208 : memref<1x1x2048xi32, #tpu.memory_space<vmem_shared>> -> memref<2048xi32, #tpu.memory_space<vmem_shared>>
      %dma_wait3A_210 = arith.constant 0 : i32
      %dma_wait3A_211 = tpu.memref_slice %arg5[%dma_wait3A_210] : memref<4096xi32, #tpu.memory_space<vmem>> -> memref<2048xi32, #tpu.memory_space<vmem>>
      tpu.wait_dma2 semaphore(%run_scoped3A : memref<!tpu.dma_semaphore, #tpu.memory_space<semaphore_mem>>) src(%dma_wait3A_211 : memref<2048xi32, #tpu.memory_space<vmem>>) dst(%dma_wait3A_209 : memref<2048xi32, #tpu.memory_space<vmem_shared>>)
      tpu.yield
    }) : () -> ()
    %barrier3A_167 = arith.constant 0 : index
    tpu.barrier barrier_id(%barrier3A_167)
    "tpu.region"() ({
      %run_scoped3A = tpu.sem_alloc : memref<!tpu.dma_semaphore, #tpu.memory_space<semaphore_mem>>
      %dma_start3A = arith.constant 0 : i32
      %dma_start3A_194 = arith.constant 0 : i32
      %dma_start3A_195 = tpu.memref_slice %arg8[%select_n3A, %dma_start3A, %dma_start3A_194] : memref<4x4x4096xi32, #tpu.memory_space<vmem_shared>> -> memref<1x4x4096xi32, #tpu.memory_space<vmem_shared>>
      %dma_start3A_196 = tpu.memref_squeeze %dma_start3A_195 : memref<1x4x4096xi32, #tpu.memory_space<vmem_shared>> -> memref<4x4096xi32, #tpu.memory_space<vmem_shared>>
      %dma_start3A_197 = arith.constant 0 : i32
      %dma_start3A_198 = arith.constant 0 : i32
      %dma_start3A_199 = tpu.memref_slice %arg8[%select_n3A, %dma_start3A_197, %dma_start3A_198] : memref<4x4x4096xi32, #tpu.memory_space<vmem_shared>> -> memref<1x4x4096xi32, #tpu.memory_space<vmem_shared>>
      %dma_start3A_200 = tpu.memref_squeeze %dma_start3A_199 : memref<1x4x4096xi32, #tpu.memory_space<vmem_shared>> -> memref<4x4096xi32, #tpu.memory_space<vmem_shared>>
      tpu.enqueue_dma source(%dma_start3A_200 : memref<4x4096xi32, #tpu.memory_space<vmem_shared>>) target(%arg6 : memref<4x4096xi32, #tpu.memory_space<vmem>>) target_semaphore(%run_scoped3A : memref<!tpu.dma_semaphore, #tpu.memory_space<semaphore_mem>>)
      %dma_wait3A = arith.constant 0 : i32
      %dma_wait3A_201 = arith.constant 0 : i32
      %dma_wait3A_202 = tpu.memref_slice %arg8[%select_n3A, %dma_wait3A, %dma_wait3A_201] : memref<4x4x4096xi32, #tpu.memory_space<vmem_shared>> -> memref<1x4x4096xi32, #tpu.memory_space<vmem_shared>>
      %dma_wait3A_203 = tpu.memref_squeeze %dma_wait3A_202 : memref<1x4x4096xi32, #tpu.memory_space<vmem_shared>> -> memref<4x4096xi32, #tpu.memory_space<vmem_shared>>
      %dma_wait3A_204 = arith.constant 0 : i32
      %dma_wait3A_205 = arith.constant 0 : i32
      %dma_wait3A_206 = tpu.memref_slice %arg8[%select_n3A, %dma_wait3A_204, %dma_wait3A_205] : memref<4x4x4096xi32, #tpu.memory_space<vmem_shared>> -> memref<1x4x4096xi32, #tpu.memory_space<vmem_shared>>
      %dma_wait3A_207 = tpu.memref_squeeze %dma_wait3A_206 : memref<1x4x4096xi32, #tpu.memory_space<vmem_shared>> -> memref<4x4096xi32, #tpu.memory_space<vmem_shared>>
      tpu.wait_dma2 semaphore(%run_scoped3A : memref<!tpu.dma_semaphore, #tpu.memory_space<semaphore_mem>>) src(%dma_wait3A_207 : memref<4x4096xi32, #tpu.memory_space<vmem_shared>>) dst(%arg6 : memref<4x4096xi32, #tpu.memory_space<vmem>>)
      tpu.yield
    }) : () -> ()
    %barrier3A_168 = arith.constant 0 : index
    tpu.barrier barrier_id(%barrier3A_168)
    %scan3A_169 = arith.constant 0 : i32
    %scan3A_170 = arith.constant 0 : i32
    %scan3A_171 = arith.constant 0 : i32
    %scan3A_172 = arith.constant 0 : i32
    %scan3A_173 = arith.constant 0 : i32
    %scan3A_174 = arith.constant 8 : i32
    %scan3A_175 = arith.addi %scan3A_173, %scan3A_174 : i32
    %scan3A_176 = arith.constant 1 : i32
    %scan3A_177:4 = scf.for %scan3A_194 = %scan3A_173 to %scan3A_175 step %scan3A_176 iter_args(%scan3A_195 = %scan3A_169, %scan3A_196 = %scan3A_170, %scan3A_197 = %scan3A_171, %scan3A_198 = %scan3A_172) -> (i32, i32, i32, i32)  : i32 {
      %sub3A_199 = arith.constant 7 : i32
      %sub3A_200 = arith.subi %sub3A_199, %scan3A_194 : i32
      %broadcast_in_dim3A_201 = arith.constant 0 : i32
      %broadcast_in_dim3A_202 = vector.broadcast %broadcast_in_dim3A_201 : i32 to vector<16xi32>
      %scan3A_203 = arith.constant 0 : i32
      %scan3A_204 = arith.constant 4 : i32
      %scan3A_205 = arith.addi %scan3A_203, %scan3A_204 : i32
      %scan3A_206 = arith.constant 1 : i32
      %scan3A_207 = scf.for %scan3A_223 = %scan3A_203 to %scan3A_205 step %scan3A_206 iter_args(%scan3A_224 = %broadcast_in_dim3A_202) -> (vector<16xi32>)  : i32 {
        %scan3A_225 = arith.constant 0 : i32
        %scan3A_226 = arith.constant 16 : i32
        %scan3A_227 = arith.addi %scan3A_225, %scan3A_226 : i32
        %scan3A_228 = arith.constant 1 : i32
        %scan3A_229 = scf.for %scan3A_231 = %scan3A_225 to %scan3A_227 step %scan3A_228 iter_args(%scan3A_232 = %scan3A_224) -> (vector<16xi32>)  : i32 {
          %mul3A_233 = arith.constant 256 : i32
          %mul3A_234 = arith.muli %sub3A_200, %mul3A_233 : i32
          %mul3A_235 = arith.constant 16 : i32
          %mul3A_236 = arith.muli %scan3A_231, %mul3A_235 : i32
          %add3A_237 = arith.addi %mul3A_234, %mul3A_236 : i32
          %get3A = arith.index_cast %scan3A_223 : i32 to index
          %get3A_238 = arith.index_cast %add3A_237 : i32 to index
          %get3A_239 = tpu.vector_load %arg6[%get3A, %get3A_238] {strides = array<i32>} : memref<4x4096xi32, #tpu.memory_space<vmem>>, vector<16xi32>,
          %add3A_240 = arith.addi %scan3A_232, %get3A_239 : vector<16xi32>
          scf.yield %add3A_240 : vector<16xi32>
        }
        %scan3A_230 = arith.constant 16 : i32
        scf.yield %scan3A_229 : vector<16xi32>
      }
      %scan3A_208 = arith.constant 4 : i32
      %reduce_sum3A = arith.constant true
      %reduce_sum3A_209 = vector.broadcast %reduce_sum3A : i1 to vector<16xi1>
      %reduce_sum3A_210 = tpu.scan <sum>, %scan3A_207 masked %reduce_sum3A_209 : vector<16xi32>, vector<16xi1> -> vector<16xi32>
      %reduce_sum3A_211 = vector.extract %reduce_sum3A_210[15] : i32 from vector<16xi32>
      %eq3A_212 = arith.constant 0 : i32
      %eq3A_213 = arith.cmpi eq, %scan3A_196, %eq3A_212 : i32
      %add3A_214 = arith.addi %scan3A_195, %reduce_sum3A_211 : i32
      %add3A_215 = arith.constant 1 : i32
      %add3A_216 = arith.addi %sub3A_151, %add3A_215 : i32
      %ge3A = arith.cmpi sge, %add3A_214, %add3A_216 : i32
      %and3A_217 = arith.andi %eq3A_213, %ge3A : i1
      %select_n3A_218 = arith.select %and3A_217, %sub3A_200, %scan3A_197 : i32
      %select_n3A_219 = arith.select %and3A_217, %scan3A_195, %scan3A_198 : i32
      %jit3A_220 = arith.constant 1 : i32
      %select_n3A_221 = arith.select %and3A_217, %jit3A_220, %scan3A_196 : i32
      %add3A_222 = arith.addi %scan3A_195, %reduce_sum3A_211 : i32
      scf.yield %add3A_222, %select_n3A_221, %select_n3A_218, %select_n3A_219 : i32, i32, i32, i32
    }
    %scan3A_178 = arith.constant 8 : i32
    %scan3A_179 = arith.constant 0 : i32
    %scan3A_180 = arith.constant 0 : i32
    %scan3A_181 = arith.constant 0 : i32
    %scan3A_182 = arith.constant 16 : i32
    %scan3A_183 = arith.addi %scan3A_181, %scan3A_182 : i32
    %scan3A_184 = arith.constant 1 : i32
    %scan3A_185:4 = scf.for %scan3A_194 = %scan3A_181 to %scan3A_183 step %scan3A_184 iter_args(%scan3A_195 = %scan3A_177#3, %scan3A_196 = %scan3A_179, %scan3A_197 = %scan3A_180, %scan3A_198 = %scan3A_177#3) -> (i32, i32, i32, i32)  : i32 {
      %mul3A_199 = arith.constant 16 : i32
      %mul3A_200 = arith.muli %scan3A_177#2, %mul3A_199 : i32
      %sub3A_201 = arith.constant 15 : i32
      %sub3A_202 = arith.subi %sub3A_201, %scan3A_194 : i32
      %add3A_203 = arith.addi %mul3A_200, %sub3A_202 : i32
      %broadcast_in_dim3A_204 = arith.constant 0 : i32
      %broadcast_in_dim3A_205 = vector.broadcast %broadcast_in_dim3A_204 : i32 to vector<16xi32>
      %scan3A_206 = arith.constant 0 : i32
      %scan3A_207 = arith.constant 4 : i32
      %scan3A_208 = arith.addi %scan3A_206, %scan3A_207 : i32
      %scan3A_209 = arith.constant 1 : i32
      %scan3A_210 = scf.for %scan3A_226 = %scan3A_206 to %scan3A_208 step %scan3A_209 iter_args(%scan3A_227 = %broadcast_in_dim3A_205) -> (vector<16xi32>)  : i32 {
        %mul3A_228 = arith.constant 16 : i32
        %mul3A_229 = arith.muli %add3A_203, %mul3A_228 : i32
        %get3A = arith.index_cast %scan3A_226 : i32 to index
        %get3A_230 = arith.index_cast %mul3A_229 : i32 to index
        %get3A_231 = tpu.vector_load %arg6[%get3A, %get3A_230] {strides = array<i32>} : memref<4x4096xi32, #tpu.memory_space<vmem>>, vector<16xi32>,
        %add3A_232 = arith.addi %scan3A_227, %get3A_231 : vector<16xi32>
        scf.yield %add3A_232 : vector<16xi32>
      }
      %scan3A_211 = arith.constant 4 : i32
      %reduce_sum3A = arith.constant true
      %reduce_sum3A_212 = vector.broadcast %reduce_sum3A : i1 to vector<16xi1>
      %reduce_sum3A_213 = tpu.scan <sum>, %scan3A_210 masked %reduce_sum3A_212 : vector<16xi32>, vector<16xi1> -> vector<16xi32>
      %reduce_sum3A_214 = vector.extract %reduce_sum3A_213[15] : i32 from vector<16xi32>
      %eq3A_215 = arith.constant 0 : i32
      %eq3A_216 = arith.cmpi eq, %scan3A_196, %eq3A_215 : i32
      %add3A_217 = arith.addi %scan3A_195, %reduce_sum3A_214 : i32
      %add3A_218 = arith.constant 1 : i32
      %add3A_219 = arith.addi %sub3A_151, %add3A_218 : i32
      %ge3A = arith.cmpi sge, %add3A_217, %add3A_219 : i32
      %and3A_220 = arith.andi %eq3A_216, %ge3A : i1
      %select_n3A_221 = arith.select %and3A_220, %add3A_203, %scan3A_197 : i32
      %select_n3A_222 = arith.select %and3A_220, %scan3A_195, %scan3A_198 : i32
      %jit3A_223 = arith.constant 1 : i32
      %select_n3A_224 = arith.select %and3A_220, %jit3A_223, %scan3A_196 : i32
      %add3A_225 = arith.addi %scan3A_195, %reduce_sum3A_214 : i32
      scf.yield %add3A_225, %select_n3A_224, %select_n3A_221, %select_n3A_222 : i32, i32, i32, i32
    }
    %scan3A_186 = arith.constant 16 : i32
    %shift_left3A_187 = arith.constant 7 : i32
    %shift_left3A_188 = arith.shli %or3A_150, %shift_left3A_187 : i32
    %or3A_189 = arith.ori %shift_left3A_188, %scan3A_185#2 : i32
    %sub3A_190 = arith.subi %sub3A_151, %scan3A_185#3 : i32
    %eq3A_191 = arith.constant 0 : i32
    %eq3A_192 = arith.cmpi eq, %select_n3A_28, %eq3A_191 : i32
    %convert_element_type3A = arith.extui %eq3A_192 : i1 to i32
    %cond3A = arith.constant 0 : i32
    %cond3A_193 = arith.cmpi ne, %convert_element_type3A, %cond3A : i32
    scf.if %cond3A_193 {
      %broadcast_in_dim3A_194 = vector.broadcast %or3A_189 : i32 to vector<16xi32>
      %swap3A = arith.constant 0 : index
      %swap3A_195 = tpu.vector_load %arg7[%swap3A] {strides = array<i32>} : memref<16xi32, #tpu.memory_space<vmem>>, vector<16xi32>,
      tpu.vector_store %arg7[%swap3A], %broadcast_in_dim3A_194 {strides = array<i32>} : memref<16xi32, #tpu.memory_space<vmem>>, vector<16xi32>,
      "tpu.region"() ({
        %run_scoped3A = tpu.sem_alloc : memref<!tpu.dma_semaphore, #tpu.memory_space<semaphore_mem>>
        %dma_start3A = arith.constant 0 : i32
        %dma_start3A_196 = tpu.memref_slice %arg3[%add3A_30, %dma_start3A] : memref<8x16xi32, #tpu.memory_space<hbm>> -> memref<1x16xi32, #tpu.memory_space<hbm>>
        %dma_start3A_197 = tpu.memref_squeeze %dma_start3A_196 : memref<1x16xi32, #tpu.memory_space<hbm>> -> memref<16xi32, #tpu.memory_space<hbm>>
        %dma_start3A_198 = arith.constant 0 : i32
        %dma_start3A_199 = tpu.memref_slice %arg3[%add3A_30, %dma_start3A_198] : memref<8x16xi32, #tpu.memory_space<hbm>> -> memref<1x16xi32, #tpu.memory_space<hbm>>
        %dma_start3A_200 = tpu.memref_squeeze %dma_start3A_199 : memref<1x16xi32, #tpu.memory_space<hbm>> -> memref<16xi32, #tpu.memory_space<hbm>>
        tpu.enqueue_dma source(%arg7 : memref<16xi32, #tpu.memory_space<vmem>>) target(%dma_start3A_200 : memref<16xi32, #tpu.memory_space<hbm>>) target_semaphore(%run_scoped3A : memref<!tpu.dma_semaphore, #tpu.memory_space<semaphore_mem>>)
        %dma_wait3A = arith.constant 0 : i32
        %dma_wait3A_201 = tpu.memref_slice %arg3[%add3A_30, %dma_wait3A] : memref<8x16xi32, #tpu.memory_space<hbm>> -> memref<1x16xi32, #tpu.memory_space<hbm>>
        %dma_wait3A_202 = tpu.memref_squeeze %dma_wait3A_201 : memref<1x16xi32, #tpu.memory_space<hbm>> -> memref<16xi32, #tpu.memory_space<hbm>>
        %dma_wait3A_203 = arith.constant 0 : i32
        %dma_wait3A_204 = tpu.memref_slice %arg3[%add3A_30, %dma_wait3A_203] : memref<8x16xi32, #tpu.memory_space<hbm>> -> memref<1x16xi32, #tpu.memory_space<hbm>>
        %dma_wait3A_205 = tpu.memref_squeeze %dma_wait3A_204 : memref<1x16xi32, #tpu.memory_space<hbm>> -> memref<16xi32, #tpu.memory_space<hbm>>
        tpu.wait_dma2 semaphore(%run_scoped3A : memref<!tpu.dma_semaphore, #tpu.memory_space<semaphore_mem>>) src(%arg7 : memref<16xi32, #tpu.memory_space<vmem>>) dst(%dma_wait3A_205 : memref<16xi32, #tpu.memory_space<hbm>>)
        tpu.yield
      }) : () -> ()
    } else {
    }
    return
  }
}

module attributes {stable_mosaic.version = 14 : i64} {
  func.func @_sum_body(%arg0: i32, %arg1: memref<1x512x512xi32, #tpu.memory_space<vmem>>, %arg2: memref<8xi32, #tpu.memory_space<smem>>, %arg3: memref<1x1xf32, #tpu.memory_space<smem>>) attributes {dimension_semantics = [#tpu.dimension_semantics<arbitrary>], iteration_bounds = array<i64: 8>, scalar_prefetch = 0 : i64, scratch_operands = 0 : i64, tpu.core_type = #tpu.core_type<tc>, window_params = [{transform_indices = @transform_0, window_bounds = array<i64: 1, 512, 512>}, {transform_indices = @transform_1, window_bounds = array<i64: 8>}, {transform_indices = @transform_2, window_bounds = array<i64: 1, 1>}]} {
    %get3A = arith.constant 0 : index
    %get3A_0 = arith.constant 0 : index
    %get3A_1 = arith.constant 0 : index
    %get3A_2 = vector.load %arg1[%get3A, %get3A_0, %get3A_1] : memref<1x512x512xi32, #tpu.memory_space<vmem>>, vector<1x512x512xi32>
    %get3A_3 = vector.shape_cast %get3A_2 : vector<1x512x512xi32> to vector<512x512xi32>
    %and3A = arith.constant 2147483647 : i32
    %and3A_4 = vector.broadcast %and3A : i32 to vector<512x512xi32>
    %and3A_5 = arith.andi %get3A_3, %and3A_4 : vector<512x512xi32>
    %bitcast_convert_type3A = tpu.bitcast %and3A_5 : vector<512x512xi32> -> vector<512x512xf32>
    %get3A_6 = arith.index_cast %arg0 : i32 to index
    %get3A_7 = memref.load %arg2[%get3A_6] : memref<8xi32, #tpu.memory_space<smem>>
    %gt3A = vector.broadcast %get3A_7 : i32 to vector<512x512xi32>
    %gt3A_8 = arith.cmpi sgt, %and3A_5, %gt3A : vector<512x512xi32>
    %lt3A = arith.constant 0 : i32
    %lt3A_9 = vector.broadcast %lt3A : i32 to vector<512x512xi32>
    %lt3A_10 = arith.cmpi slt, %get3A_3, %lt3A_9 : vector<512x512xi32>
    %or3A = arith.ori %gt3A_8, %lt3A_10 : vector<512x512xi1>
    %jit3A = arith.constant 0.000000e+00 : f32
    %broadcast_in_dim3A = vector.broadcast %jit3A : f32 to vector<512x512xf32>
    %select_n3A = arith.select %or3A, %bitcast_convert_type3A, %broadcast_in_dim3A : vector<512x512xi1>, vector<512x512xf32>
    %reduce_sum3A = vector.shape_cast %select_n3A : vector<512x512xf32> to vector<1x512x512xf32>
    %reduce_sum3A_11 = arith.constant dense<0.000000e+00> : vector<1xf32>
    %reduce_sum3A_12 = vector.multi_reduction <add>, %reduce_sum3A, %reduce_sum3A_11 [1, 2] : vector<1x512x512xf32> to vector<1xf32>
    %reduce_sum3A_13 = vector.shape_cast %reduce_sum3A_12 : vector<1xf32> to vector<1x1x1xf32>
    %reduce_sum3A_14 = vector.extract %reduce_sum3A_13[0, 0, 0] : f32 from vector<1x1x1xf32>
    %eq3A = arith.constant 0 : i32
    %eq3A_15 = arith.cmpi eq, %arg0, %eq3A : i32
    %convert_element_type3A = arith.extui %eq3A_15 : i1 to i32
    %cond3A = arith.constant 0 : i32
    %cond3A_16 = arith.cmpi ne, %convert_element_type3A, %cond3A : i32
    scf.if %cond3A_16 {
      %swap3A_22 = arith.constant 0.000000e+00 : f32
      %swap3A_23 = arith.constant 0 : index
      %swap3A_24 = arith.constant 0 : index
      %swap3A_25 = memref.load %arg3[%swap3A_23, %swap3A_24] : memref<1x1xf32, #tpu.memory_space<smem>>
      memref.store %swap3A_22, %arg3[%swap3A_23, %swap3A_24] : memref<1x1xf32, #tpu.memory_space<smem>>
    } else {
    }
    %get3A_17 = arith.constant 0 : index
    %get3A_18 = arith.constant 0 : index
    %get3A_19 = memref.load %arg3[%get3A_17, %get3A_18] : memref<1x1xf32, #tpu.memory_space<smem>>
    %add3A = arith.addf %get3A_19, %reduce_sum3A_14 : f32
    %swap3A = arith.constant 0 : index
    %swap3A_20 = arith.constant 0 : index
    %swap3A_21 = memref.load %arg3[%swap3A, %swap3A_20] : memref<1x1xf32, #tpu.memory_space<smem>>
    memref.store %add3A, %arg3[%swap3A, %swap3A_20] : memref<1x1xf32, #tpu.memory_space<smem>>
    return
  }
  func.func @transform_0(%arg0: i32) -> (i32, i32, i32) {
    %c0_i32 = arith.constant 0 : i32
    %c0_i32_0 = arith.constant 0 : i32
    %c0_i32_1 = arith.constant 0 : i32
    return %arg0, %c0_i32, %c0_i32_0 : i32, i32, i32
  }
  func.func @transform_1(%arg0: i32) -> i32 {
    %c0_i32 = arith.constant 0 : i32
    %c0_i32_0 = arith.constant 0 : i32
    return %c0_i32 : i32
  }
  func.func @transform_2(%arg0: i32) -> (i32, i32) {
    %c0_i32 = arith.constant 0 : i32
    %c0_i32_0 = arith.constant 0 : i32
    %c0_i32_1 = arith.constant 0 : i32
    return %c0_i32, %c0_i32_0 : i32, i32
  }
}

module attributes {stable_mosaic.version = 14 : i64} {
  func.func @_res_body(%arg0: i32, %arg1: memref<1x3x512x512xf32, #tpu.memory_space<vmem>>, %arg2: memref<1x3x512x512xf32, #tpu.memory_space<vmem>>, %arg3: memref<1x512x512xi32, #tpu.memory_space<vmem>>, %arg4: memref<1x512x512xi32, #tpu.memory_space<vmem>>) attributes {dimension_semantics = [#tpu.dimension_semantics<arbitrary>], iteration_bounds = array<i64: 8>, scalar_prefetch = 0 : i64, scratch_operands = 0 : i64, tpu.core_type = #tpu.core_type<tc>, window_params = [{transform_indices = @transform_0, window_bounds = array<i64: 1, 3, 512, 512>}, {transform_indices = @transform_1, window_bounds = array<i64: 1, 3, 512, 512>}, {transform_indices = @transform_2, window_bounds = array<i64: 1, 512, 512>}, {transform_indices = @transform_3, window_bounds = array<i64: 1, 512, 512>}]} {
    %get3A = arith.constant 0 : index
    %get3A_0 = arith.constant 0 : index
    %get3A_1 = arith.constant 0 : index
    %get3A_2 = arith.constant 0 : index
    %get3A_3 = vector.load %arg1[%get3A, %get3A_0, %get3A_1, %get3A_2] : memref<1x3x512x512xf32, #tpu.memory_space<vmem>>, vector<1x3x512x512xf32>
    %get3A_4 = vector.shape_cast %get3A_3 : vector<1x3x512x512xf32> to vector<3x512x512xf32>
    %get3A_5 = arith.constant 0 : index
    %get3A_6 = arith.constant 0 : index
    %get3A_7 = arith.constant 0 : index
    %get3A_8 = arith.constant 0 : index
    %get3A_9 = vector.load %arg2[%get3A_5, %get3A_6, %get3A_7, %get3A_8] : memref<1x3x512x512xf32, #tpu.memory_space<vmem>>, vector<1x3x512x512xf32>
    %get3A_10 = vector.shape_cast %get3A_9 : vector<1x3x512x512xf32> to vector<3x512x512xf32>
    %sub3A = arith.subf %get3A_4, %get3A_10 : vector<3x512x512xf32>
    %abs3A = math.absf %sub3A : vector<3x512x512xf32>
    %reduce_sum3A = arith.constant dense<0.000000e+00> : vector<512x512xf32>
    %reduce_sum3A_11 = vector.multi_reduction <add>, %abs3A, %reduce_sum3A [0] : vector<3x512x512xf32> to vector<512x512xf32>
    %bitcast_convert_type3A = tpu.bitcast %reduce_sum3A_11 : vector<512x512xf32> -> vector<512x512xi32>
    %get3A_12 = arith.constant 0 : index
    %get3A_13 = arith.constant 0 : index
    %get3A_14 = arith.constant 0 : index
    %get3A_15 = vector.load %arg3[%get3A_12, %get3A_13, %get3A_14] : memref<1x512x512xi32, #tpu.memory_space<vmem>>, vector<1x512x512xi32>
    %get3A_16 = vector.shape_cast %get3A_15 : vector<1x512x512xi32> to vector<512x512xi32>
    %or3A = arith.ori %bitcast_convert_type3A, %get3A_16 : vector<512x512xi32>
    %swap3A = arith.constant 0 : index
    %swap3A_17 = arith.constant 0 : index
    %swap3A_18 = arith.constant 0 : index
    %swap3A_19 = vector.load %arg4[%swap3A, %swap3A_17, %swap3A_18] : memref<1x512x512xi32, #tpu.memory_space<vmem>>, vector<1x512x512xi32>
    %swap3A_20 = vector.shape_cast %swap3A_19 : vector<1x512x512xi32> to vector<512x512xi32>
    %swap3A_21 = vector.shape_cast %or3A : vector<512x512xi32> to vector<1x512x512xi32>
    tpu.vector_store %arg4[%swap3A, %swap3A_17, %swap3A_18], %swap3A_21 {strides = array<i32>} : memref<1x512x512xi32, #tpu.memory_space<vmem>>, vector<1x512x512xi32>,
    return
  }
  func.func @transform_0(%arg0: i32) -> (i32, i32, i32, i32) {
    %c0_i32 = arith.constant 0 : i32
    %c0_i32_0 = arith.constant 0 : i32
    %c0_i32_1 = arith.constant 0 : i32
    %c0_i32_2 = arith.constant 0 : i32
    return %arg0, %c0_i32, %c0_i32_0, %c0_i32_1 : i32, i32, i32, i32
  }
  func.func @transform_1(%arg0: i32) -> (i32, i32, i32, i32) {
    %c0_i32 = arith.constant 0 : i32
    %c0_i32_0 = arith.constant 0 : i32
    %c0_i32_1 = arith.constant 0 : i32
    %c0_i32_2 = arith.constant 0 : i32
    return %arg0, %c0_i32, %c0_i32_0, %c0_i32_1 : i32, i32, i32, i32
  }
  func.func @transform_2(%arg0: i32) -> (i32, i32, i32) {
    %c0_i32 = arith.constant 0 : i32
    %c0_i32_0 = arith.constant 0 : i32
    %c0_i32_1 = arith.constant 0 : i32
    return %arg0, %c0_i32, %c0_i32_0 : i32, i32, i32
  }
  func.func @transform_3(%arg0: i32) -> (i32, i32, i32) {
    %c0_i32 = arith.constant 0 : i32
    %c0_i32_0 = arith.constant 0 : i32
    %c0_i32_1 = arith.constant 0 : i32
    return %arg0, %c0_i32, %c0_i32_0 : i32, i32, i32
  }
}

</mosaic_0001>

<sc_bundles>
// kernel: kernel.5.cloned.1.call-start
scs
__scs_entry_jumppad:
0x0: {  	(pc) =	sbr.rel $0x88, $3  }
0x1: {  	(tag) =	ssettag $0x0;
	lr =	simm.s32 $0x1  }
0x2: {  	[smem:$0x3F9F] =	sst lr;
	_ =	strace $0xD0000000  }
0x3: {  	_ = 	snop  }
0x4: {  	_ = 	snop  }
0x5: {  	_ = 	snop  }
0x6: {  	_ = 	snop  }
0x7: {  	_ = 	snop  }
__scs_overlays_trampoline_lowered:
0x8: {  	[smem:$0x3FAE] =	sst s0  }
0x9: {  	[smem:$0x3FAF] =	sst s1  }
0xa: {  	[smem:$0x3FB0] =	sst s2  }
0xb: {  	[smem:$0x3FB1] =	sst s3  }
0xc: {  	[smem:$0x3FB2] =	sst s4  }
0xd: {  	[smem:$0x3FB3] =	sst s5  }
0xe: {  	[smem:$0x3FB4] =	sst s6  }
0xf: {  	[smem:$0x3FB5] =	sst s7  }
0x10: {  	[smem:$0x3FB6] =	sst s8  }
0x11: {  	[smem:$0x3FB7] =	sst s9;
	s0 =	simm.s32 @!p0 $0x0  }
0x12: {  	s1 =	sld [smem:$0x3F9D];
	s0 =	simm.s32 @p0 $0x1  }
0x13: {  	[smem:$0x3FB8] =	sst s0;
	s0 =	simm.s32 @!p1 $0x0  }
0x14: {  	s2 =	sld [smem:$0x3F9C];
	s0 =	simm.s32 @p1 $0x1  }
0x15: {  	[smem:$0x3FB9] =	sst s0;
	s0 =	simm.s32 @!p2 $0x0  }
0x16: {  	s3 =	sld [smem:$0x3FDB];
	s0 =	simm.s32 @p2 $0x1  }
0x17: {  	s4 =	simm.s32 $0x1BF5;
	[smem:$0x3FBB] =	sst s0  }
0x18: {  	s0 =	sld [smem:$0x3F9E];
	_ =	swait.ge [sflag:s4], $0x0  }
0x19: {  	s7 =	sld [smem:$0x3F9F]  }
0x1a: {  	s8 =	sadd.s32 $0xFFFFE003, lr  }
0x1b: {  	s9 =	sadd.s32 $0xFFFFFEF7, lr;
	s5 =	simm.s32 $0xFFFFFFFF;
	p2 =	slt.u32 s8, $0xFFFFF086  }
0x1c: {  	p1 =	slt.u32 s9, $0xF7A;
	s5 =	simm.s32 @!p2 $0x0  }
0x1d: {  	s5 =	simm.s32 @p1 $0x1;
	p0 =	seq.s32 s7, s2  }
0x1e: {  	s7 =	smul.u32 @!p0 $0xF7A, s2;
	p2 =	seq.s32 @!p0 s5, $0x0  }
0x1f: {  	s9 =	smul.u32 $0xF7A, s1;
	s8 =	simm.s32 @!p0 $0x1BF5;
	p2 =	por !p2, p0  }
0x20: {  	[sflag:s8] =	ssyncset.s32 @!p0 $0xFFFFF086;
	s6 =	sadd.s32 @!p0 s3, s7;
	s7 =	simm.s32 @!p0 $0x108  }
0x21: {  	s3 =	sadd.s32 s3, s9;
	s6 =	sadd.s32 @!p0 $0x88, s6;
	s7 =	simm.s32 @p2 $0x1082  }
0x22: {  	[simem:s7], [sflag:s8] =	dma.local @!p0 [hbm:s6], $0xF7A  }
0x23: {  	s9 =	sor.u32 $0xD0000000, s2;
	s6 =	simm.s32 $0x108;
	_ =	swait.ge @!p0 [sflag:s8], $0x0  }
0x24: {  	s3 =	sadd.s32 $0x88, s3;
	s6 =	simm.s32 @!p1 $0x1082;
	[sflag:s4] =	ssyncset.s32 $0xFFFFF086  }
0x25: {  	[simem:s6], [sflag:s4] =	dma.local [hbm:s3], $0xF7A  }
0x26: {  	[smem:$0x3F9F] =	sst s1;
	(tag) =	ssettag s2;
	_ =	strace s9  }
0x27: {  	s1 =	sld [smem:$0x3FAF]  }
0x28: {  	s2 =	sld [smem:$0x3FB0]  }
0x29: {  	s4 =	sld [smem:$0x3FB2]  }
0x2a: {  	p0 =	seq.s32 s5, $0x0;
	s5 =	sld [smem:$0x3FB3]  }
0x2b: {  	s6 =	sld [smem:$0x3FB4]  }
0x2c: {  	s7 =	sld [smem:$0x3FB5]  }
0x2d: {  	s3 =	simm.s32 $0x108;
	s8 =	sld [smem:$0x3FB6]  }
0x2e: {  	s3 =	simm.s32 @!p0 $0x1082;
	s9 =	sld [smem:$0x3FB7]  }
0x2f: {  	lr =	sadd.s32 s0, s3;
	s0 =	sld [smem:$0x3FAE]  }
0x30: {  	s3 =	sld [smem:$0x3FB1]  }
0x31: {  	[smem:$0x3FBA] =	sst s10  }
0x32: {  	s10 =	sld [smem:$0x3FB8];
	_ =	sdelay $0x3  }
0x33: {  	p0 =	seq.s32 s10, $0x1;
	s10 =	sld [smem:$0x3FBA];
	_ =	sdelay $0x3  }
0x34: {  	[smem:$0x3FBA] =	sst s10  }
0x35: {  	s10 =	sld [smem:$0x3FB9];
	_ =	sdelay $0x3  }
0x36: {  	p1 =	seq.s32 s10, $0x1;
	s10 =	sld [smem:$0x3FBA];
	_ =	sdelay $0x3  }
0x37: {  	[smem:$0x3FBA] =	sst s10  }
0x38: {  	s10 =	sld [smem:$0x3FBB]  }
0x39: {  	_ = 	snop;
	(pc) =	sbr.ind lr, $3  }
0x3a: {  	_ = 	snop  }
0x3b: {  	_ = 	snop  }
0x3c: {  	p2 =	seq.s32 s10, $0x1;
	s10 =	sld [smem:$0x3FBA]  }
0x3d: {  	_ =	shalt  }
0x3e: {  	_ =	shalt  }
0x3f: {  	_ =	shalt  }
0x40: {  	_ =	shalt  }
0x41: {  	_ =	shalt  }
0x42: {  	_ =	shalt  }
0x43: {  	_ =	shalt  }
0x44: {  	_ =	shalt  }
0x45: {  	_ =	shalt  }
0x46: {  	_ =	shalt  }
0x47: {  	_ =	shalt  }
0x48: {  	_ =	shalt  }
0x49: {  	_ =	shalt  }
0x4a: {  	_ =	shalt  }
0x4b: {  	_ =	shalt  }
0x4c: {  	_ =	shalt  }
0x4d: {  	_ =	shalt  }
0x4e: {  	_ =	shalt  }
0x4f: {  	_ =	shalt  }
0x50: {  	_ =	shalt  }
0x51: {  	_ =	shalt  }
0x52: {  	_ =	shalt  }
0x53: {  	_ =	shalt  }
0x54: {  	_ =	shalt  }
0x55: {  	_ =	shalt  }
0x56: {  	_ =	shalt  }
0x57: {  	_ =	shalt  }
0x58: {  	_ =	shalt  }
0x59: {  	_ =	shalt  }
0x5a: {  	_ =	shalt  }
0x5b: {  	_ =	shalt  }
0x5c: {  	_ =	shalt  }
0x5d: {  	_ =	shalt  }
0x5e: {  	_ =	shalt  }
0x5f: {  	_ =	shalt  }
0x60: {  	_ =	shalt  }
0x61: {  	_ =	shalt  }
0x62: {  	_ =	shalt  }
0x63: {  	_ =	shalt  }
0x64: {  	_ =	shalt  }
0x65: {  	_ =	shalt  }
0x66: {  	_ =	shalt  }
0x67: {  	_ =	shalt  }
0x68: {  	_ =	shalt  }
0x69: {  	_ =	shalt  }
0x6a: {  	_ =	shalt  }
0x6b: {  	_ =	shalt  }
0x6c: {  	_ =	shalt  }
0x6d: {  	_ =	shalt  }
0x6e: {  	_ =	shalt  }
0x6f: {  	_ =	shalt  }
0x70: {  	_ =	shalt  }
0x71: {  	_ =	shalt  }
0x72: {  	_ =	shalt  }
0x73: {  	_ =	shalt  }
0x74: {  	_ =	shalt  }
0x75: {  	_ =	shalt  }
0x76: {  	_ =	shalt  }
0x77: {  	_ =	shalt  }
0x78: {  	_ =	shalt  }
0x79: {  	_ =	shalt  }
0x7a: {  	_ =	shalt  }
0x7b: {  	_ =	shalt  }
0x7c: {  	_ =	shalt  }
0x7d: {  	_ =	shalt  }
0x7e: {  	_ =	shalt  }
0x7f: {  	_ =	shalt  }
0x80: {  	_ =	shalt  }
0x81: {  	_ =	shalt  }
0x82: {  	_ =	shalt  }
0x83: {  	_ =	shalt  }
0x84: {  	_ =	shalt  }
0x85: {  	_ =	shalt  }
0x86: {  	_ =	shalt  }
0x87: {  	_ =	shalt  }
.Lfunc_end0:
.L_simem_size_0:
called_computation_lowered:
.L_overlay_start_0:
0x88: {  	s2 =	sld [smem:$0x3FD9]  }
0x89: {  	s3 =	sld [smem:$0x3FFE];
	_ =	sdelay $0x1  }
0x8a: {  	s1 =	srdreg.scid  }
0x8b: {  	s0 =	sand.u32 $0x1, s1  }
0x8c: {  	s16 =	sshll.u32 s0, $0xA;
	s2 =	sadd.s32 s3, s2  }
0x8d: {  	s2 =	sadd.s32 s2, s16  }
0x8e: {  	[smem:$0x3FC6] =	sst s2  }
0x8f: {  	_ = 	snop  }
0x90: {  	(tm) =	ssettm $0x1  }
0x91: {  	s17 =	sld [smem:$0x3FFB];
	_ =	sdelay $0x3  }
0x92: {  	_ =	strace s17  }
0x93: {  	s2 =	sld [smem:$0x3FFC];
	_ =	sdelay $0x3  }
0x94: {  	_ =	strace s2  }
0x95: {  	s2 =	sld [smem:$0x3FFD];
	_ =	sdelay $0x3  }
0x96: {  	_ =	strace s2  }
0x97: {  	_ =	strace $0x8FFFFFFF  }
0x98: {  	s18 =	sld [smem:$0x3FDB];
	_ =	sdelay $0x1  }
0x99: {  	s19 =	simm.s32 $_scs_section_size  }
0x9a: {  	s4 =	simm.s32 $_size__tile_overlayer_lowered;
	s5 =	simm.s32 $_tile_overlayer_lowered  }
0x9b: {  	s22 =	simm.s32 $0x1BFF;
	s21 =	sshll.u32 s5, $0x1;
	s2 =	sadd.s32 s19, s18  }
0x9c: {  	s6 =	simm.s32 $0x0;
	s20 =	sshll.u32 s4, $0x1;
	s4 =	sadd.s32 s21, s2  }
0x9d: {  	[timem:s6], [sflag:s22] =	dma.local [hbm:s4], s20  }
0x9e: {  	_ =	swait.ge [sflag:s22], s20  }
0x9f: {  	s3 =	ssub.s32 $0x0, s20;
	[sflag:s22] =	ssyncset.done $0x0  }
0xa0: {  	[sflag:s22] =	ssyncadd.s32 s3;
	_ =	sdelay $0x1  }
0xa1: {  	s23 =	simm.s32 $0x1B8B  }
0xa2: {  	_ =	swait.ge [sflag:s23], $0x1  }
0xa3: {  	[sflag:s23] =	ssyncset.done $0x0  }
0xa4: {  	s25 =	simm.s32 $0x1B8E;
	s24 =	sld [smem:$0x3FFE];
	[sflag:s23] =	ssyncadd.s32 $0xFFFFFFFF  }
0xa5: {  	s26 =	simm.s32 $execute0_lowered;
	[smem:$0x3FD2] =	sst s25  }
0xa6: {  	s4 =	sshll.u32 s26, $0x1;
	_ =	strace $0x80000046;
	[dreg:$0x1] =	wrdreg $0xFFFFFFFF  }
0xa7: {  	s28 =	simm.s32 $_size_execute0_lowered;
	s2 =	sadd.s32 s2, s4;
	[dreg:$0x0] =	wrdreg $0x0  }
0xa8: {  	s4 =	sshll.u32 s28, $0x1;
	[dreg:$0x2] =	wrdreg s2  }
0xa9: {  	[dreg:$0x3] =	wrdreg s4  }
0xaa: {  	[dreg:$0x4] =	wrdreg $0xC0  }
0xab: {  	_ =	task [dreg:s6], $0x5FFFF  }
0xac: {  	[dreg:$0x1] =	wrdreg $0xFFFFFFFF  }
0xad: {  	[dreg:$0x0] =	wrdreg $0x60  }
0xae: {  	[dreg:$0x2] =	wrdreg s24  }
0xaf: {  	[dreg:$0x3] =	wrdreg $0x150800  }
0xb0: {  	[dreg:$0x4] =	wrdreg $0x9  }
0xb1: {  	_ =	task.clear_ibuf [dreg:s6], $0x5FFFF;
	_ =	strace $0x90000046  }
0xb2: {  	s29 =	simm.s32 $0x9;
	_ =	strace $0x80000048  }
0xb3: {  	_ =	swait.ge [sflag:s29], $0x1  }
0xb4: {  	[sflag:s29] =	ssyncadd.s32 $0xFFFFFFFF  }
0xb5: {  	_ =	strace $0x90000048  }
0xb6: {  	_ =	sfence  }
0xb7: {  	s30 =	sld [smem:$0x0];
	_ =	sdelay $0x2  }
0xb8: {  	s31 =	sshll.u32 s1, $0xD;
	s1 =	sshrl.u32 s1, $0x2  }
0xb9: {  	s3 =	sand.u32 $0x4000, s31;
	s1 =	sadd.s32 s1, s30  }
0xba: {  	s0 =	sor.u32 s3, s0;
	s1 =	sshll.u32 s1, $0x11  }
0xbb: {  	s0 =	sor.u32 s1, s0  }
0xbc: {  	s0 =	sadd.s32 $0x8F2B, s0  }
0xbd: {  	[sflag:s0] =	ssyncadd.remote.s32 $0x1  }
0xbe: {  	_ =	sfence.sel $0xFFFF  }
0xbf: {  	[dreg:$0x0] =	wrdreg $0xFFFFFFFF;
	(pc) =	sbr.abs _section_cstart, $3  }
0xc0: {  	[dreg:$0x1] =	wrdreg $0xFFFFFFFF  }
0xc1: {  	_ =	task.clear_ibuf [dreg:s6], $0x2FFFF;
	_ =	strace $0x9FFFFFFF  }
0xc2: {  	(tm) =	ssettm $0x7FFFFFFF  }
0xc3: {  	_ =	shalt  }
tec
execute0_lowered:
.L_overlay_start_1:
0x0: {  	(tag) =	ssettag $0x1  }
0x1: {  	s0 =	rddreg [dreg:$0x0]  }
0x2: {  	s1 =	rddreg [dreg:$0x1]  }
0x3: {  	s2 =	srdreg.scid;
	s5 =	stileid.u32  }
0x4: {  	s26 =	simm.s32 $0x0;
	s8 =	simm.s32 $0x80;
	s10 =	simm.s32 $0x1  }
0x5: {  	s11 =	simm.s32 $0x10000;
	s12 =	simm.s32 $0x200;
	s13 =	simm.s32 $0x11000  }
0x6: {  	s3 =	sand.u32 $0x1, s2;
	s4 =	sshrl.u32 s5, $0x2;
	s14 =	sand.u32 $0x3, s5  }
0x7: {  	[smem:$0x7FF] =	sst s26;
	s25 =	sshll.u32 s3, $0x9;
	s6 =	sshll.u32 s4, $0x7  }
0x8: {  	s28 =	sshll.u32 s14, $0x13;
	_ =	strace $0x80000047;
	s3 =	ssub.s32 $0x2, s3  }
0x9: {  	s4 =	sshll.u32 s4, $0xE;
	s30 =	sshll.u32 s14, $0x7;
	s5 =	sor.u32 s25, s6  }
0xa: {  	p0 =	sne.s32 s14, $0x0;
	s14 =	simm.s32 $0x0;
	s6 =	sor.u32 s28, s5  }
0xb: {  	s29 =	sshrl.u32 s3, $0x1;
	s5 =	sshrl.u32 s5, $0x3;
	s6 =	sshrl.u32 s6, $0x3  }
0xc: {  	s7 =	ssub.s32 s3, s29;
	s3 =	sadd.s32 s4, s1;
	s6 =	sadd.s32 s6, s0  }
0xd: {  	s7 =	smax.u32 s7, $0x1;
	s0 =	sadd.s32 s5, s0;
	s31 =	sadd.s32 $0x200, s6  }
0xe: {  	v0 =	vimm.s32 $0x0;
	v1 =	vlaneseq.u32;
	v2 =	vimm.s32 $0x1;
	s5 =	sadd.s32 s30, s3;
	s6 =	sadd.s32 $0x40200, s0;
	[dreg:$0x3] =	wrdreg s31  }
.LBB2_1:
0xf: {  	s0 =	simm.s32 $0x0;
	s1 =	rddreg [dreg:$0x3];
	s2 =	simm.s32 $0x400  }
0x10: {  	[tilespmem:s0], [sflag:$0x1] =	stream.strided.gather [hbm4b:s1+s8], $0x10000, s2, s8, $0x38;
	[tilespmem:$0x16080] =	vst v63  }
0x11: {  	_ =	swait.ge [sflag:s10], $0x10000  }
0x12: {  	[sflag:s10] =	ssyncset.done $0x0  }
0x13: {  	s0 =	simm.s32 $0x0;
	[sflag:s10] =	ssyncadd.s32 $0xFFFF0000  }
.LBB2_2:
0x14: {  	p1 =	sne.s32 s0, $0x3FC0  }
.Ltmp0:
0x15: {  	_ = 	snop;
	(pc) =	sbr.rel @p1 .LBB2_2-.Ltmp0, $3  }
0x16: {  	_ =	sdelay $0x1  }
0x17: {  	s1 =	sshra.s32 s0, $0x2  }
0x18: {  	s0 =	sadd.s32 $0x40, s0;
	[tilespmem:s1+$0x10000] =	vst v0  }
0x19: {  	s0 =	simm.s32 $0x0;
	s15 =	simm.s32 $0x40  }
.LBB2_4:
0x1a: {  	p1 =	sne.s32 s15, $0x3FFC0;
	v3 =	vld [tilespmem:s0+$0x0];
	_ =	sdelay $0x4  }
0x1b: {  	v3 =	vshrl.u32 v3, $0x13  }
0x1c: {  	v3 =	vand.u32 $0xFF0, v3  }
0x1d: {  	v3 =	vor.u32 v1, v3  }
.Ltmp1:
0x1e: {  	(pc) =	sbr.rel @p1 .LBB2_4-.Ltmp1, $2  }
0x1f: {  	_ =	sdelay $0x2  }
0x20: {  	s0 =	sshra.s32 s15, $0x2;
	s15 =	sadd.s32 $0x40, s15;
	[tilespmem:v3+s11+$0x0] =	vst.idx.add.s32.msk $0xffff, v2  }
0x21: {  	v3 =	vld [tilespmem:s0+$0x0];
	_ =	sdelay $0x4  }
0x22: {  	v3 =	vshrl.u32 v3, $0x13  }
0x23: {  	v3 =	vand.u32 $0xFF0, v3  }
0x24: {  	v3 =	vor.u32 v1, v3;
	_ =	sdelay $0x4  }
0x25: {  	[tilespmem:v3+s11+$0x0] =	vst.idx.add.s32.msk $0xffff, v2  }
0x26: {  	[spmem:s5] =	stream.strided.scatter [tilespmem:s11], [sflag:$0x1], $0x1000, s12, s8, $0x38;
	[tilespmem:$0x16080] =	vst v63  }
0x27: {  	_ =	swait.ge [sflag:s10], $0x1000  }
0x28: {  	[sflag:s10] =	ssyncset.done $0x0  }
0x29: {  	[sflag:s10] =	ssyncadd.s32 $0xFFFFF000  }
0x2a: {  	[bflag:$0x0] =	sbarrier.arrive $0xFFFF  }
0x2b: {  	[tilespmem:s13], [sflag:$0x1] =	stream.linear.gather [spmem:s3], $0x4000, $0x38;
	[tilespmem:$0x16080] =	vst v63  }
0x2c: {  	_ =	swait.ge [sflag:s10], $0x4000  }
0x2d: {  	[sflag:s10] =	ssyncset.done $0x0  }
0x2e: {  	[sflag:s10] =	ssyncadd.s32 $0xFFFFC000  }
0x2f: {  	s15 =	simm.s32 $0x14FF0;
	[bflag:$0x0] =	sbarrier.arrive $0xFFFF  }
0x30: {  	v3 =	vld [tilespmem:s15+$0xFFFFFC10]  }
0x31: {  	v4 =	vld [tilespmem:s15+$0xFFFFFC20]  }
0x32: {  	v5 =	vld [tilespmem:s15+$0xFFFFFC30]  }
0x33: {  	v6 =	vld [tilespmem:s15+$0xFFFFFC40]  }
0x34: {  	v7 =	vld [tilespmem:s15+$0xFFFFFC50]  }
0x35: {  	v8 =	vld [tilespmem:s15+$0xFFFFFC60]  }
0x36: {  	v3 =	vadd.s32 v3, v4;
	v4 =	vld [tilespmem:s15+$0xFFFFFC70]  }
0x37: {  	v3 =	vadd.s32 v3, v5;
	v5 =	vld [tilespmem:s15+$0xFFFFFC80]  }
0x38: {  	v3 =	vadd.s32 v3, v6;
	v6 =	vld [tilespmem:s15+$0xFFFFFE10]  }
0x39: {  	v3 =	vadd.s32 v3, v7;
	v7 =	vld [tilespmem:s15+$0xFFFFFE20]  }
0x3a: {  	v3 =	vadd.s32 v3, v8;
	v8 =	vld [tilespmem:s15+$0xFFFFFE30]  }
0x3b: {  	v3 =	vadd.s32 v3, v4;
	v4 =	vld [tilespmem:s15+$0xFFFFFE40]  }
0x3c: {  	v3 =	vadd.s32 v3, v5;
	v5 =	vld [tilespmem:s15+$0xFFFFFE50]  }
0x3d: {  	v3 =	vadd.s32 v3, v6;
	v6 =	vld [tilespmem:s15+$0xFFFFFE60]  }
0x3e: {  	v3 =	vadd.s32 v3, v7;
	v7 =	vld [tilespmem:s15+$0xFFFFFE70]  }
0x3f: {  	v3 =	vadd.s32 v3, v8;
	v8 =	vld [tilespmem:s15+$0xFFFFFE80]  }
0x40: {  	v3 =	vadd.s32 v3, v4;
	v4 =	vld [tilespmem:s15+$0xFFFFFC90]  }
0x41: {  	v3 =	vadd.s32 v3, v5;
	v5 =	vld [tilespmem:s15+$0xFFFFFCA0]  }
0x42: {  	v3 =	vadd.s32 v3, v6;
	v6 =	vld [tilespmem:s15+$0xFFFFFCB0]  }
0x43: {  	v3 =	vadd.s32 v3, v7;
	v7 =	vld [tilespmem:s15+$0xFFFFFCC0]  }
0x44: {  	v3 =	vadd.s32 v3, v8;
	v8 =	vld [tilespmem:s15+$0xFFFFFCD0]  }
0x45: {  	v3 =	vadd.s32 v3, v4;
	v4 =	vld [tilespmem:s15+$0xFFFFFCE0]  }
0x46: {  	v3 =	vadd.s32 v3, v5;
	v5 =	vld [tilespmem:s15+$0xFFFFFCF0]  }
0x47: {  	v3 =	vadd.s32 v3, v6;
	v6 =	vld [tilespmem:s15+$0xFFFFFD00]  }
0x48: {  	v3 =	vadd.s32 v3, v7;
	v7 =	vld [tilespmem:s15+$0xFFFFFE90]  }
0x49: {  	v3 =	vadd.s32 v3, v8;
	v8 =	vld [tilespmem:s15+$0xFFFFFEA0]  }
0x4a: {  	v3 =	vadd.s32 v3, v4;
	v4 =	vld [tilespmem:s15+$0xFFFFFEB0]  }
0x4b: {  	v3 =	vadd.s32 v3, v5;
	v5 =	vld [tilespmem:s15+$0xFFFFFEC0]  }
0x4c: {  	v3 =	vadd.s32 v3, v6;
	v6 =	vld [tilespmem:s15+$0xFFFFFED0]  }
0x4d: {  	v3 =	vadd.s32 v3, v7;
	v7 =	vld [tilespmem:s15+$0xFFFFFEE0]  }
0x4e: {  	v3 =	vadd.s32 v3, v8;
	v8 =	vld [tilespmem:s15+$0xFFFFFEF0]  }
0x4f: {  	v3 =	vadd.s32 v3, v4;
	v4 =	vld [tilespmem:s15+$0xFFFFFF00]  }
0x50: {  	v3 =	vadd.s32 v3, v5;
	v5 =	vld [tilespmem:s15+$0xFFFFFD10]  }
0x51: {  	v3 =	vadd.s32 v3, v6;
	v6 =	vld [tilespmem:s15+$0xFFFFFD20]  }
0x52: {  	v3 =	vadd.s32 v3, v7;
	v7 =	vld [tilespmem:s15+$0xFFFFFD30]  }
0x53: {  	v3 =	vadd.s32 v3, v8;
	v8 =	vld [tilespmem:s15+$0xFFFFFD40]  }
0x54: {  	v3 =	vadd.s32 v3, v4;
	v4 =	vld [tilespmem:s15+$0xFFFFFD50]  }
0x55: {  	v3 =	vadd.s32 v3, v5;
	v5 =	vld [tilespmem:s15+$0xFFFFFD60]  }
0x56: {  	v3 =	vadd.s32 v3, v6;
	v6 =	vld [tilespmem:s15+$0xFFFFFD70]  }
0x57: {  	v3 =	vadd.s32 v3, v7;
	v7 =	vld [tilespmem:s15+$0xFFFFFD80]  }
0x58: {  	v3 =	vadd.s32 v3, v8;
	v8 =	vld [tilespmem:s15+$0xFFFFFF10]  }
0x59: {  	v3 =	vadd.s32 v3, v4;
	v4 =	vld [tilespmem:s15+$0xFFFFFF20]  }
0x5a: {  	v3 =	vadd.s32 v3, v5;
	v5 =	vld [tilespmem:s15+$0xFFFFFF30]  }
0x5b: {  	v3 =	vadd.s32 v3, v6;
	v6 =	vld [tilespmem:s15+$0xFFFFFF40]  }
0x5c: {  	v3 =	vadd.s32 v3, v7;
	v7 =	vld [tilespmem:s15+$0xFFFFFF50]  }
0x5d: {  	v3 =	vadd.s32 v3, v8;
	v8 =	vld [tilespmem:s15+$0xFFFFFF60]  }
0x5e: {  	v3 =	vadd.s32 v3, v4;
	v4 =	vld [tilespmem:s15+$0xFFFFFF70]  }
0x5f: {  	v3 =	vadd.s32 v3, v5;
	v5 =	vld [tilespmem:s15+$0xFFFFFF80]  }
0x60: {  	v3 =	vadd.s32 v3, v6;
	v6 =	vld [tilespmem:s15+$0xFFFFFD90]  }
0x61: {  	v3 =	vadd.s32 v3, v7;
	v7 =	vld [tilespmem:s15+$0xFFFFFDA0]  }
0x62: {  	v3 =	vadd.s32 v3, v8;
	v8 =	vld [tilespmem:s15+$0xFFFFFDB0]  }
0x63: {  	v3 =	vadd.s32 v3, v4;
	v4 =	vld [tilespmem:s15+$0xFFFFFDC0]  }
0x64: {  	v3 =	vadd.s32 v3, v5;
	v5 =	vld [tilespmem:s15+$0xFFFFFDD0]  }
0x65: {  	v3 =	vadd.s32 v3, v6;
	v6 =	vld [tilespmem:s15+$0xFFFFFDE0]  }
0x66: {  	v3 =	vadd.s32 v3, v7;
	v7 =	vld [tilespmem:s15+$0xFFFFFDF0]  }
0x67: {  	v3 =	vadd.s32 v3, v8;
	v8 =	vld [tilespmem:s15+$0xFFFFFE00]  }
0x68: {  	v3 =	vadd.s32 v3, v4;
	v4 =	vld [tilespmem:s15+$0xFFFFFF90]  }
0x69: {  	v9 =	vld [tilespmem:s15+$0xFFFFFFA0];
	v3 =	vadd.s32 v3, v5  }
0x6a: {  	v3 =	vadd.s32 v3, v6;
	v6 =	vld [tilespmem:s15+$0xFFFFFFB0]  }
0x6b: {  	v10 =	vld [tilespmem:s15+$0xFFFFFFC0];
	v3 =	vadd.s32 v3, v7  }
0x6c: {  	v11 =	vld [tilespmem:s15+$0xFFFFFFD0];
	v3 =	vadd.s32 v3, v8  }
0x6d: {  	v5 =	vld [tilespmem:s15+$0xFFFFFFE0];
	v3 =	vadd.s32 v3, v4  }
0x6e: {  	v4 =	vld [tilespmem:s15+$0xFFFFFFF0];
	v3 =	vadd.s32 v3, v9  }
0x6f: {  	s17 =	simm.s32 $0x0;
	s16 =	simm.s32 $0xF;
	s22 =	simm.s32 $0x14BF0;
	v6 =	vadd.s32 v3, v6;
	v3 =	vld [tilespmem:s15+$0x0]  }
0x70: {  	s19 =	simm.s32 $0xE;
	s23 =	simm.s32 $0xD;
	s21 =	simm.s32 $0x0;
	v7 =	vld [tilespmem:s22+$0xFFFFFC10];
	v6 =	vadd.s32 v6, v10  }
0x71: {  	s18 =	simm.s32 $0x0;
	s20 =	simm.s32 $0x0;
	v8 =	vld [tilespmem:s22+$0xFFFFFC20];
	s15 =	simm.s32 $0x0;
	v6 =	vadd.s32 v6, v11  }
.LBB2_6:
0x72: {  	p1 =	seq.s32 s23, $0x0;
	v9 =	vld [tilespmem:s22+$0xFFFFFC30];
	v5 =	vadd.s32 v6, v5  }
0x73: {  	v6 =	vld [tilespmem:s22+$0xFFFFFC40];
	v4 =	vadd.s32 v5, v4  }
0x74: {  	v5 =	vld [tilespmem:s22+$0xFFFFFC50];
	v3 =	vadd.s32 v4, v3  }
0x75: {  	v4 =	vld [tilespmem:s22+$0xFFFFFC60];
	(xrf0) =	vadd.scan.msk.s32 $0xffff, v3  }
0x76: {  	v3 =	vadd.s32 v7, v8;
	v7 =	vld [tilespmem:s22+$0xFFFFFC70]  }
0x77: {  	v3 =	vadd.s32 v3, v9;
	v8 =	vld [tilespmem:s22+$0xFFFFFC80]  }
0x78: {  	v3 =	vadd.s32 v3, v6;
	v6 =	vld [tilespmem:s22+$0xFFFFFE10]  }
0x79: {  	v3 =	vadd.s32 v3, v5;
	v5 =	vld [tilespmem:s22+$0xFFFFFE20]  }
0x7a: {  	v3 =	vadd.s32 v3, v4;
	v4 =	vld [tilespmem:s22+$0xFFFFFE30]  }
0x7b: {  	v3 =	vadd.s32 v3, v7;
	v7 =	vld [tilespmem:s22+$0xFFFFFE40];
	v9, _, _ =	vpop (xrf0)  }
0x7c: {  	v3 =	vadd.s32 v3, v8;
	v8 =	vld [tilespmem:s22+$0xFFFFFE50];
	(v2sf) =	vpush v9, $0xF  }
0x7d: {  	v3 =	vadd.s32 v3, v6;
	v6 =	vld [tilespmem:s22+$0xFFFFFE60]  }
0x7e: {  	v3 =	vadd.s32 v3, v5;
	v5 =	vld [tilespmem:s22+$0xFFFFFE70]  }
0x7f: {  	v3 =	vadd.s32 v3, v4;
	v4 =	vld [tilespmem:s22+$0xFFFFFE80]  }
0x80: {  	v3 =	vadd.s32 v3, v7;
	v7 =	vld [tilespmem:s22+$0xFFFFFC90]  }
0x81: {  	v3 =	vadd.s32 v3, v8;
	v8 =	vld [tilespmem:s22+$0xFFFFFCA0]  }
0x82: {  	v3 =	vadd.s32 v3, v6;
	v6 =	vld [tilespmem:s22+$0xFFFFFCB0]  }
0x83: {  	v3 =	vadd.s32 v3, v5;
	v5 =	vld [tilespmem:s22+$0xFFFFFCC0]  }
0x84: {  	v3 =	vadd.s32 v3, v4;
	v4 =	vld [tilespmem:s22+$0xFFFFFCD0]  }
0x85: {  	v3 =	vadd.s32 v3, v7;
	v7 =	vld [tilespmem:s22+$0xFFFFFCE0]  }
0x86: {  	v3 =	vadd.s32 v3, v8;
	v8 =	vld [tilespmem:s22+$0xFFFFFCF0]  }
0x87: {  	v3 =	vadd.s32 v3, v6;
	v6 =	vld [tilespmem:s22+$0xFFFFFD00]  }
0x88: {  	v3 =	vadd.s32 v3, v5;
	v5 =	vld [tilespmem:s22+$0xFFFFFE90]  }
0x89: {  	v3 =	vadd.s32 v3, v4;
	v4 =	vld [tilespmem:s22+$0xFFFFFEA0]  }
0x8a: {  	v3 =	vadd.s32 v3, v7;
	v7 =	vld [tilespmem:s22+$0xFFFFFEB0]  }
0x8b: {  	v3 =	vadd.s32 v3, v8;
	v8 =	vld [tilespmem:s22+$0xFFFFFEC0];
	s0 =	spop (v2sf)  }
0x8c: {  	v3 =	vadd.s32 v3, v6;
	v6 =	vld [tilespmem:s22+$0xFFFFFED0];
	s21 =	sadd.s32 s21, s0  }
0x8d: {  	p2 =	seq.s32 s17, $0x0;
	v3 =	vadd.s32 v3, v5;
	v5 =	vld [tilespmem:s22+$0xFFFFFEE0];
	p3 =	sgt.s32 s21, $0x20000  }
0x8e: {  	v3 =	vadd.s32 v3, v4;
	v4 =	vld [tilespmem:s22+$0xFFFFFEF0];
	p2 =	por !p2, !p3  }
0x8f: {  	v3 =	vadd.s32 v3, v7;
	v7 =	vld [tilespmem:s22+$0xFFFFFF00];
	p2 =	por !p2, !p2  }
0x90: {  	v3 =	vadd.s32 v3, v8;
	v8 =	vld [tilespmem:s22+$0xFFFFFD10];
	s18 =	smov.u32 @p2 s16;
	s17 =	simm.s32 @p2 $0x1;
	s16 =	smov.u32 s19  }
0x91: {  	s15 =	smov.u32 @p2 s20;
	s20 =	smov.u32 s21;
	s19 =	smov.u32 s23;
	v3 =	vadd.s32 v3, v6;
	v6 =	vld [tilespmem:s22+$0xFFFFFD20]  }
0x92: {  	v3 =	vadd.s32 v3, v5;
	v5 =	vld [tilespmem:s22+$0xFFFFFD30]  }
0x93: {  	v3 =	vadd.s32 v3, v4;
	v4 =	vld [tilespmem:s22+$0xFFFFFD40]  }
0x94: {  	v3 =	vadd.s32 v3, v7;
	v7 =	vld [tilespmem:s22+$0xFFFFFD50]  }
0x95: {  	v3 =	vadd.s32 v3, v8;
	v8 =	vld [tilespmem:s22+$0xFFFFFD60]  }
0x96: {  	v3 =	vadd.s32 v3, v6;
	v6 =	vld [tilespmem:s22+$0xFFFFFD70]  }
0x97: {  	v3 =	vadd.s32 v3, v5;
	v5 =	vld [tilespmem:s22+$0xFFFFFD80]  }
0x98: {  	v3 =	vadd.s32 v3, v4;
	v4 =	vld [tilespmem:s22+$0xFFFFFF10]  }
0x99: {  	v3 =	vadd.s32 v3, v7;
	v7 =	vld [tilespmem:s22+$0xFFFFFF20]  }
0x9a: {  	v3 =	vadd.s32 v3, v8;
	v8 =	vld [tilespmem:s22+$0xFFFFFF30]  }
0x9b: {  	v3 =	vadd.s32 v3, v6;
	v6 =	vld [tilespmem:s22+$0xFFFFFF40]  }
0x9c: {  	v3 =	vadd.s32 v3, v5;
	v5 =	vld [tilespmem:s22+$0xFFFFFF50]  }
0x9d: {  	v3 =	vadd.s32 v3, v4;
	v4 =	vld [tilespmem:s22+$0xFFFFFF60]  }
0x9e: {  	v3 =	vadd.s32 v3, v7;
	v7 =	vld [tilespmem:s22+$0xFFFFFF70]  }
0x9f: {  	v3 =	vadd.s32 v3, v8;
	v8 =	vld [tilespmem:s22+$0xFFFFFF80]  }
0xa0: {  	v3 =	vadd.s32 v3, v6;
	v6 =	vld [tilespmem:s22+$0xFFFFFD90]  }
0xa1: {  	v3 =	vadd.s32 v3, v5;
	v5 =	vld [tilespmem:s22+$0xFFFFFDA0]  }
0xa2: {  	v3 =	vadd.s32 v3, v4;
	v4 =	vld [tilespmem:s22+$0xFFFFFDB0]  }
0xa3: {  	v3 =	vadd.s32 v3, v7;
	v7 =	vld [tilespmem:s22+$0xFFFFFDC0]  }
0xa4: {  	v3 =	vadd.s32 v3, v8;
	v8 =	vld [tilespmem:s22+$0xFFFFFDD0]  }
0xa5: {  	v3 =	vadd.s32 v3, v6;
	v6 =	vld [tilespmem:s22+$0xFFFFFDE0]  }
0xa6: {  	v3 =	vadd.s32 v3, v5;
	v5 =	vld [tilespmem:s22+$0xFFFFFDF0]  }
0xa7: {  	v3 =	vadd.s32 v3, v4;
	v4 =	vld [tilespmem:s22+$0xFFFFFE00]  }
0xa8: {  	v3 =	vadd.s32 v3, v7;
	v7 =	vld [tilespmem:s22+$0xFFFFFF90]  }
0xa9: {  	v3 =	vadd.s32 v3, v8;
	v8 =	vld [tilespmem:s22+$0xFFFFFFA0]  }
0xaa: {  	v3 =	vadd.s32 v3, v6;
	v6 =	vld [tilespmem:s22+$0xFFFFFFB0]  }
0xab: {  	v3 =	vadd.s32 v3, v5;
	v9 =	vld [tilespmem:s22+$0xFFFFFFC0]  }
0xac: {  	v3 =	vadd.s32 v3, v4;
	v10 =	vld [tilespmem:s22+$0xFFFFFFD0]  }
.Ltmp2:
0xad: {  	v3 =	vadd.s32 v3, v7;
	v5 =	vld [tilespmem:s22+$0xFFFFFFE0];
	(pc) =	sbr.rel @!p1 .LBB2_6-.Ltmp2, $4  }
0xae: {  	v3 =	vadd.s32 v3, v8;
	v4 =	vld [tilespmem:s22+$0xFFFFFFF0]  }
0xaf: {  	v6 =	vadd.s32 v3, v6;
	v3 =	vld [tilespmem:s22+$0x0];
	s22 =	sadd.s32 $0xFFFFFC00, s22  }
0xb0: {  	v7 =	vld [tilespmem:s22+$0xFFFFFC10];
	v6 =	vadd.s32 v6, v9  }
0xb1: {  	s23 =	sadd.s32 $0xFFFFFFFF, s23;
	v8 =	vld [tilespmem:s22+$0xFFFFFC20];
	v6 =	vadd.s32 v6, v10  }
0xb2: {  	v9 =	vld [tilespmem:s22+$0xFFFFFC30]  }
0xb3: {  	v10 =	vld [tilespmem:s22+$0xFFFFFC40]  }
0xb4: {  	v11 =	vld [tilespmem:s22+$0xFFFFFC50]  }
0xb5: {  	v12 =	vld [tilespmem:s22+$0xFFFFFC60]  }
0xb6: {  	v52 =	vld [tilespmem:s22+$0xFFFFFC70];
	v7 =	vadd.s32 v7, v8  }
0xb7: {  	v53 =	vld [tilespmem:s22+$0xFFFFFC80];
	v7 =	vadd.s32 v7, v9  }
0xb8: {  	v54 =	vld [tilespmem:s22+$0xFFFFFE10];
	v7 =	vadd.s32 v7, v10  }
0xb9: {  	v55 =	vld [tilespmem:s22+$0xFFFFFE20];
	v7 =	vadd.s32 v7, v11  }
0xba: {  	v56 =	vld [tilespmem:s22+$0xFFFFFE30];
	v7 =	vadd.s32 v7, v12  }
0xbb: {  	v57 =	vld [tilespmem:s22+$0xFFFFFE40];
	v7 =	vadd.s32 v7, v52  }
0xbc: {  	v58 =	vld [tilespmem:s22+$0xFFFFFE50];
	v7 =	vadd.s32 v7, v53  }
0xbd: {  	v59 =	vld [tilespmem:s22+$0xFFFFFE60];
	v7 =	vadd.s32 v7, v54  }
0xbe: {  	v60 =	vld [tilespmem:s22+$0xFFFFFE70];
	v7 =	vadd.s32 v7, v55  }
0xbf: {  	v61 =	vld [tilespmem:s22+$0xFFFFFE80];
	v7 =	vadd.s32 v7, v56  }
0xc0: {  	v62 =	vld [tilespmem:s22+$0xFFFFFC90];
	v7 =	vadd.s32 v7, v57  }
0xc1: {  	v63 =	vld [tilespmem:s22+$0xFFFFFCA0];
	v7 =	vadd.s32 v7, v58  }
0xc2: {  	v16 =	vld [tilespmem:s22+$0xFFFFFCB0];
	v7 =	vadd.s32 v7, v59  }
0xc3: {  	v17 =	vld [tilespmem:s22+$0xFFFFFCC0];
	v7 =	vadd.s32 v7, v60  }
0xc4: {  	v18 =	vld [tilespmem:s22+$0xFFFFFCD0];
	v7 =	vadd.s32 v7, v61  }
0xc5: {  	v19 =	vld [tilespmem:s22+$0xFFFFFCE0];
	v7 =	vadd.s32 v7, v62  }
0xc6: {  	v20 =	vld [tilespmem:s22+$0xFFFFFCF0];
	v7 =	vadd.s32 v7, v63  }
0xc7: {  	v21 =	vld [tilespmem:s22+$0xFFFFFD00];
	v7 =	vadd.s32 v7, v16  }
0xc8: {  	v22 =	vld [tilespmem:s22+$0xFFFFFE90];
	v7 =	vadd.s32 v7, v17  }
0xc9: {  	v23 =	vld [tilespmem:s22+$0xFFFFFEA0];
	v7 =	vadd.s32 v7, v18  }
0xca: {  	v24 =	vld [tilespmem:s22+$0xFFFFFEB0];
	v7 =	vadd.s32 v7, v19  }
0xcb: {  	v25 =	vld [tilespmem:s22+$0xFFFFFEC0];
	v7 =	vadd.s32 v7, v20  }
0xcc: {  	v26 =	vld [tilespmem:s22+$0xFFFFFED0];
	v7 =	vadd.s32 v7, v21  }
0xcd: {  	v27 =	vld [tilespmem:s22+$0xFFFFFEE0];
	v7 =	vadd.s32 v7, v22  }
0xce: {  	v28 =	vld [tilespmem:s22+$0xFFFFFEF0];
	v7 =	vadd.s32 v7, v23  }
0xcf: {  	v29 =	vld [tilespmem:s22+$0xFFFFFF00];
	v7 =	vadd.s32 v7, v24  }
0xd0: {  	v30 =	vld [tilespmem:s22+$0xFFFFFD10];
	v7 =	vadd.s32 v7, v25  }
0xd1: {  	v31 =	vld [tilespmem:s22+$0xFFFFFD20];
	v7 =	vadd.s32 v7, v26  }
0xd2: {  	v32 =	vld [tilespmem:s22+$0xFFFFFD30];
	v7 =	vadd.s32 v7, v27  }
0xd3: {  	v33 =	vld [tilespmem:s22+$0xFFFFFD40];
	v7 =	vadd.s32 v7, v28  }
0xd4: {  	v34 =	vld [tilespmem:s22+$0xFFFFFD50];
	v7 =	vadd.s32 v7, v29  }
0xd5: {  	v35 =	vld [tilespmem:s22+$0xFFFFFD60];
	v7 =	vadd.s32 v7, v30  }
0xd6: {  	v36 =	vld [tilespmem:s22+$0xFFFFFD70];
	v7 =	vadd.s32 v7, v31  }
0xd7: {  	v37 =	vld [tilespmem:s22+$0xFFFFFD80];
	v7 =	vadd.s32 v7, v32  }
0xd8: {  	v38 =	vld [tilespmem:s22+$0xFFFFFF10];
	v7 =	vadd.s32 v7, v33  }
0xd9: {  	v39 =	vld [tilespmem:s22+$0xFFFFFF20];
	v7 =	vadd.s32 v7, v34  }
0xda: {  	v40 =	vld [tilespmem:s22+$0xFFFFFF30];
	v7 =	vadd.s32 v7, v35  }
0xdb: {  	v41 =	vld [tilespmem:s22+$0xFFFFFF40];
	v7 =	vadd.s32 v7, v36  }
0xdc: {  	v42 =	vld [tilespmem:s22+$0xFFFFFF50];
	v7 =	vadd.s32 v7, v37  }
0xdd: {  	v43 =	vld [tilespmem:s22+$0xFFFFFF60];
	v7 =	vadd.s32 v7, v38  }
0xde: {  	v44 =	vld [tilespmem:s22+$0xFFFFFF70];
	v7 =	vadd.s32 v7, v39  }
0xdf: {  	v45 =	vld [tilespmem:s22+$0xFFFFFF80];
	v7 =	vadd.s32 v7, v40  }
0xe0: {  	v46 =	vld [tilespmem:s22+$0xFFFFFD90];
	v7 =	vadd.s32 v7, v41  }
0xe1: {  	v47 =	vld [tilespmem:s22+$0xFFFFFDA0];
	v7 =	vadd.s32 v7, v42  }
0xe2: {  	v48 =	vld [tilespmem:s22+$0xFFFFFDB0];
	v7 =	vadd.s32 v7, v43  }
0xe3: {  	v49 =	vld [tilespmem:s22+$0xFFFFFDC0];
	v7 =	vadd.s32 v7, v44  }
0xe4: {  	v50 =	vld [tilespmem:s22+$0xFFFFFDD0];
	v7 =	vadd.s32 v7, v45  }
0xe5: {  	v51 =	vld [tilespmem:s22+$0xFFFFFDE0];
	v7 =	vadd.s32 v7, v46  }
0xe6: {  	v52 =	vld [tilespmem:s22+$0xFFFFFDF0];
	v7 =	vadd.s32 v7, v47  }
0xe7: {  	v53 =	vld [tilespmem:s22+$0xFFFFFE00];
	v7 =	vadd.s32 v7, v48  }
0xe8: {  	v54 =	vld [tilespmem:s22+$0xFFFFFF90];
	v7 =	vadd.s32 v7, v49  }
0xe9: {  	v55 =	vld [tilespmem:s22+$0xFFFFFFA0];
	v7 =	vadd.s32 v7, v50  }
0xea: {  	v56 =	vld [tilespmem:s22+$0xFFFFFFB0];
	v7 =	vadd.s32 v7, v51  }
0xeb: {  	v57 =	vld [tilespmem:s22+$0xFFFFFFC0];
	v7 =	vadd.s32 v7, v52  }
0xec: {  	v58 =	vld [tilespmem:s22+$0xFFFFFFD0];
	v7 =	vadd.s32 v7, v53  }
0xed: {  	v59 =	vld [tilespmem:s22+$0xFFFFFFE0];
	v7 =	vadd.s32 v7, v54  }
0xee: {  	v5 =	vadd.s32 v6, v5;
	v6 =	vadd.s32 v7, v55;
	v7 =	vld [tilespmem:s22+$0xFFFFFFF0]  }
0xef: {  	v4 =	vadd.s32 v5, v4;
	v5 =	vadd.s32 v6, v56;
	v6 =	vld [tilespmem:s22+$0x0]  }
0xf0: {  	v3 =	vadd.s32 v4, v3;
	v4 =	vadd.s32 v5, v57  }
0xf1: {  	(xrf0) =	vadd.scan.msk.s32 $0xffff, v3;
	v3 =	vadd.s32 v4, v58  }
0xf2: {  	v3 =	vadd.s32 v3, v59  }
0xf3: {  	v3 =	vadd.s32 v3, v7  }
0xf4: {  	v3 =	vadd.s32 v3, v6  }
0xf5: {  	(xrf0) =	vadd.scan.msk.s32 $0xffff, v3;
	_ =	sdelay $0x1  }
0xf6: {  	v3, _, _ =	vpop (xrf0)  }
0xf7: {  	(v2sf) =	vpush v3, $0xF;
	_ =	sdelay $0x2  }
0xf8: {  	v3, _, _ =	vpop (xrf0)  }
0xf9: {  	(v2sf) =	vpush v3, $0xF;
	_ =	sdelay $0xa  }
0xfa: {  	s0 =	spop (v2sf)  }
0xfb: {  	s0 =	sadd.s32 s21, s0  }
0xfc: {  	p1 =	seq.s32 s17, $0x0;
	p2 =	sgt.s32 s0, $0x20000  }
0xfd: {  	p1 =	por !p1, !p2  }
0xfe: {  	p1 =	por !p1, !p1;
	s1 =	spop (v2sf)  }
0xff: {  	s17 =	simm.s32 @p1 $0x1;
	s1 =	sadd.s32 s0, s1  }
0x100: {  	p6 =	seq.s32 s17, $0x0;
	p3 =	sgt.s32 s1, $0x20000  }
0x101: {  	p2 =	por !p6, !p3  }
0x102: {  	s18 =	smov.u32 @p1 s16;
	s15 =	smov.u32 @p1 s20;
	p1 =	por !p2, !p2  }
0x103: {  	s18 =	smov.u32 @p1 s19  }
0x104: {  	s16 =	sshll.u32 s18, $0xA;
	s19 =	sshll.u32 s18, $0x8  }
0x105: {  	s15 =	smov.u32 @p1 s0;
	s0 =	sor.u32 $0x3C0, s16;
	s1 =	sor.u32 $0xF0, s19  }
0x106: {  	s20 =	sand.u32 $0x70, s1;
	s21 =	sand.u32 $0xFFFFFE00, s0  }
0x107: {  	s16 =	sor.u32 s20, s21  }
0x108: {  	s20 =	sadd.s32 $0x11000, s16;
	v3 =	vld [tilespmem:s16+$0x11000]  }
0x109: {  	v4 =	vld [tilespmem:s20+$0x80]  }
0x10a: {  	v5 =	vld [tilespmem:s20+$0x100]  }
0x10b: {  	s0 =	sadd.s32 $0xFFFFFFC0, s0;
	s1 =	sadd.s32 $0xFFFFFFF0, s1;
	v6 =	vld [tilespmem:s20+$0x180]  }
0x10c: {  	s22 =	sand.u32 $0x70, s1;
	s23 =	sand.u32 $0xFFFFFE00, s0  }
0x10d: {  	s16 =	sor.u32 s22, s23  }
0x10e: {  	s0 =	sadd.s32 $0xFFFFFFC0, s0;
	s1 =	sadd.s32 $0xFFFFFFF0, s1;
	s24 =	sadd.s32 $0x11000, s16;
	v7 =	vld [tilespmem:s16+$0x11000];
	v3 =	vadd.s32 v3, v4  }
0x10f: {  	s25 =	sand.u32 $0x70, s1;
	s26 =	sand.u32 $0xFFFFFE00, s0;
	v60 =	vld [tilespmem:s24+$0x80];
	v3 =	vadd.s32 v3, v5  }
0x110: {  	s16 =	sor.u32 s25, s26;
	v61 =	vld [tilespmem:s24+$0x100];
	v3 =	vadd.s32 v3, v6  }
0x111: {  	s20 =	sadd.s32 $0x11000, s16;
	v5 =	vld [tilespmem:s16+$0x11000];
	(xrf0) =	vadd.scan.msk.s32 $0xffff, v3  }
0x112: {  	v6 =	vld [tilespmem:s20+$0x80]  }
0x113: {  	v62 =	vld [tilespmem:s24+$0x180];
	_ =	sdelay $0x2  }
0x114: {  	v4 =	vadd.s32 v7, v60  }
0x115: {  	v4 =	vadd.s32 v4, v61;
	v5 =	vadd.s32 v5, v6;
	v6, _, _ =	vpop (xrf0)  }
0x116: {  	v3 =	vadd.s32 v4, v62;
	(v2sf) =	vpush v6, $0xF  }
0x117: {  	(xrf0) =	vadd.scan.msk.s32 $0xffff, v3  }
0x118: {  	v4 =	vld [tilespmem:s20+$0x100];
	_ =	sdelay $0x1  }
0x119: {  	v3 =	vld [tilespmem:s20+$0x180]  }
0x11a: {  	s0 =	sadd.s32 $0xFFFFFFC0, s0;
	s1 =	sadd.s32 $0xFFFFFFF0, s1  }
0x11b: {  	s30 =	sand.u32 $0x70, s1;
	s31 =	sand.u32 $0xFFFFFE00, s0  }
0x11c: {  	s16 =	sor.u32 s30, s31;
	v4 =	vadd.s32 v5, v4;
	v5, _, _ =	vpop (xrf0)  }
0x11d: {  	s24 =	sadd.s32 $0x11000, s16;
	v7 =	vld [tilespmem:s16+$0x11000];
	(v2sf) =	vpush v5, $0xF  }
0x11e: {  	v63 =	vld [tilespmem:s24+$0x80];
	v3 =	vadd.s32 v4, v3  }
0x11f: {  	s28 =	simm.s32 $0xA;
	s17 =	sshll.u32 s18, $0x4;
	(xrf0) =	vadd.scan.msk.s32 $0xffff, v3  }
0x120: {  	s18 =	simm.s32 $0x0;
	s19 =	simm.s32 $0xF;
	s21 =	simm.s32 $0xB;
	v4 =	vld [tilespmem:s24+$0x100]  }
0x121: {  	s23 =	simm.s32 $0xE;
	s25 =	sadd.s32 $0xFFFFFFF0, s1;
	s26 =	sadd.s32 $0xFFFFFFC0, s0;
	v3 =	vld [tilespmem:s24+$0x180]  }
0x122: {  	s22 =	simm.s32 $0xD;
	s29 =	sand.u32 $0x70, s25;
	s0 =	sand.u32 $0xFFFFFE00, s26  }
0x123: {  	s16 =	simm.s32 $0x0;
	s20 =	simm.s32 $0xC;
	s24 =	smov.u32 s15;
	v5 =	vadd.s32 v7, v63  }
.LBB2_8:
0x124: {  	p1 =	sne.s32 s28, $0x0;
	s0 =	sor.u32 s29, s0;
	s1 =	spop (v2sf)  }
0x125: {  	v4 =	vadd.s32 v5, v4;
	v5, _, _ =	vpop (xrf0);
	s29 =	smov.u32 s24;
	s30 =	smov.u32 s22;
	s22 =	smov.u32 s20  }
0x126: {  	s20 =	smov.u32 s21;
	s31 =	sadd.s32 $0x11000, s0;
	v6 =	vld [tilespmem:s0+$0x11000];
	v3 =	vadd.s32 v4, v3;
	(v2sf) =	vpush v5, $0xF;
	s24 =	sadd.s32 s24, s1  }
0x127: {  	p2 =	seq.s32 s18, $0x0;
	s21 =	smov.u32 s28;
	v5 =	vld [tilespmem:s31+$0x80];
	(xrf0) =	vadd.scan.msk.s32 $0xffff, v3;
	p3 =	sgt.s32 s24, $0x20000  }
.Ltmp3:
0x128: {  	v4 =	vld [tilespmem:s31+$0x100];
	p2 =	por !p2, !p3;
	(pc) =	sbr.rel @p1 .LBB2_8-.Ltmp3, $4  }
0x129: {  	s0 =	sadd.s32 s19, s17;
	s19 =	smov.u32 s23;
	v3 =	vld [tilespmem:s31+$0x180];
	p2 =	por !p2, !p2  }
0x12a: {  	s23 =	smov.u32 s30;
	s16 =	smov.u32 @p2 s0;
	s18 =	simm.s32 @p2 $0x1  }
0x12b: {  	s26 =	sadd.s32 $0xFFFFFFC0, s26;
	s25 =	sadd.s32 $0xFFFFFFF0, s25;
	s15 =	smov.u32 @p2 s29  }
0x12c: {  	s28 =	sadd.s32 $0xFFFFFFFF, s28;
	s29 =	sand.u32 $0x70, s25;
	s0 =	sand.u32 $0xFFFFFE00, s26;
	v5 =	vadd.s32 v6, v5  }
0x12d: {  	s0 =	sor.u32 s29, s0  }
0x12e: {  	s1 =	sadd.s32 $0x11000, s0;
	v6 =	vld [tilespmem:s0+$0x11000]  }
0x12f: {  	v7 =	vld [tilespmem:s1+$0x80]  }
0x130: {  	v8 =	vld [tilespmem:s1+$0x100]  }
0x131: {  	v4 =	vadd.s32 v5, v4;
	v62 =	vld [tilespmem:s1+$0x180]  }
0x132: {  	v3 =	vadd.s32 v4, v3  }
0x133: {  	(xrf0) =	vadd.scan.msk.s32 $0xffff, v3  }
0x134: {  	v3 =	vadd.s32 v6, v7  }
0x135: {  	v63, _, _ =	vpop (xrf0);
	v3 =	vadd.s32 v3, v8  }
0x136: {  	(v2sf) =	vpush v63, $0xF;
	v3 =	vadd.s32 v3, v62  }
0x137: {  	(xrf0) =	vadd.scan.msk.s32 $0xffff, v3;
	_ =	sdelay $0x1  }
0x138: {  	v3, _, _ =	vpop (xrf0)  }
0x139: {  	(v2sf) =	vpush v3, $0xF;
	_ =	sdelay $0x2  }
0x13a: {  	s29 =	spop (v2sf);
	v3, _, _ =	vpop (xrf0)  }
0x13b: {  	s0 =	sadd.s32 s24, s29;
	(v2sf) =	vpush v3, $0xF  }
0x13c: {  	p1 =	seq.s32 s18, $0x0;
	p2 =	sgt.s32 s0, $0x20000  }
0x13d: {  	p1 =	por !p1, !p2  }
0x13e: {  	p1 =	por !p1, !p1;
	s30 =	spop (v2sf)  }
0x13f: {  	s18 =	simm.s32 @p1 $0x1;
	s1 =	sadd.s32 s0, s30  }
0x140: {  	p4 =	seq.s32 s18, $0x0;
	p3 =	sgt.s32 s1, $0x20000  }
0x141: {  	p2 =	por !p4, !p3  }
0x142: {  	p3 =	por !p2, !p2;
	s25 =	spop (v2sf)  }
0x143: {  	s18 =	simm.s32 @p3 $0x1;
	s25 =	sadd.s32 s1, s25  }
0x144: {  	p5 =	seq.s32 s18, $0x0;
	p4 =	sgt.s32 s25, $0x20000  }
0x145: {  	s19 =	sadd.s32 s19, s17;
	s23 =	sadd.s32 s23, s17;
	p2 =	por !p5, !p4  }
0x146: {  	s22 =	sadd.s32 s22, s17;
	p2 =	por !p2, !p2;
	s26 =	spop (v2sf)  }
0x147: {  	s16 =	smov.u32 @p1 s19;
	s18 =	simm.s32 @p2 $0x1;
	s19 =	sadd.s32 s25, s26  }
0x148: {  	s15 =	smov.u32 @p1 s24;
	p6 =	seq.s32 s18, $0x0;
	p5 =	sgt.s32 s19, $0x20000  }
0x149: {  	s16 =	smov.u32 @p3 s23;
	s15 =	smov.u32 @p3 s0;
	p6 =	por !p6, !p5  }
0x14a: {  	s16 =	smov.u32 @p2 s22;
	p1 =	por !p6, !p6;
	s31 =	spop (v2sf)  }
0x14b: {  	s15 =	smov.u32 @p2 s1;
	s18 =	simm.s32 @p1 $0x1;
	s0 =	sadd.s32 s19, s31  }
0x14c: {  	s1 =	simm.s32 $0x0;
	p4 =	seq.s32 s18, $0x0;
	p5 =	sgt.s32 s0, $0x20000  }
0x14d: {  	s15 =	smov.u32 @p1 s25;
	s0 =	sadd.s32 s20, s17;
	p6 =	por !p4, !p5  }
0x14e: {  	s16 =	smov.u32 @p1 s0;
	s0 =	sadd.s32 s21, s17;
	p2 =	por !p6, !p6  }
0x14f: {  	s16 =	smov.u32 @p2 s0;
	s15 =	smov.u32 @p2 s19;
	s0 =	simm.s32 $0x40  }
.LBB2_10:
0x150: {  	p1 =	sne.s32 s0, $0x3FC0;
	[tilespmem:s1+$0x10000] =	vst v0;
	s1 =	smov.u32 s0;
	s0 =	sadd.s32 $0x40, s0  }
.Ltmp4:
0x151: {  	(pc) =	sbr.rel @p1 .LBB2_10-.Ltmp4, $2  }
0x152: {  	_ =	sdelay $0x2  }
0x153: {  	s1 =	sshra.s32 s1, $0x2  }
0x154: {  	[tilespmem:s1+$0x10000] =	vst v0;
	v3 =	vmov s16;
	s0 =	simm.s32 $0x0;
	s17 =	simm.s32 $0x40  }
.LBB2_12:
0x155: {  	p1 =	sne.s32 s17, $0x3FFC0;
	v4 =	vld [tilespmem:s0+$0x0];
	_ =	sdelay $0x4  }
0x156: {  	v5 =	vshrl.u32 v4, $0x17  }
0x157: {  	v4 =	vshrl.u32 v4, $0xB;
	v5 =	vand.u32 $0xFF, v5  }
0x158: {  	v4 =	vand.u32 $0xFF0, v4;
	vm0 =	veq.s32 v5, v3  }
0x159: {  	v4 =	vor.u32 v1, v4  }
.Ltmp5:
0x15a: {  	(pc) =	sbr.rel @p1 .LBB2_12-.Ltmp5, $2  }
0x15b: {  	_ =	sdelay $0x2  }
0x15c: {  	s0 =	sshra.s32 s17, $0x2;
	s17 =	sadd.s32 $0x40, s17;
	[tilespmem:v4+s11+$0x0] =	vst.idx.add.s32.msk vm0, v2  }
0x15d: {  	v4 =	vld [tilespmem:s0+$0x0];
	_ =	sdelay $0x4  }
0x15e: {  	v5 =	vshrl.u32 v4, $0x17  }
0x15f: {  	v4 =	vshrl.u32 v4, $0xB;
	v5 =	vand.u32 $0xFF, v5  }
0x160: {  	vm0 =	veq.s32 v5, v3;
	v3 =	vand.u32 $0xFF0, v4  }
0x161: {  	v3 =	vor.u32 v1, v3;
	_ =	sdelay $0x4  }
0x162: {  	[tilespmem:v3+s11+$0x0] =	vst.idx.add.s32.msk vm0, v2  }
0x163: {  	[spmem:s5] =	stream.strided.scatter [tilespmem:s11], [sflag:$0x1], $0x1000, s12, s8, $0x38;
	[tilespmem:$0x16080] =	vst v63  }
0x164: {  	_ =	swait.ge [sflag:s10], $0x1000  }
0x165: {  	[sflag:s10] =	ssyncset.done $0x0  }
0x166: {  	[sflag:s10] =	ssyncadd.s32 $0xFFFFF000  }
0x167: {  	[bflag:$0x0] =	sbarrier.arrive $0xFFFF  }
0x168: {  	[tilespmem:s13], [sflag:$0x1] =	stream.linear.gather [spmem:s3], $0x4000, $0x38;
	[tilespmem:$0x16080] =	vst v63  }
0x169: {  	_ =	swait.ge [sflag:s10], $0x4000  }
0x16a: {  	[sflag:s10] =	ssyncset.done $0x0  }
0x16b: {  	[sflag:s10] =	ssyncadd.s32 $0xFFFFC000  }
0x16c: {  	s18 =	simm.s32 $0x14FF0;
	[bflag:$0x0] =	sbarrier.arrive $0xFFFF  }
0x16d: {  	v3 =	vld [tilespmem:s18+$0xFFFFFC10]  }
0x16e: {  	v4 =	vld [tilespmem:s18+$0xFFFFFC20]  }
0x16f: {  	v5 =	vld [tilespmem:s18+$0xFFFFFC30]  }
0x170: {  	v6 =	vld [tilespmem:s18+$0xFFFFFC40]  }
0x171: {  	v7 =	vld [tilespmem:s18+$0xFFFFFC50]  }
0x172: {  	v8 =	vld [tilespmem:s18+$0xFFFFFC60]  }
0x173: {  	v3 =	vadd.s32 v3, v4;
	v4 =	vld [tilespmem:s18+$0xFFFFFC70]  }
0x174: {  	v3 =	vadd.s32 v3, v5;
	v5 =	vld [tilespmem:s18+$0xFFFFFC80]  }
0x175: {  	v3 =	vadd.s32 v3, v6;
	v6 =	vld [tilespmem:s18+$0xFFFFFE10]  }
0x176: {  	v3 =	vadd.s32 v3, v7;
	v7 =	vld [tilespmem:s18+$0xFFFFFE20]  }
0x177: {  	v3 =	vadd.s32 v3, v8;
	v8 =	vld [tilespmem:s18+$0xFFFFFE30]  }
0x178: {  	v3 =	vadd.s32 v3, v4;
	v4 =	vld [tilespmem:s18+$0xFFFFFE40]  }
0x179: {  	v3 =	vadd.s32 v3, v5;
	v5 =	vld [tilespmem:s18+$0xFFFFFE50]  }
0x17a: {  	v3 =	vadd.s32 v3, v6;
	v6 =	vld [tilespmem:s18+$0xFFFFFE60]  }
0x17b: {  	v3 =	vadd.s32 v3, v7;
	v7 =	vld [tilespmem:s18+$0xFFFFFE70]  }
0x17c: {  	v3 =	vadd.s32 v3, v8;
	v8 =	vld [tilespmem:s18+$0xFFFFFE80]  }
0x17d: {  	v3 =	vadd.s32 v3, v4;
	v4 =	vld [tilespmem:s18+$0xFFFFFC90]  }
0x17e: {  	v3 =	vadd.s32 v3, v5;
	v5 =	vld [tilespmem:s18+$0xFFFFFCA0]  }
0x17f: {  	v3 =	vadd.s32 v3, v6;
	v6 =	vld [tilespmem:s18+$0xFFFFFCB0]  }
0x180: {  	v3 =	vadd.s32 v3, v7;
	v7 =	vld [tilespmem:s18+$0xFFFFFCC0]  }
0x181: {  	v3 =	vadd.s32 v3, v8;
	v8 =	vld [tilespmem:s18+$0xFFFFFCD0]  }
0x182: {  	v3 =	vadd.s32 v3, v4;
	v4 =	vld [tilespmem:s18+$0xFFFFFCE0]  }
0x183: {  	v3 =	vadd.s32 v3, v5;
	v5 =	vld [tilespmem:s18+$0xFFFFFCF0]  }
0x184: {  	v3 =	vadd.s32 v3, v6;
	v6 =	vld [tilespmem:s18+$0xFFFFFD00]  }
0x185: {  	v3 =	vadd.s32 v3, v7;
	v7 =	vld [tilespmem:s18+$0xFFFFFE90]  }
0x186: {  	v3 =	vadd.s32 v3, v8;
	v8 =	vld [tilespmem:s18+$0xFFFFFEA0]  }
0x187: {  	v3 =	vadd.s32 v3, v4;
	v4 =	vld [tilespmem:s18+$0xFFFFFEB0]  }
0x188: {  	v3 =	vadd.s32 v3, v5;
	v5 =	vld [tilespmem:s18+$0xFFFFFEC0]  }
0x189: {  	v3 =	vadd.s32 v3, v6;
	v6 =	vld [tilespmem:s18+$0xFFFFFED0]  }
0x18a: {  	v3 =	vadd.s32 v3, v7;
	v7 =	vld [tilespmem:s18+$0xFFFFFEE0]  }
0x18b: {  	v3 =	vadd.s32 v3, v8;
	v8 =	vld [tilespmem:s18+$0xFFFFFEF0]  }
0x18c: {  	v3 =	vadd.s32 v3, v4;
	v4 =	vld [tilespmem:s18+$0xFFFFFF00]  }
0x18d: {  	v3 =	vadd.s32 v3, v5;
	v5 =	vld [tilespmem:s18+$0xFFFFFD10]  }
0x18e: {  	v3 =	vadd.s32 v3, v6;
	v6 =	vld [tilespmem:s18+$0xFFFFFD20]  }
0x18f: {  	v3 =	vadd.s32 v3, v7;
	v7 =	vld [tilespmem:s18+$0xFFFFFD30]  }
0x190: {  	v3 =	vadd.s32 v3, v8;
	v8 =	vld [tilespmem:s18+$0xFFFFFD40]  }
0x191: {  	v3 =	vadd.s32 v3, v4;
	v4 =	vld [tilespmem:s18+$0xFFFFFD50]  }
0x192: {  	v3 =	vadd.s32 v3, v5;
	v5 =	vld [tilespmem:s18+$0xFFFFFD60]  }
0x193: {  	v3 =	vadd.s32 v3, v6;
	v6 =	vld [tilespmem:s18+$0xFFFFFD70]  }
0x194: {  	v3 =	vadd.s32 v3, v7;
	v7 =	vld [tilespmem:s18+$0xFFFFFD80]  }
0x195: {  	v3 =	vadd.s32 v3, v8;
	v8 =	vld [tilespmem:s18+$0xFFFFFF10]  }
0x196: {  	v3 =	vadd.s32 v3, v4;
	v4 =	vld [tilespmem:s18+$0xFFFFFF20]  }
0x197: {  	v3 =	vadd.s32 v3, v5;
	v5 =	vld [tilespmem:s18+$0xFFFFFF30]  }
0x198: {  	v3 =	vadd.s32 v3, v6;
	v6 =	vld [tilespmem:s18+$0xFFFFFF40]  }
0x199: {  	v3 =	vadd.s32 v3, v7;
	v7 =	vld [tilespmem:s18+$0xFFFFFF50]  }
0x19a: {  	v3 =	vadd.s32 v3, v8;
	v8 =	vld [tilespmem:s18+$0xFFFFFF60]  }
0x19b: {  	v3 =	vadd.s32 v3, v4;
	v4 =	vld [tilespmem:s18+$0xFFFFFF70]  }
0x19c: {  	v3 =	vadd.s32 v3, v5;
	v5 =	vld [tilespmem:s18+$0xFFFFFF80]  }
0x19d: {  	v3 =	vadd.s32 v3, v6;
	v6 =	vld [tilespmem:s18+$0xFFFFFD90]  }
0x19e: {  	v3 =	vadd.s32 v3, v7;
	v7 =	vld [tilespmem:s18+$0xFFFFFDA0]  }
0x19f: {  	v3 =	vadd.s32 v3, v8;
	v8 =	vld [tilespmem:s18+$0xFFFFFDB0]  }
0x1a0: {  	v3 =	vadd.s32 v3, v4;
	v4 =	vld [tilespmem:s18+$0xFFFFFDC0]  }
0x1a1: {  	v3 =	vadd.s32 v3, v5;
	v5 =	vld [tilespmem:s18+$0xFFFFFDD0]  }
0x1a2: {  	v3 =	vadd.s32 v3, v6;
	v6 =	vld [tilespmem:s18+$0xFFFFFDE0]  }
0x1a3: {  	v3 =	vadd.s32 v3, v7;
	v7 =	vld [tilespmem:s18+$0xFFFFFDF0]  }
0x1a4: {  	v3 =	vadd.s32 v3, v8;
	v8 =	vld [tilespmem:s18+$0xFFFFFE00]  }
0x1a5: {  	v3 =	vadd.s32 v3, v4;
	v4 =	vld [tilespmem:s18+$0xFFFFFF90]  }
0x1a6: {  	v9 =	vld [tilespmem:s18+$0xFFFFFFA0];
	v3 =	vadd.s32 v3, v5  }
0x1a7: {  	v3 =	vadd.s32 v3, v6;
	v6 =	vld [tilespmem:s18+$0xFFFFFFB0]  }
0x1a8: {  	v10 =	vld [tilespmem:s18+$0xFFFFFFC0];
	v3 =	vadd.s32 v3, v7  }
0x1a9: {  	v11 =	vld [tilespmem:s18+$0xFFFFFFD0];
	v3 =	vadd.s32 v3, v8  }
0x1aa: {  	v5 =	vld [tilespmem:s18+$0xFFFFFFE0];
	v3 =	vadd.s32 v3, v4  }
0x1ab: {  	s17 =	ssub.s32 $0x20001, s15;
	v4 =	vld [tilespmem:s18+$0xFFFFFFF0];
	v3 =	vadd.s32 v3, v9  }
0x1ac: {  	s20 =	simm.s32 $0x0;
	s19 =	simm.s32 $0xF;
	s25 =	simm.s32 $0x14BF0;
	v6 =	vadd.s32 v3, v6;
	v3 =	vld [tilespmem:s18+$0x0]  }
0x1ad: {  	s22 =	simm.s32 $0xE;
	s26 =	simm.s32 $0xD;
	s24 =	simm.s32 $0x0;
	v7 =	vld [tilespmem:s25+$0xFFFFFC10];
	v6 =	vadd.s32 v6, v10  }
0x1ae: {  	s21 =	simm.s32 $0x0;
	s23 =	simm.s32 $0x0;
	v8 =	vld [tilespmem:s25+$0xFFFFFC20];
	s18 =	simm.s32 $0x0;
	v6 =	vadd.s32 v6, v11  }
.LBB2_14:
0x1af: {  	p1 =	seq.s32 s26, $0x0;
	v9 =	vld [tilespmem:s25+$0xFFFFFC30];
	v5 =	vadd.s32 v6, v5  }
0x1b0: {  	v6 =	vld [tilespmem:s25+$0xFFFFFC40];
	v4 =	vadd.s32 v5, v4  }
0x1b1: {  	v5 =	vld [tilespmem:s25+$0xFFFFFC50];
	v3 =	vadd.s32 v4, v3  }
0x1b2: {  	v4 =	vld [tilespmem:s25+$0xFFFFFC60];
	(xrf0) =	vadd.scan.msk.s32 $0xffff, v3  }
0x1b3: {  	v3 =	vadd.s32 v7, v8;
	v7 =	vld [tilespmem:s25+$0xFFFFFC70]  }
0x1b4: {  	v3 =	vadd.s32 v3, v9;
	v8 =	vld [tilespmem:s25+$0xFFFFFC80]  }
0x1b5: {  	v3 =	vadd.s32 v3, v6;
	v6 =	vld [tilespmem:s25+$0xFFFFFE10]  }
0x1b6: {  	v3 =	vadd.s32 v3, v5;
	v5 =	vld [tilespmem:s25+$0xFFFFFE20]  }
0x1b7: {  	v3 =	vadd.s32 v3, v4;
	v4 =	vld [tilespmem:s25+$0xFFFFFE30]  }
0x1b8: {  	v3 =	vadd.s32 v3, v7;
	v7 =	vld [tilespmem:s25+$0xFFFFFE40];
	v9, _, _ =	vpop (xrf0)  }
0x1b9: {  	v3 =	vadd.s32 v3, v8;
	v8 =	vld [tilespmem:s25+$0xFFFFFE50];
	(v2sf) =	vpush v9, $0xF  }
0x1ba: {  	v3 =	vadd.s32 v3, v6;
	v6 =	vld [tilespmem:s25+$0xFFFFFE60]  }
0x1bb: {  	v3 =	vadd.s32 v3, v5;
	v5 =	vld [tilespmem:s25+$0xFFFFFE70]  }
0x1bc: {  	v3 =	vadd.s32 v3, v4;
	v4 =	vld [tilespmem:s25+$0xFFFFFE80]  }
0x1bd: {  	v3 =	vadd.s32 v3, v7;
	v7 =	vld [tilespmem:s25+$0xFFFFFC90]  }
0x1be: {  	v3 =	vadd.s32 v3, v8;
	v8 =	vld [tilespmem:s25+$0xFFFFFCA0]  }
0x1bf: {  	v3 =	vadd.s32 v3, v6;
	v6 =	vld [tilespmem:s25+$0xFFFFFCB0]  }
0x1c0: {  	v3 =	vadd.s32 v3, v5;
	v5 =	vld [tilespmem:s25+$0xFFFFFCC0]  }
0x1c1: {  	v3 =	vadd.s32 v3, v4;
	v4 =	vld [tilespmem:s25+$0xFFFFFCD0]  }
0x1c2: {  	v3 =	vadd.s32 v3, v7;
	v7 =	vld [tilespmem:s25+$0xFFFFFCE0]  }
0x1c3: {  	v3 =	vadd.s32 v3, v8;
	v8 =	vld [tilespmem:s25+$0xFFFFFCF0]  }
0x1c4: {  	v3 =	vadd.s32 v3, v6;
	v6 =	vld [tilespmem:s25+$0xFFFFFD00]  }
0x1c5: {  	v3 =	vadd.s32 v3, v5;
	v5 =	vld [tilespmem:s25+$0xFFFFFE90]  }
0x1c6: {  	v3 =	vadd.s32 v3, v4;
	v4 =	vld [tilespmem:s25+$0xFFFFFEA0]  }
0x1c7: {  	v3 =	vadd.s32 v3, v7;
	v7 =	vld [tilespmem:s25+$0xFFFFFEB0]  }
0x1c8: {  	v3 =	vadd.s32 v3, v8;
	v8 =	vld [tilespmem:s25+$0xFFFFFEC0];
	s0 =	spop (v2sf)  }
0x1c9: {  	v3 =	vadd.s32 v3, v6;
	v6 =	vld [tilespmem:s25+$0xFFFFFED0];
	s24 =	sadd.s32 s24, s0  }
0x1ca: {  	p2 =	seq.s32 s20, $0x0;
	v3 =	vadd.s32 v3, v5;
	v5 =	vld [tilespmem:s25+$0xFFFFFEE0];
	p3 =	sge.s32 s24, s17  }
0x1cb: {  	v3 =	vadd.s32 v3, v4;
	v4 =	vld [tilespmem:s25+$0xFFFFFEF0];
	p2 =	por !p2, !p3  }
0x1cc: {  	v3 =	vadd.s32 v3, v7;
	v7 =	vld [tilespmem:s25+$0xFFFFFF00];
	p2 =	por !p2, !p2  }
0x1cd: {  	v3 =	vadd.s32 v3, v8;
	v8 =	vld [tilespmem:s25+$0xFFFFFD10];
	s21 =	smov.u32 @p2 s19;
	s20 =	simm.s32 @p2 $0x1;
	s19 =	smov.u32 s22  }
0x1ce: {  	s18 =	smov.u32 @p2 s23;
	s23 =	smov.u32 s24;
	s22 =	smov.u32 s26;
	v3 =	vadd.s32 v3, v6;
	v6 =	vld [tilespmem:s25+$0xFFFFFD20]  }
0x1cf: {  	v3 =	vadd.s32 v3, v5;
	v5 =	vld [tilespmem:s25+$0xFFFFFD30]  }
0x1d0: {  	v3 =	vadd.s32 v3, v4;
	v4 =	vld [tilespmem:s25+$0xFFFFFD40]  }
0x1d1: {  	v3 =	vadd.s32 v3, v7;
	v7 =	vld [tilespmem:s25+$0xFFFFFD50]  }
0x1d2: {  	v3 =	vadd.s32 v3, v8;
	v8 =	vld [tilespmem:s25+$0xFFFFFD60]  }
0x1d3: {  	v3 =	vadd.s32 v3, v6;
	v6 =	vld [tilespmem:s25+$0xFFFFFD70]  }
0x1d4: {  	v3 =	vadd.s32 v3, v5;
	v5 =	vld [tilespmem:s25+$0xFFFFFD80]  }
0x1d5: {  	v3 =	vadd.s32 v3, v4;
	v4 =	vld [tilespmem:s25+$0xFFFFFF10]  }
0x1d6: {  	v3 =	vadd.s32 v3, v7;
	v7 =	vld [tilespmem:s25+$0xFFFFFF20]  }
0x1d7: {  	v3 =	vadd.s32 v3, v8;
	v8 =	vld [tilespmem:s25+$0xFFFFFF30]  }
0x1d8: {  	v3 =	vadd.s32 v3, v6;
	v6 =	vld [tilespmem:s25+$0xFFFFFF40]  }
0x1d9: {  	v3 =	vadd.s32 v3, v5;
	v5 =	vld [tilespmem:s25+$0xFFFFFF50]  }
0x1da: {  	v3 =	vadd.s32 v3, v4;
	v4 =	vld [tilespmem:s25+$0xFFFFFF60]  }
0x1db: {  	v3 =	vadd.s32 v3, v7;
	v7 =	vld [tilespmem:s25+$0xFFFFFF70]  }
0x1dc: {  	v3 =	vadd.s32 v3, v8;
	v8 =	vld [tilespmem:s25+$0xFFFFFF80]  }
0x1dd: {  	v3 =	vadd.s32 v3, v6;
	v6 =	vld [tilespmem:s25+$0xFFFFFD90]  }
0x1de: {  	v3 =	vadd.s32 v3, v5;
	v5 =	vld [tilespmem:s25+$0xFFFFFDA0]  }
0x1df: {  	v3 =	vadd.s32 v3, v4;
	v4 =	vld [tilespmem:s25+$0xFFFFFDB0]  }
0x1e0: {  	v3 =	vadd.s32 v3, v7;
	v7 =	vld [tilespmem:s25+$0xFFFFFDC0]  }
0x1e1: {  	v3 =	vadd.s32 v3, v8;
	v8 =	vld [tilespmem:s25+$0xFFFFFDD0]  }
0x1e2: {  	v3 =	vadd.s32 v3, v6;
	v6 =	vld [tilespmem:s25+$0xFFFFFDE0]  }
0x1e3: {  	v3 =	vadd.s32 v3, v5;
	v5 =	vld [tilespmem:s25+$0xFFFFFDF0]  }
0x1e4: {  	v3 =	vadd.s32 v3, v4;
	v4 =	vld [tilespmem:s25+$0xFFFFFE00]  }
0x1e5: {  	v3 =	vadd.s32 v3, v7;
	v7 =	vld [tilespmem:s25+$0xFFFFFF90]  }
0x1e6: {  	v3 =	vadd.s32 v3, v8;
	v8 =	vld [tilespmem:s25+$0xFFFFFFA0]  }
0x1e7: {  	v3 =	vadd.s32 v3, v6;
	v6 =	vld [tilespmem:s25+$0xFFFFFFB0]  }
0x1e8: {  	v3 =	vadd.s32 v3, v5;
	v9 =	vld [tilespmem:s25+$0xFFFFFFC0]  }
0x1e9: {  	v3 =	vadd.s32 v3, v4;
	v10 =	vld [tilespmem:s25+$0xFFFFFFD0]  }
.Ltmp6:
0x1ea: {  	v3 =	vadd.s32 v3, v7;
	v5 =	vld [tilespmem:s25+$0xFFFFFFE0];
	(pc) =	sbr.rel @!p1 .LBB2_14-.Ltmp6, $4  }
0x1eb: {  	v3 =	vadd.s32 v3, v8;
	v4 =	vld [tilespmem:s25+$0xFFFFFFF0]  }
0x1ec: {  	v6 =	vadd.s32 v3, v6;
	v3 =	vld [tilespmem:s25+$0x0];
	s25 =	sadd.s32 $0xFFFFFC00, s25  }
0x1ed: {  	v7 =	vld [tilespmem:s25+$0xFFFFFC10];
	v6 =	vadd.s32 v6, v9  }
0x1ee: {  	s26 =	sadd.s32 $0xFFFFFFFF, s26;
	v8 =	vld [tilespmem:s25+$0xFFFFFC20];
	v6 =	vadd.s32 v6, v10  }
0x1ef: {  	v9 =	vld [tilespmem:s25+$0xFFFFFC30]  }
0x1f0: {  	v10 =	vld [tilespmem:s25+$0xFFFFFC40]  }
0x1f1: {  	v11 =	vld [tilespmem:s25+$0xFFFFFC50]  }
0x1f2: {  	v12 =	vld [tilespmem:s25+$0xFFFFFC60]  }
0x1f3: {  	v52 =	vld [tilespmem:s25+$0xFFFFFC70];
	v7 =	vadd.s32 v7, v8  }
0x1f4: {  	v53 =	vld [tilespmem:s25+$0xFFFFFC80];
	v7 =	vadd.s32 v7, v9  }
0x1f5: {  	v54 =	vld [tilespmem:s25+$0xFFFFFE10];
	v7 =	vadd.s32 v7, v10  }
0x1f6: {  	v55 =	vld [tilespmem:s25+$0xFFFFFE20];
	v7 =	vadd.s32 v7, v11  }
0x1f7: {  	v56 =	vld [tilespmem:s25+$0xFFFFFE30];
	v7 =	vadd.s32 v7, v12  }
0x1f8: {  	v57 =	vld [tilespmem:s25+$0xFFFFFE40];
	v7 =	vadd.s32 v7, v52  }
0x1f9: {  	v58 =	vld [tilespmem:s25+$0xFFFFFE50];
	v7 =	vadd.s32 v7, v53  }
0x1fa: {  	v59 =	vld [tilespmem:s25+$0xFFFFFE60];
	v7 =	vadd.s32 v7, v54  }
0x1fb: {  	v60 =	vld [tilespmem:s25+$0xFFFFFE70];
	v7 =	vadd.s32 v7, v55  }
0x1fc: {  	v61 =	vld [tilespmem:s25+$0xFFFFFE80];
	v7 =	vadd.s32 v7, v56  }
0x1fd: {  	v62 =	vld [tilespmem:s25+$0xFFFFFC90];
	v7 =	vadd.s32 v7, v57  }
0x1fe: {  	v63 =	vld [tilespmem:s25+$0xFFFFFCA0];
	v7 =	vadd.s32 v7, v58  }
0x1ff: {  	v16 =	vld [tilespmem:s25+$0xFFFFFCB0];
	v7 =	vadd.s32 v7, v59  }
0x200: {  	v17 =	vld [tilespmem:s25+$0xFFFFFCC0];
	v7 =	vadd.s32 v7, v60  }
0x201: {  	v18 =	vld [tilespmem:s25+$0xFFFFFCD0];
	v7 =	vadd.s32 v7, v61  }
0x202: {  	v19 =	vld [tilespmem:s25+$0xFFFFFCE0];
	v7 =	vadd.s32 v7, v62  }
0x203: {  	v20 =	vld [tilespmem:s25+$0xFFFFFCF0];
	v7 =	vadd.s32 v7, v63  }
0x204: {  	v21 =	vld [tilespmem:s25+$0xFFFFFD00];
	v7 =	vadd.s32 v7, v16  }
0x205: {  	v22 =	vld [tilespmem:s25+$0xFFFFFE90];
	v7 =	vadd.s32 v7, v17  }
0x206: {  	v23 =	vld [tilespmem:s25+$0xFFFFFEA0];
	v7 =	vadd.s32 v7, v18  }
0x207: {  	v24 =	vld [tilespmem:s25+$0xFFFFFEB0];
	v7 =	vadd.s32 v7, v19  }
0x208: {  	v25 =	vld [tilespmem:s25+$0xFFFFFEC0];
	v7 =	vadd.s32 v7, v20  }
0x209: {  	v26 =	vld [tilespmem:s25+$0xFFFFFED0];
	v7 =	vadd.s32 v7, v21  }
0x20a: {  	v27 =	vld [tilespmem:s25+$0xFFFFFEE0];
	v7 =	vadd.s32 v7, v22  }
0x20b: {  	v28 =	vld [tilespmem:s25+$0xFFFFFEF0];
	v7 =	vadd.s32 v7, v23  }
0x20c: {  	v29 =	vld [tilespmem:s25+$0xFFFFFF00];
	v7 =	vadd.s32 v7, v24  }
0x20d: {  	v30 =	vld [tilespmem:s25+$0xFFFFFD10];
	v7 =	vadd.s32 v7, v25  }
0x20e: {  	v31 =	vld [tilespmem:s25+$0xFFFFFD20];
	v7 =	vadd.s32 v7, v26  }
0x20f: {  	v32 =	vld [tilespmem:s25+$0xFFFFFD30];
	v7 =	vadd.s32 v7, v27  }
0x210: {  	v33 =	vld [tilespmem:s25+$0xFFFFFD40];
	v7 =	vadd.s32 v7, v28  }
0x211: {  	v34 =	vld [tilespmem:s25+$0xFFFFFD50];
	v7 =	vadd.s32 v7, v29  }
0x212: {  	v35 =	vld [tilespmem:s25+$0xFFFFFD60];
	v7 =	vadd.s32 v7, v30  }
0x213: {  	v36 =	vld [tilespmem:s25+$0xFFFFFD70];
	v7 =	vadd.s32 v7, v31  }
0x214: {  	v37 =	vld [tilespmem:s25+$0xFFFFFD80];
	v7 =	vadd.s32 v7, v32  }
0x215: {  	v38 =	vld [tilespmem:s25+$0xFFFFFF10];
	v7 =	vadd.s32 v7, v33  }
0x216: {  	v39 =	vld [tilespmem:s25+$0xFFFFFF20];
	v7 =	vadd.s32 v7, v34  }
0x217: {  	v40 =	vld [tilespmem:s25+$0xFFFFFF30];
	v7 =	vadd.s32 v7, v35  }
0x218: {  	v41 =	vld [tilespmem:s25+$0xFFFFFF40];
	v7 =	vadd.s32 v7, v36  }
0x219: {  	v42 =	vld [tilespmem:s25+$0xFFFFFF50];
	v7 =	vadd.s32 v7, v37  }
0x21a: {  	v43 =	vld [tilespmem:s25+$0xFFFFFF60];
	v7 =	vadd.s32 v7, v38  }
0x21b: {  	v44 =	vld [tilespmem:s25+$0xFFFFFF70];
	v7 =	vadd.s32 v7, v39  }
0x21c: {  	v45 =	vld [tilespmem:s25+$0xFFFFFF80];
	v7 =	vadd.s32 v7, v40  }
0x21d: {  	v46 =	vld [tilespmem:s25+$0xFFFFFD90];
	v7 =	vadd.s32 v7, v41  }
0x21e: {  	v47 =	vld [tilespmem:s25+$0xFFFFFDA0];
	v7 =	vadd.s32 v7, v42  }
0x21f: {  	v48 =	vld [tilespmem:s25+$0xFFFFFDB0];
	v7 =	vadd.s32 v7, v43  }
0x220: {  	v49 =	vld [tilespmem:s25+$0xFFFFFDC0];
	v7 =	vadd.s32 v7, v44  }
0x221: {  	v50 =	vld [tilespmem:s25+$0xFFFFFDD0];
	v7 =	vadd.s32 v7, v45  }
0x222: {  	v51 =	vld [tilespmem:s25+$0xFFFFFDE0];
	v7 =	vadd.s32 v7, v46  }
0x223: {  	v52 =	vld [tilespmem:s25+$0xFFFFFDF0];
	v7 =	vadd.s32 v7, v47  }
0x224: {  	v53 =	vld [tilespmem:s25+$0xFFFFFE00];
	v7 =	vadd.s32 v7, v48  }
0x225: {  	v54 =	vld [tilespmem:s25+$0xFFFFFF90];
	v7 =	vadd.s32 v7, v49  }
0x226: {  	v55 =	vld [tilespmem:s25+$0xFFFFFFA0];
	v7 =	vadd.s32 v7, v50  }
0x227: {  	v56 =	vld [tilespmem:s25+$0xFFFFFFB0];
	v7 =	vadd.s32 v7, v51  }
0x228: {  	v57 =	vld [tilespmem:s25+$0xFFFFFFC0];
	v7 =	vadd.s32 v7, v52  }
0x229: {  	v58 =	vld [tilespmem:s25+$0xFFFFFFD0];
	v7 =	vadd.s32 v7, v53  }
0x22a: {  	v59 =	vld [tilespmem:s25+$0xFFFFFFE0];
	v7 =	vadd.s32 v7, v54  }
0x22b: {  	v5 =	vadd.s32 v6, v5;
	v6 =	vadd.s32 v7, v55;
	v7 =	vld [tilespmem:s25+$0xFFFFFFF0]  }
0x22c: {  	v4 =	vadd.s32 v5, v4;
	v5 =	vadd.s32 v6, v56;
	v6 =	vld [tilespmem:s25+$0x0]  }
0x22d: {  	v3 =	vadd.s32 v4, v3;
	v4 =	vadd.s32 v5, v57  }
0x22e: {  	(xrf0) =	vadd.scan.msk.s32 $0xffff, v3;
	v3 =	vadd.s32 v4, v58  }
0x22f: {  	v3 =	vadd.s32 v3, v59  }
0x230: {  	v3 =	vadd.s32 v3, v7  }
0x231: {  	v3 =	vadd.s32 v3, v6  }
0x232: {  	(xrf0) =	vadd.scan.msk.s32 $0xffff, v3;
	_ =	sdelay $0x1  }
0x233: {  	v3, _, _ =	vpop (xrf0)  }
0x234: {  	(v2sf) =	vpush v3, $0xF;
	_ =	sdelay $0x2  }
0x235: {  	v3, _, _ =	vpop (xrf0)  }
0x236: {  	(v2sf) =	vpush v3, $0xF;
	_ =	sdelay $0xa  }
0x237: {  	s0 =	spop (v2sf)  }
0x238: {  	s0 =	sadd.s32 s24, s0  }
0x239: {  	p1 =	seq.s32 s20, $0x0;
	p2 =	sge.s32 s0, s17  }
0x23a: {  	p1 =	por !p1, !p2  }
0x23b: {  	p1 =	por !p1, !p1;
	s1 =	spop (v2sf)  }
0x23c: {  	s20 =	simm.s32 @p1 $0x1;
	s1 =	sadd.s32 s0, s1  }
0x23d: {  	p6 =	seq.s32 s20, $0x0;
	p3 =	sge.s32 s1, s17  }
0x23e: {  	p2 =	por !p6, !p3  }
0x23f: {  	s21 =	smov.u32 @p1 s19;
	s18 =	smov.u32 @p1 s23;
	p1 =	por !p2, !p2  }
0x240: {  	s21 =	smov.u32 @p1 s22  }
0x241: {  	s23 =	sshll.u32 s21, $0xA;
	s24 =	sshll.u32 s21, $0x8  }
0x242: {  	s18 =	smov.u32 @p1 s0;
	s0 =	sor.u32 $0x3C0, s23;
	s1 =	sor.u32 $0xF0, s24  }
0x243: {  	s25 =	sand.u32 $0x70, s1;
	s26 =	sand.u32 $0xFFFFFE00, s0  }
0x244: {  	s22 =	sor.u32 s25, s26  }
0x245: {  	s23 =	sadd.s32 $0x11000, s22;
	v3 =	vld [tilespmem:s22+$0x11000]  }
0x246: {  	v4 =	vld [tilespmem:s23+$0x80]  }
0x247: {  	v5 =	vld [tilespmem:s23+$0x100]  }
0x248: {  	s0 =	sadd.s32 $0xFFFFFFC0, s0;
	s1 =	sadd.s32 $0xFFFFFFF0, s1;
	v6 =	vld [tilespmem:s23+$0x180]  }
0x249: {  	s2 =	sand.u32 $0x70, s1;
	s4 =	sand.u32 $0xFFFFFE00, s0  }
0x24a: {  	s22 =	sor.u32 s2, s4  }
0x24b: {  	s0 =	sadd.s32 $0xFFFFFFC0, s0;
	s1 =	sadd.s32 $0xFFFFFFF0, s1;
	s9 =	sadd.s32 $0x11000, s22;
	v7 =	vld [tilespmem:s22+$0x11000];
	v3 =	vadd.s32 v3, v4  }
0x24c: {  	s24 =	sand.u32 $0xFFFFFE00, s0;
	s23 =	sand.u32 $0x70, s1;
	v60 =	vld [tilespmem:s9+$0x80];
	v3 =	vadd.s32 v3, v5  }
0x24d: {  	v61 =	vld [tilespmem:s9+$0x100];
	s22 =	sor.u32 s23, s24;
	v3 =	vadd.s32 v3, v6  }
0x24e: {  	s23 =	sadd.s32 $0x11000, s22;
	v5 =	vld [tilespmem:s22+$0x11000];
	(xrf0) =	vadd.scan.msk.s32 $0xffff, v3  }
0x24f: {  	v6 =	vld [tilespmem:s23+$0x80]  }
0x250: {  	v62 =	vld [tilespmem:s9+$0x180];
	_ =	sdelay $0x2  }
0x251: {  	v4 =	vadd.s32 v7, v60  }
0x252: {  	v4 =	vadd.s32 v4, v61;
	v5 =	vadd.s32 v5, v6;
	v6, _, _ =	vpop (xrf0)  }
0x253: {  	v3 =	vadd.s32 v4, v62;
	(v2sf) =	vpush v6, $0xF  }
0x254: {  	(xrf0) =	vadd.scan.msk.s32 $0xffff, v3  }
0x255: {  	v4 =	vld [tilespmem:s23+$0x100];
	_ =	sdelay $0x1  }
0x256: {  	v3 =	vld [tilespmem:s23+$0x180]  }
0x257: {  	s0 =	sadd.s32 $0xFFFFFFC0, s0;
	s1 =	sadd.s32 $0xFFFFFFF0, s1  }
0x258: {  	s26 =	sand.u32 $0xFFFFFE00, s0;
	s25 =	sand.u32 $0x70, s1  }
0x259: {  	s22 =	sor.u32 s25, s26;
	v4 =	vadd.s32 v5, v4;
	v5, _, _ =	vpop (xrf0)  }
0x25a: {  	s28 =	sadd.s32 $0x11000, s22;
	v7 =	vld [tilespmem:s22+$0x11000];
	(v2sf) =	vpush v5, $0xF  }
0x25b: {  	v63 =	vld [tilespmem:s28+$0x80];
	v3 =	vadd.s32 v4, v3  }
0x25c: {  	s31 =	simm.s32 $0xA;
	s20 =	simm.s32 $0x0;
	(xrf0) =	vadd.scan.msk.s32 $0xffff, v3  }
0x25d: {  	s19 =	sshll.u32 s21, $0x4;
	s21 =	simm.s32 $0xF;
	s30 =	sadd.s32 $0xFFFFFFC0, s0;
	v4 =	vld [tilespmem:s28+$0x100]  }
0x25e: {  	s29 =	sadd.s32 $0xFFFFFFF0, s1;
	s24 =	simm.s32 $0xB;
	s1 =	sand.u32 $0xFFFFFE00, s30;
	v3 =	vld [tilespmem:s28+$0x180]  }
0x25f: {  	s0 =	sand.u32 $0x70, s29;
	s26 =	simm.s32 $0xE;
	s25 =	simm.s32 $0xD  }
0x260: {  	s22 =	simm.s32 $0x0;
	s23 =	simm.s32 $0xC;
	s28 =	smov.u32 s18;
	v5 =	vadd.s32 v7, v63  }
.LBB2_16:
0x261: {  	p1 =	sne.s32 s31, $0x0;
	s0 =	sor.u32 s0, s1;
	s1 =	spop (v2sf)  }
0x262: {  	v4 =	vadd.s32 v5, v4;
	v5, _, _ =	vpop (xrf0);
	s9 =	smov.u32 s28;
	s2 =	smov.u32 s25;
	s25 =	smov.u32 s23  }
0x263: {  	s23 =	smov.u32 s24;
	s4 =	sadd.s32 $0x11000, s0;
	v6 =	vld [tilespmem:s0+$0x11000];
	v3 =	vadd.s32 v4, v3;
	(v2sf) =	vpush v5, $0xF;
	s28 =	sadd.s32 s28, s1  }
0x264: {  	p2 =	seq.s32 s20, $0x0;
	s24 =	smov.u32 s31;
	v5 =	vld [tilespmem:s4+$0x80];
	(xrf0) =	vadd.scan.msk.s32 $0xffff, v3;
	p3 =	sge.s32 s28, s17  }
.Ltmp7:
0x265: {  	v4 =	vld [tilespmem:s4+$0x100];
	p2 =	por !p2, !p3;
	(pc) =	sbr.rel @p1 .LBB2_16-.Ltmp7, $4  }
0x266: {  	s0 =	sadd.s32 s21, s19;
	s21 =	smov.u32 s26;
	v3 =	vld [tilespmem:s4+$0x180];
	p2 =	por !p2, !p2  }
0x267: {  	s26 =	smov.u32 s2;
	s22 =	smov.u32 @p2 s0;
	s20 =	simm.s32 @p2 $0x1  }
0x268: {  	s30 =	sadd.s32 $0xFFFFFFC0, s30;
	s29 =	sadd.s32 $0xFFFFFFF0, s29;
	s18 =	smov.u32 @p2 s9  }
0x269: {  	s31 =	sadd.s32 $0xFFFFFFFF, s31;
	s1 =	sand.u32 $0xFFFFFE00, s30;
	s0 =	sand.u32 $0x70, s29;
	v5 =	vadd.s32 v6, v5  }
0x26a: {  	s0 =	sor.u32 s0, s1  }
0x26b: {  	s1 =	sadd.s32 $0x11000, s0;
	v6 =	vld [tilespmem:s0+$0x11000]  }
0x26c: {  	v7 =	vld [tilespmem:s1+$0x80]  }
0x26d: {  	v8 =	vld [tilespmem:s1+$0x100]  }
0x26e: {  	v4 =	vadd.s32 v5, v4;
	v62 =	vld [tilespmem:s1+$0x180]  }
0x26f: {  	v3 =	vadd.s32 v4, v3  }
0x270: {  	(xrf0) =	vadd.scan.msk.s32 $0xffff, v3  }
0x271: {  	v3 =	vadd.s32 v6, v7  }
0x272: {  	v63, _, _ =	vpop (xrf0);
	v3 =	vadd.s32 v3, v8  }
0x273: {  	(v2sf) =	vpush v63, $0xF;
	v3 =	vadd.s32 v3, v62  }
0x274: {  	(xrf0) =	vadd.scan.msk.s32 $0xffff, v3;
	_ =	sdelay $0x1  }
0x275: {  	v3, _, _ =	vpop (xrf0)  }
0x276: {  	(v2sf) =	vpush v3, $0xF;
	_ =	sdelay $0x2  }
0x277: {  	s29 =	spop (v2sf);
	v3, _, _ =	vpop (xrf0)  }
0x278: {  	s0 =	sadd.s32 s28, s29;
	(v2sf) =	vpush v3, $0xF  }
0x279: {  	p1 =	seq.s32 s20, $0x0;
	p2 =	sge.s32 s0, s17  }
0x27a: {  	p1 =	por !p1, !p2  }
0x27b: {  	p1 =	por !p1, !p1;
	s30 =	spop (v2sf)  }
0x27c: {  	s20 =	simm.s32 @p1 $0x1;
	s1 =	sadd.s32 s0, s30  }
0x27d: {  	p4 =	seq.s32 s20, $0x0;
	p3 =	sge.s32 s1, s17  }
0x27e: {  	p2 =	por !p4, !p3  }
0x27f: {  	p3 =	por !p2, !p2;
	s2 =	spop (v2sf)  }
0x280: {  	s20 =	simm.s32 @p3 $0x1;
	s2 =	sadd.s32 s1, s2  }
0x281: {  	s4 =	sadd.s32 s21, s19;
	p5 =	seq.s32 s20, $0x0;
	p4 =	sge.s32 s2, s17  }
0x282: {  	s22 =	smov.u32 @p1 s4;
	p2 =	por !p5, !p4  }
0x283: {  	s18 =	smov.u32 @p1 s28;
	p2 =	por !p2, !p2;
	s9 =	spop (v2sf)  }
0x284: {  	s18 =	smov.u32 @p3 s0;
	s20 =	simm.s32 @p2 $0x1;
	s4 =	sadd.s32 s2, s9  }
0x285: {  	s18 =	smov.u32 @p2 s1;
	p6 =	seq.s32 s20, $0x0;
	p5 =	sge.s32 s4, s17  }
0x286: {  	s1 =	simm.s32 $0x0;
	s9 =	sadd.s32 s26, s19;
	p6 =	por !p6, !p5  }
0x287: {  	s22 =	smov.u32 @p3 s9;
	p1 =	por !p6, !p6;
	s31 =	spop (v2sf)  }
0x288: {  	s9 =	sadd.s32 s25, s19;
	s20 =	simm.s32 @p1 $0x1;
	s0 =	sadd.s32 s4, s31  }
0x289: {  	s22 =	smov.u32 @p2 s9;
	p4 =	seq.s32 s20, $0x0;
	p5 =	sge.s32 s0, s17  }
0x28a: {  	s18 =	smov.u32 @p1 s2;
	s0 =	sadd.s32 s23, s19;
	p6 =	por !p4, !p5  }
0x28b: {  	s22 =	smov.u32 @p1 s0;
	s0 =	sadd.s32 s24, s19;
	p2 =	por !p6, !p6  }
0x28c: {  	s22 =	smov.u32 @p2 s0;
	s18 =	smov.u32 @p2 s4;
	s0 =	simm.s32 $0x40  }
.LBB2_18:
0x28d: {  	p1 =	sne.s32 s0, $0x3FC0;
	[tilespmem:s1+$0x10000] =	vst v0;
	s1 =	smov.u32 s0;
	s0 =	sadd.s32 $0x40, s0  }
.Ltmp8:
0x28e: {  	(pc) =	sbr.rel @p1 .LBB2_18-.Ltmp8, $2  }
0x28f: {  	_ =	sdelay $0x2  }
0x290: {  	s1 =	sshra.s32 s1, $0x2  }
0x291: {  	s0 =	sshll.u32 s16, $0x8  }
0x292: {  	s16 =	sor.u32 s0, s22  }
0x293: {  	[tilespmem:s1+$0x10000] =	vst v0;
	s17 =	simm.s32 $0x40;
	s0 =	simm.s32 $0x0;
	v3 =	vmov s16  }
.LBB2_20:
0x294: {  	p1 =	sne.s32 s17, $0x3FFC0;
	v4 =	vld [tilespmem:s0+$0x0];
	_ =	sdelay $0x4  }
0x295: {  	v5 =	vshrl.u32 v4, $0xF  }
0x296: {  	v4 =	vshrl.u32 v4, $0x3;
	v5 =	vand.u32 $0xFFFF, v5  }
0x297: {  	v4 =	vand.u32 $0xFF0, v4;
	vm0 =	veq.s32 v5, v3  }
0x298: {  	v4 =	vor.u32 v1, v4  }
.Ltmp9:
0x299: {  	(pc) =	sbr.rel @p1 .LBB2_20-.Ltmp9, $2  }
0x29a: {  	_ =	sdelay $0x2  }
0x29b: {  	s0 =	sshra.s32 s17, $0x2;
	s17 =	sadd.s32 $0x40, s17;
	[tilespmem:v4+s11+$0x0] =	vst.idx.add.s32.msk vm0, v2  }
0x29c: {  	v4 =	vld [tilespmem:s0+$0x0];
	_ =	sdelay $0x4  }
0x29d: {  	v5 =	vshrl.u32 v4, $0xF  }
0x29e: {  	v4 =	vshrl.u32 v4, $0x3;
	v5 =	vand.u32 $0xFFFF, v5  }
0x29f: {  	vm0 =	veq.s32 v5, v3;
	v3 =	vand.u32 $0xFF0, v4  }
0x2a0: {  	v3 =	vor.u32 v1, v3;
	_ =	sdelay $0x4  }
0x2a1: {  	[tilespmem:v3+s11+$0x0] =	vst.idx.add.s32.msk vm0, v2  }
0x2a2: {  	[spmem:s5] =	stream.strided.scatter [tilespmem:s11], [sflag:$0x1], $0x1000, s12, s8, $0x38;
	[tilespmem:$0x16080] =	vst v63  }
0x2a3: {  	_ =	swait.ge [sflag:s10], $0x1000  }
0x2a4: {  	[sflag:s10] =	ssyncset.done $0x0  }
0x2a5: {  	[sflag:s10] =	ssyncadd.s32 $0xFFFFF000  }
0x2a6: {  	[bflag:$0x0] =	sbarrier.arrive $0xFFFF  }
0x2a7: {  	[tilespmem:s13], [sflag:$0x1] =	stream.linear.gather [spmem:s3], $0x4000, $0x38;
	[tilespmem:$0x16080] =	vst v63  }
0x2a8: {  	_ =	swait.ge [sflag:s10], $0x4000  }
0x2a9: {  	[sflag:s10] =	ssyncset.done $0x0  }
0x2aa: {  	[sflag:s10] =	ssyncadd.s32 $0xFFFFC000  }
0x2ab: {  	s31 =	simm.s32 $0x14FF0;
	[bflag:$0x0] =	sbarrier.arrive $0xFFFF  }
0x2ac: {  	v3 =	vld [tilespmem:s31+$0xFFFFFC10]  }
0x2ad: {  	v4 =	vld [tilespmem:s31+$0xFFFFFC20]  }
0x2ae: {  	v5 =	vld [tilespmem:s31+$0xFFFFFC30]  }
0x2af: {  	v6 =	vld [tilespmem:s31+$0xFFFFFC40]  }
0x2b0: {  	v7 =	vld [tilespmem:s31+$0xFFFFFC50]  }
0x2b1: {  	v8 =	vld [tilespmem:s31+$0xFFFFFC60]  }
0x2b2: {  	v3 =	vadd.s32 v3, v4;
	v4 =	vld [tilespmem:s31+$0xFFFFFC70]  }
0x2b3: {  	v3 =	vadd.s32 v3, v5;
	v5 =	vld [tilespmem:s31+$0xFFFFFC80]  }
0x2b4: {  	v3 =	vadd.s32 v3, v6;
	v6 =	vld [tilespmem:s31+$0xFFFFFE10]  }
0x2b5: {  	v3 =	vadd.s32 v3, v7;
	v7 =	vld [tilespmem:s31+$0xFFFFFE20]  }
0x2b6: {  	v3 =	vadd.s32 v3, v8;
	v8 =	vld [tilespmem:s31+$0xFFFFFE30]  }
0x2b7: {  	v3 =	vadd.s32 v3, v4;
	v4 =	vld [tilespmem:s31+$0xFFFFFE40]  }
0x2b8: {  	v3 =	vadd.s32 v3, v5;
	v5 =	vld [tilespmem:s31+$0xFFFFFE50]  }
0x2b9: {  	v3 =	vadd.s32 v3, v6;
	v6 =	vld [tilespmem:s31+$0xFFFFFE60]  }
0x2ba: {  	v3 =	vadd.s32 v3, v7;
	v7 =	vld [tilespmem:s31+$0xFFFFFE70]  }
0x2bb: {  	v3 =	vadd.s32 v3, v8;
	v8 =	vld [tilespmem:s31+$0xFFFFFE80]  }
0x2bc: {  	v3 =	vadd.s32 v3, v4;
	v4 =	vld [tilespmem:s31+$0xFFFFFC90]  }
0x2bd: {  	v3 =	vadd.s32 v3, v5;
	v5 =	vld [tilespmem:s31+$0xFFFFFCA0]  }
0x2be: {  	v3 =	vadd.s32 v3, v6;
	v6 =	vld [tilespmem:s31+$0xFFFFFCB0]  }
0x2bf: {  	v3 =	vadd.s32 v3, v7;
	v7 =	vld [tilespmem:s31+$0xFFFFFCC0]  }
0x2c0: {  	v3 =	vadd.s32 v3, v8;
	v8 =	vld [tilespmem:s31+$0xFFFFFCD0]  }
0x2c1: {  	v3 =	vadd.s32 v3, v4;
	v4 =	vld [tilespmem:s31+$0xFFFFFCE0]  }
0x2c2: {  	v3 =	vadd.s32 v3, v5;
	v5 =	vld [tilespmem:s31+$0xFFFFFCF0]  }
0x2c3: {  	v3 =	vadd.s32 v3, v6;
	v6 =	vld [tilespmem:s31+$0xFFFFFD00]  }
0x2c4: {  	v3 =	vadd.s32 v3, v7;
	v7 =	vld [tilespmem:s31+$0xFFFFFE90]  }
0x2c5: {  	v3 =	vadd.s32 v3, v8;
	v8 =	vld [tilespmem:s31+$0xFFFFFEA0]  }
0x2c6: {  	v3 =	vadd.s32 v3, v4;
	v4 =	vld [tilespmem:s31+$0xFFFFFEB0]  }
0x2c7: {  	v3 =	vadd.s32 v3, v5;
	v5 =	vld [tilespmem:s31+$0xFFFFFEC0]  }
0x2c8: {  	v3 =	vadd.s32 v3, v6;
	v6 =	vld [tilespmem:s31+$0xFFFFFED0]  }
0x2c9: {  	v3 =	vadd.s32 v3, v7;
	v7 =	vld [tilespmem:s31+$0xFFFFFEE0]  }
0x2ca: {  	v3 =	vadd.s32 v3, v8;
	v8 =	vld [tilespmem:s31+$0xFFFFFEF0]  }
0x2cb: {  	v3 =	vadd.s32 v3, v4;
	v4 =	vld [tilespmem:s31+$0xFFFFFF00]  }
0x2cc: {  	v3 =	vadd.s32 v3, v5;
	v5 =	vld [tilespmem:s31+$0xFFFFFD10]  }
0x2cd: {  	v3 =	vadd.s32 v3, v6;
	v6 =	vld [tilespmem:s31+$0xFFFFFD20]  }
0x2ce: {  	v3 =	vadd.s32 v3, v7;
	v7 =	vld [tilespmem:s31+$0xFFFFFD30]  }
0x2cf: {  	v3 =	vadd.s32 v3, v8;
	v8 =	vld [tilespmem:s31+$0xFFFFFD40]  }
0x2d0: {  	v3 =	vadd.s32 v3, v4;
	v4 =	vld [tilespmem:s31+$0xFFFFFD50]  }
0x2d1: {  	v3 =	vadd.s32 v3, v5;
	v5 =	vld [tilespmem:s31+$0xFFFFFD60]  }
0x2d2: {  	v3 =	vadd.s32 v3, v6;
	v6 =	vld [tilespmem:s31+$0xFFFFFD70]  }
0x2d3: {  	v3 =	vadd.s32 v3, v7;
	v7 =	vld [tilespmem:s31+$0xFFFFFD80]  }
0x2d4: {  	v3 =	vadd.s32 v3, v8;
	v8 =	vld [tilespmem:s31+$0xFFFFFF10]  }
0x2d5: {  	v3 =	vadd.s32 v3, v4;
	v4 =	vld [tilespmem:s31+$0xFFFFFF20]  }
0x2d6: {  	v3 =	vadd.s32 v3, v5;
	v5 =	vld [tilespmem:s31+$0xFFFFFF30]  }
0x2d7: {  	v3 =	vadd.s32 v3, v6;
	v6 =	vld [tilespmem:s31+$0xFFFFFF40]  }
0x2d8: {  	v3 =	vadd.s32 v3, v7;
	v7 =	vld [tilespmem:s31+$0xFFFFFF50]  }
0x2d9: {  	v3 =	vadd.s32 v3, v8;
	v8 =	vld [tilespmem:s31+$0xFFFFFF60]  }
0x2da: {  	v3 =	vadd.s32 v3, v4;
	v4 =	vld [tilespmem:s31+$0xFFFFFF70]  }
0x2db: {  	v3 =	vadd.s32 v3, v5;
	v5 =	vld [tilespmem:s31+$0xFFFFFF80]  }
0x2dc: {  	v3 =	vadd.s32 v3, v6;
	v6 =	vld [tilespmem:s31+$0xFFFFFD90]  }
0x2dd: {  	v3 =	vadd.s32 v3, v7;
	v7 =	vld [tilespmem:s31+$0xFFFFFDA0]  }
0x2de: {  	v3 =	vadd.s32 v3, v8;
	v8 =	vld [tilespmem:s31+$0xFFFFFDB0]  }
0x2df: {  	v3 =	vadd.s32 v3, v4;
	v4 =	vld [tilespmem:s31+$0xFFFFFDC0]  }
0x2e0: {  	v3 =	vadd.s32 v3, v5;
	v5 =	vld [tilespmem:s31+$0xFFFFFDD0]  }
0x2e1: {  	v3 =	vadd.s32 v3, v6;
	v6 =	vld [tilespmem:s31+$0xFFFFFDE0]  }
0x2e2: {  	v3 =	vadd.s32 v3, v7;
	v7 =	vld [tilespmem:s31+$0xFFFFFDF0]  }
0x2e3: {  	v3 =	vadd.s32 v3, v8;
	v8 =	vld [tilespmem:s31+$0xFFFFFE00]  }
0x2e4: {  	v3 =	vadd.s32 v3, v4;
	v4 =	vld [tilespmem:s31+$0xFFFFFF90]  }
0x2e5: {  	v9 =	vld [tilespmem:s31+$0xFFFFFFA0];
	v3 =	vadd.s32 v3, v5  }
0x2e6: {  	v3 =	vadd.s32 v3, v6;
	v6 =	vld [tilespmem:s31+$0xFFFFFFB0]  }
0x2e7: {  	v10 =	vld [tilespmem:s31+$0xFFFFFFC0];
	v3 =	vadd.s32 v3, v7  }
0x2e8: {  	v11 =	vld [tilespmem:s31+$0xFFFFFFD0];
	v3 =	vadd.s32 v3, v8  }
0x2e9: {  	v5 =	vld [tilespmem:s31+$0xFFFFFFE0];
	v3 =	vadd.s32 v3, v4  }
0x2ea: {  	s15 =	sadd.s32 s15, s18;
	s20 =	simm.s32 $0x0;
	v4 =	vld [tilespmem:s31+$0xFFFFFFF0];
	v3 =	vadd.s32 v3, v9  }
0x2eb: {  	s19 =	simm.s32 $0xF;
	s25 =	simm.s32 $0x14BF0;
	s22 =	simm.s32 $0xE;
	v6 =	vadd.s32 v3, v6;
	v3 =	vld [tilespmem:s31+$0x0]  }
0x2ec: {  	s26 =	simm.s32 $0xD;
	s24 =	simm.s32 $0x0;
	s21 =	simm.s32 $0x0;
	v7 =	vld [tilespmem:s25+$0xFFFFFC10];
	v6 =	vadd.s32 v6, v10  }
0x2ed: {  	s23 =	simm.s32 $0x0;
	s18 =	simm.s32 $0x0;
	s17 =	ssub.s32 $0x20001, s15;
	v8 =	vld [tilespmem:s25+$0xFFFFFC20];
	v6 =	vadd.s32 v6, v11  }
.LBB2_22:
0x2ee: {  	p1 =	seq.s32 s26, $0x0;
	v9 =	vld [tilespmem:s25+$0xFFFFFC30];
	v5 =	vadd.s32 v6, v5  }
0x2ef: {  	v6 =	vld [tilespmem:s25+$0xFFFFFC40];
	v4 =	vadd.s32 v5, v4  }
0x2f0: {  	v5 =	vld [tilespmem:s25+$0xFFFFFC50];
	v3 =	vadd.s32 v4, v3  }
0x2f1: {  	v4 =	vld [tilespmem:s25+$0xFFFFFC60];
	(xrf0) =	vadd.scan.msk.s32 $0xffff, v3  }
0x2f2: {  	v3 =	vadd.s32 v7, v8;
	v7 =	vld [tilespmem:s25+$0xFFFFFC70]  }
0x2f3: {  	v3 =	vadd.s32 v3, v9;
	v8 =	vld [tilespmem:s25+$0xFFFFFC80]  }
0x2f4: {  	v3 =	vadd.s32 v3, v6;
	v6 =	vld [tilespmem:s25+$0xFFFFFE10]  }
0x2f5: {  	v3 =	vadd.s32 v3, v5;
	v5 =	vld [tilespmem:s25+$0xFFFFFE20]  }
0x2f6: {  	v3 =	vadd.s32 v3, v4;
	v4 =	vld [tilespmem:s25+$0xFFFFFE30]  }
0x2f7: {  	v3 =	vadd.s32 v3, v7;
	v7 =	vld [tilespmem:s25+$0xFFFFFE40];
	v9, _, _ =	vpop (xrf0)  }
0x2f8: {  	v3 =	vadd.s32 v3, v8;
	v8 =	vld [tilespmem:s25+$0xFFFFFE50];
	(v2sf) =	vpush v9, $0xF  }
0x2f9: {  	v3 =	vadd.s32 v3, v6;
	v6 =	vld [tilespmem:s25+$0xFFFFFE60]  }
0x2fa: {  	v3 =	vadd.s32 v3, v5;
	v5 =	vld [tilespmem:s25+$0xFFFFFE70]  }
0x2fb: {  	v3 =	vadd.s32 v3, v4;
	v4 =	vld [tilespmem:s25+$0xFFFFFE80]  }
0x2fc: {  	v3 =	vadd.s32 v3, v7;
	v7 =	vld [tilespmem:s25+$0xFFFFFC90]  }
0x2fd: {  	v3 =	vadd.s32 v3, v8;
	v8 =	vld [tilespmem:s25+$0xFFFFFCA0]  }
0x2fe: {  	v3 =	vadd.s32 v3, v6;
	v6 =	vld [tilespmem:s25+$0xFFFFFCB0]  }
0x2ff: {  	v3 =	vadd.s32 v3, v5;
	v5 =	vld [tilespmem:s25+$0xFFFFFCC0]  }
0x300: {  	v3 =	vadd.s32 v3, v4;
	v4 =	vld [tilespmem:s25+$0xFFFFFCD0]  }
0x301: {  	v3 =	vadd.s32 v3, v7;
	v7 =	vld [tilespmem:s25+$0xFFFFFCE0]  }
0x302: {  	v3 =	vadd.s32 v3, v8;
	v8 =	vld [tilespmem:s25+$0xFFFFFCF0]  }
0x303: {  	v3 =	vadd.s32 v3, v6;
	v6 =	vld [tilespmem:s25+$0xFFFFFD00]  }
0x304: {  	v3 =	vadd.s32 v3, v5;
	v5 =	vld [tilespmem:s25+$0xFFFFFE90]  }
0x305: {  	v3 =	vadd.s32 v3, v4;
	v4 =	vld [tilespmem:s25+$0xFFFFFEA0]  }
0x306: {  	v3 =	vadd.s32 v3, v7;
	v7 =	vld [tilespmem:s25+$0xFFFFFEB0]  }
0x307: {  	v3 =	vadd.s32 v3, v8;
	v8 =	vld [tilespmem:s25+$0xFFFFFEC0];
	s0 =	spop (v2sf)  }
0x308: {  	v3 =	vadd.s32 v3, v6;
	v6 =	vld [tilespmem:s25+$0xFFFFFED0];
	s24 =	sadd.s32 s24, s0  }
0x309: {  	p2 =	seq.s32 s20, $0x0;
	v3 =	vadd.s32 v3, v5;
	v5 =	vld [tilespmem:s25+$0xFFFFFEE0];
	p3 =	sge.s32 s24, s17  }
0x30a: {  	v3 =	vadd.s32 v3, v4;
	v4 =	vld [tilespmem:s25+$0xFFFFFEF0];
	p2 =	por !p2, !p3  }
0x30b: {  	v3 =	vadd.s32 v3, v7;
	v7 =	vld [tilespmem:s25+$0xFFFFFF00];
	p2 =	por !p2, !p2  }
0x30c: {  	v3 =	vadd.s32 v3, v8;
	v8 =	vld [tilespmem:s25+$0xFFFFFD10];
	s21 =	smov.u32 @p2 s19;
	s20 =	simm.s32 @p2 $0x1;
	s19 =	smov.u32 s22  }
0x30d: {  	s18 =	smov.u32 @p2 s23;
	s23 =	smov.u32 s24;
	s22 =	smov.u32 s26;
	v3 =	vadd.s32 v3, v6;
	v6 =	vld [tilespmem:s25+$0xFFFFFD20]  }
0x30e: {  	v3 =	vadd.s32 v3, v5;
	v5 =	vld [tilespmem:s25+$0xFFFFFD30]  }
0x30f: {  	v3 =	vadd.s32 v3, v4;
	v4 =	vld [tilespmem:s25+$0xFFFFFD40]  }
0x310: {  	v3 =	vadd.s32 v3, v7;
	v7 =	vld [tilespmem:s25+$0xFFFFFD50]  }
0x311: {  	v3 =	vadd.s32 v3, v8;
	v8 =	vld [tilespmem:s25+$0xFFFFFD60]  }
0x312: {  	v3 =	vadd.s32 v3, v6;
	v6 =	vld [tilespmem:s25+$0xFFFFFD70]  }
0x313: {  	v3 =	vadd.s32 v3, v5;
	v5 =	vld [tilespmem:s25+$0xFFFFFD80]  }
0x314: {  	v3 =	vadd.s32 v3, v4;
	v4 =	vld [tilespmem:s25+$0xFFFFFF10]  }
0x315: {  	v3 =	vadd.s32 v3, v7;
	v7 =	vld [tilespmem:s25+$0xFFFFFF20]  }
0x316: {  	v3 =	vadd.s32 v3, v8;
	v8 =	vld [tilespmem:s25+$0xFFFFFF30]  }
0x317: {  	v3 =	vadd.s32 v3, v6;
	v6 =	vld [tilespmem:s25+$0xFFFFFF40]  }
0x318: {  	v3 =	vadd.s32 v3, v5;
	v5 =	vld [tilespmem:s25+$0xFFFFFF50]  }
0x319: {  	v3 =	vadd.s32 v3, v4;
	v4 =	vld [tilespmem:s25+$0xFFFFFF60]  }
0x31a: {  	v3 =	vadd.s32 v3, v7;
	v7 =	vld [tilespmem:s25+$0xFFFFFF70]  }
0x31b: {  	v3 =	vadd.s32 v3, v8;
	v8 =	vld [tilespmem:s25+$0xFFFFFF80]  }
0x31c: {  	v3 =	vadd.s32 v3, v6;
	v6 =	vld [tilespmem:s25+$0xFFFFFD90]  }
0x31d: {  	v3 =	vadd.s32 v3, v5;
	v5 =	vld [tilespmem:s25+$0xFFFFFDA0]  }
0x31e: {  	v3 =	vadd.s32 v3, v4;
	v4 =	vld [tilespmem:s25+$0xFFFFFDB0]  }
0x31f: {  	v3 =	vadd.s32 v3, v7;
	v7 =	vld [tilespmem:s25+$0xFFFFFDC0]  }
0x320: {  	v3 =	vadd.s32 v3, v8;
	v8 =	vld [tilespmem:s25+$0xFFFFFDD0]  }
0x321: {  	v3 =	vadd.s32 v3, v6;
	v6 =	vld [tilespmem:s25+$0xFFFFFDE0]  }
0x322: {  	v3 =	vadd.s32 v3, v5;
	v5 =	vld [tilespmem:s25+$0xFFFFFDF0]  }
0x323: {  	v3 =	vadd.s32 v3, v4;
	v4 =	vld [tilespmem:s25+$0xFFFFFE00]  }
0x324: {  	v3 =	vadd.s32 v3, v7;
	v7 =	vld [tilespmem:s25+$0xFFFFFF90]  }
0x325: {  	v3 =	vadd.s32 v3, v8;
	v8 =	vld [tilespmem:s25+$0xFFFFFFA0]  }
0x326: {  	v3 =	vadd.s32 v3, v6;
	v6 =	vld [tilespmem:s25+$0xFFFFFFB0]  }
0x327: {  	v3 =	vadd.s32 v3, v5;
	v9 =	vld [tilespmem:s25+$0xFFFFFFC0]  }
0x328: {  	v3 =	vadd.s32 v3, v4;
	v10 =	vld [tilespmem:s25+$0xFFFFFFD0]  }
.Ltmp10:
0x329: {  	v3 =	vadd.s32 v3, v7;
	v5 =	vld [tilespmem:s25+$0xFFFFFFE0];
	(pc) =	sbr.rel @!p1 .LBB2_22-.Ltmp10, $4  }
0x32a: {  	v3 =	vadd.s32 v3, v8;
	v4 =	vld [tilespmem:s25+$0xFFFFFFF0]  }
0x32b: {  	v6 =	vadd.s32 v3, v6;
	v3 =	vld [tilespmem:s25+$0x0];
	s25 =	sadd.s32 $0xFFFFFC00, s25  }
0x32c: {  	v7 =	vld [tilespmem:s25+$0xFFFFFC10];
	v6 =	vadd.s32 v6, v9  }
0x32d: {  	s26 =	sadd.s32 $0xFFFFFFFF, s26;
	v8 =	vld [tilespmem:s25+$0xFFFFFC20];
	v6 =	vadd.s32 v6, v10  }
0x32e: {  	v9 =	vld [tilespmem:s25+$0xFFFFFC30]  }
0x32f: {  	v10 =	vld [tilespmem:s25+$0xFFFFFC40]  }
0x330: {  	v11 =	vld [tilespmem:s25+$0xFFFFFC50]  }
0x331: {  	v12 =	vld [tilespmem:s25+$0xFFFFFC60]  }
0x332: {  	v52 =	vld [tilespmem:s25+$0xFFFFFC70];
	v7 =	vadd.s32 v7, v8  }
0x333: {  	v53 =	vld [tilespmem:s25+$0xFFFFFC80];
	v7 =	vadd.s32 v7, v9  }
0x334: {  	v54 =	vld [tilespmem:s25+$0xFFFFFE10];
	v7 =	vadd.s32 v7, v10  }
0x335: {  	v55 =	vld [tilespmem:s25+$0xFFFFFE20];
	v7 =	vadd.s32 v7, v11  }
0x336: {  	v56 =	vld [tilespmem:s25+$0xFFFFFE30];
	v7 =	vadd.s32 v7, v12  }
0x337: {  	v57 =	vld [tilespmem:s25+$0xFFFFFE40];
	v7 =	vadd.s32 v7, v52  }
0x338: {  	v58 =	vld [tilespmem:s25+$0xFFFFFE50];
	v7 =	vadd.s32 v7, v53  }
0x339: {  	v59 =	vld [tilespmem:s25+$0xFFFFFE60];
	v7 =	vadd.s32 v7, v54  }
0x33a: {  	v60 =	vld [tilespmem:s25+$0xFFFFFE70];
	v7 =	vadd.s32 v7, v55  }
0x33b: {  	v61 =	vld [tilespmem:s25+$0xFFFFFE80];
	v7 =	vadd.s32 v7, v56  }
0x33c: {  	v62 =	vld [tilespmem:s25+$0xFFFFFC90];
	v7 =	vadd.s32 v7, v57  }
0x33d: {  	v63 =	vld [tilespmem:s25+$0xFFFFFCA0];
	v7 =	vadd.s32 v7, v58  }
0x33e: {  	v16 =	vld [tilespmem:s25+$0xFFFFFCB0];
	v7 =	vadd.s32 v7, v59  }
0x33f: {  	v17 =	vld [tilespmem:s25+$0xFFFFFCC0];
	v7 =	vadd.s32 v7, v60  }
0x340: {  	v18 =	vld [tilespmem:s25+$0xFFFFFCD0];
	v7 =	vadd.s32 v7, v61  }
0x341: {  	v19 =	vld [tilespmem:s25+$0xFFFFFCE0];
	v7 =	vadd.s32 v7, v62  }
0x342: {  	v20 =	vld [tilespmem:s25+$0xFFFFFCF0];
	v7 =	vadd.s32 v7, v63  }
0x343: {  	v21 =	vld [tilespmem:s25+$0xFFFFFD00];
	v7 =	vadd.s32 v7, v16  }
0x344: {  	v22 =	vld [tilespmem:s25+$0xFFFFFE90];
	v7 =	vadd.s32 v7, v17  }
0x345: {  	v23 =	vld [tilespmem:s25+$0xFFFFFEA0];
	v7 =	vadd.s32 v7, v18  }
0x346: {  	v24 =	vld [tilespmem:s25+$0xFFFFFEB0];
	v7 =	vadd.s32 v7, v19  }
0x347: {  	v25 =	vld [tilespmem:s25+$0xFFFFFEC0];
	v7 =	vadd.s32 v7, v20  }
0x348: {  	v26 =	vld [tilespmem:s25+$0xFFFFFED0];
	v7 =	vadd.s32 v7, v21  }
0x349: {  	v27 =	vld [tilespmem:s25+$0xFFFFFEE0];
	v7 =	vadd.s32 v7, v22  }
0x34a: {  	v28 =	vld [tilespmem:s25+$0xFFFFFEF0];
	v7 =	vadd.s32 v7, v23  }
0x34b: {  	v29 =	vld [tilespmem:s25+$0xFFFFFF00];
	v7 =	vadd.s32 v7, v24  }
0x34c: {  	v30 =	vld [tilespmem:s25+$0xFFFFFD10];
	v7 =	vadd.s32 v7, v25  }
0x34d: {  	v31 =	vld [tilespmem:s25+$0xFFFFFD20];
	v7 =	vadd.s32 v7, v26  }
0x34e: {  	v32 =	vld [tilespmem:s25+$0xFFFFFD30];
	v7 =	vadd.s32 v7, v27  }
0x34f: {  	v33 =	vld [tilespmem:s25+$0xFFFFFD40];
	v7 =	vadd.s32 v7, v28  }
0x350: {  	v34 =	vld [tilespmem:s25+$0xFFFFFD50];
	v7 =	vadd.s32 v7, v29  }
0x351: {  	v35 =	vld [tilespmem:s25+$0xFFFFFD60];
	v7 =	vadd.s32 v7, v30  }
0x352: {  	v36 =	vld [tilespmem:s25+$0xFFFFFD70];
	v7 =	vadd.s32 v7, v31  }
0x353: {  	v37 =	vld [tilespmem:s25+$0xFFFFFD80];
	v7 =	vadd.s32 v7, v32  }
0x354: {  	v38 =	vld [tilespmem:s25+$0xFFFFFF10];
	v7 =	vadd.s32 v7, v33  }
0x355: {  	v39 =	vld [tilespmem:s25+$0xFFFFFF20];
	v7 =	vadd.s32 v7, v34  }
0x356: {  	v40 =	vld [tilespmem:s25+$0xFFFFFF30];
	v7 =	vadd.s32 v7, v35  }
0x357: {  	v41 =	vld [tilespmem:s25+$0xFFFFFF40];
	v7 =	vadd.s32 v7, v36  }
0x358: {  	v42 =	vld [tilespmem:s25+$0xFFFFFF50];
	v7 =	vadd.s32 v7, v37  }
0x359: {  	v43 =	vld [tilespmem:s25+$0xFFFFFF60];
	v7 =	vadd.s32 v7, v38  }
0x35a: {  	v44 =	vld [tilespmem:s25+$0xFFFFFF70];
	v7 =	vadd.s32 v7, v39  }
0x35b: {  	v45 =	vld [tilespmem:s25+$0xFFFFFF80];
	v7 =	vadd.s32 v7, v40  }
0x35c: {  	v46 =	vld [tilespmem:s25+$0xFFFFFD90];
	v7 =	vadd.s32 v7, v41  }
0x35d: {  	v47 =	vld [tilespmem:s25+$0xFFFFFDA0];
	v7 =	vadd.s32 v7, v42  }
0x35e: {  	v48 =	vld [tilespmem:s25+$0xFFFFFDB0];
	v7 =	vadd.s32 v7, v43  }
0x35f: {  	v49 =	vld [tilespmem:s25+$0xFFFFFDC0];
	v7 =	vadd.s32 v7, v44  }
0x360: {  	v50 =	vld [tilespmem:s25+$0xFFFFFDD0];
	v7 =	vadd.s32 v7, v45  }
0x361: {  	v51 =	vld [tilespmem:s25+$0xFFFFFDE0];
	v7 =	vadd.s32 v7, v46  }
0x362: {  	v52 =	vld [tilespmem:s25+$0xFFFFFDF0];
	v7 =	vadd.s32 v7, v47  }
0x363: {  	v53 =	vld [tilespmem:s25+$0xFFFFFE00];
	v7 =	vadd.s32 v7, v48  }
0x364: {  	v54 =	vld [tilespmem:s25+$0xFFFFFF90];
	v7 =	vadd.s32 v7, v49  }
0x365: {  	v55 =	vld [tilespmem:s25+$0xFFFFFFA0];
	v7 =	vadd.s32 v7, v50  }
0x366: {  	v56 =	vld [tilespmem:s25+$0xFFFFFFB0];
	v7 =	vadd.s32 v7, v51  }
0x367: {  	v57 =	vld [tilespmem:s25+$0xFFFFFFC0];
	v7 =	vadd.s32 v7, v52  }
0x368: {  	v58 =	vld [tilespmem:s25+$0xFFFFFFD0];
	v7 =	vadd.s32 v7, v53  }
0x369: {  	v59 =	vld [tilespmem:s25+$0xFFFFFFE0];
	v7 =	vadd.s32 v7, v54  }
0x36a: {  	v5 =	vadd.s32 v6, v5;
	v6 =	vadd.s32 v7, v55;
	v7 =	vld [tilespmem:s25+$0xFFFFFFF0]  }
0x36b: {  	v4 =	vadd.s32 v5, v4;
	v5 =	vadd.s32 v6, v56;
	v6 =	vld [tilespmem:s25+$0x0]  }
0x36c: {  	v3 =	vadd.s32 v4, v3;
	v4 =	vadd.s32 v5, v57  }
0x36d: {  	(xrf0) =	vadd.scan.msk.s32 $0xffff, v3;
	v3 =	vadd.s32 v4, v58  }
0x36e: {  	v3 =	vadd.s32 v3, v59  }
0x36f: {  	v3 =	vadd.s32 v3, v7  }
0x370: {  	v3 =	vadd.s32 v3, v6  }
0x371: {  	(xrf0) =	vadd.scan.msk.s32 $0xffff, v3;
	_ =	sdelay $0x1  }
0x372: {  	v3, _, _ =	vpop (xrf0)  }
0x373: {  	(v2sf) =	vpush v3, $0xF;
	_ =	sdelay $0x2  }
0x374: {  	v3, _, _ =	vpop (xrf0)  }
0x375: {  	(v2sf) =	vpush v3, $0xF;
	_ =	sdelay $0xa  }
0x376: {  	s0 =	spop (v2sf)  }
0x377: {  	s0 =	sadd.s32 s24, s0  }
0x378: {  	p1 =	seq.s32 s20, $0x0;
	p2 =	sge.s32 s0, s17  }
0x379: {  	p1 =	por !p1, !p2  }
0x37a: {  	p1 =	por !p1, !p1;
	s1 =	spop (v2sf)  }
0x37b: {  	s20 =	simm.s32 @p1 $0x1;
	s1 =	sadd.s32 s0, s1  }
0x37c: {  	p6 =	seq.s32 s20, $0x0;
	p3 =	sge.s32 s1, s17  }
0x37d: {  	p2 =	por !p6, !p3  }
0x37e: {  	s21 =	smov.u32 @p1 s19;
	s18 =	smov.u32 @p1 s23;
	p1 =	por !p2, !p2  }
0x37f: {  	s21 =	smov.u32 @p1 s22  }
0x380: {  	s24 =	sshll.u32 s21, $0xA;
	s25 =	sshll.u32 s21, $0x8  }
0x381: {  	s18 =	smov.u32 @p1 s0;
	s0 =	sor.u32 $0x3C0, s24;
	s1 =	sor.u32 $0xF0, s25  }
0x382: {  	s2 =	sand.u32 $0x70, s1;
	s4 =	sand.u32 $0xFFFFFE00, s0  }
0x383: {  	s2 =	sor.u32 s2, s4  }
0x384: {  	s4 =	sadd.s32 $0x11000, s2;
	v3 =	vld [tilespmem:s2+$0x11000]  }
0x385: {  	v4 =	vld [tilespmem:s4+$0x80]  }
0x386: {  	v5 =	vld [tilespmem:s4+$0x100]  }
0x387: {  	s0 =	sadd.s32 $0xFFFFFFC0, s0;
	s1 =	sadd.s32 $0xFFFFFFF0, s1;
	v6 =	vld [tilespmem:s4+$0x180]  }
0x388: {  	s26 =	sand.u32 $0x70, s1;
	s9 =	sand.u32 $0xFFFFFE00, s0  }
0x389: {  	s2 =	sor.u32 s26, s9  }
0x38a: {  	s0 =	sadd.s32 $0xFFFFFFC0, s0;
	s1 =	sadd.s32 $0xFFFFFFF0, s1;
	s22 =	sadd.s32 $0x11000, s2;
	v7 =	vld [tilespmem:s2+$0x11000];
	v3 =	vadd.s32 v3, v4  }
0x38b: {  	s23 =	sand.u32 $0x70, s1;
	s24 =	sand.u32 $0xFFFFFE00, s0;
	v60 =	vld [tilespmem:s22+$0x80];
	v3 =	vadd.s32 v3, v5  }
0x38c: {  	s2 =	sor.u32 s23, s24;
	v61 =	vld [tilespmem:s22+$0x100];
	v3 =	vadd.s32 v3, v6  }
0x38d: {  	s4 =	sadd.s32 $0x11000, s2;
	v5 =	vld [tilespmem:s2+$0x11000];
	(xrf0) =	vadd.scan.msk.s32 $0xffff, v3  }
0x38e: {  	v6 =	vld [tilespmem:s4+$0x80]  }
0x38f: {  	v62 =	vld [tilespmem:s22+$0x180];
	_ =	sdelay $0x2  }
0x390: {  	v4 =	vadd.s32 v7, v60  }
0x391: {  	v4 =	vadd.s32 v4, v61;
	v5 =	vadd.s32 v5, v6;
	v6, _, _ =	vpop (xrf0)  }
0x392: {  	v3 =	vadd.s32 v4, v62;
	(v2sf) =	vpush v6, $0xF  }
0x393: {  	(xrf0) =	vadd.scan.msk.s32 $0xffff, v3  }
0x394: {  	v4 =	vld [tilespmem:s4+$0x100];
	_ =	sdelay $0x1  }
0x395: {  	v3 =	vld [tilespmem:s4+$0x180]  }
0x396: {  	s0 =	sadd.s32 $0xFFFFFFC0, s0;
	s1 =	sadd.s32 $0xFFFFFFF0, s1  }
0x397: {  	s25 =	sand.u32 $0x70, s1;
	s26 =	sand.u32 $0xFFFFFE00, s0  }
0x398: {  	s2 =	sor.u32 s25, s26;
	v4 =	vadd.s32 v5, v4;
	v5, _, _ =	vpop (xrf0)  }
0x399: {  	s22 =	sadd.s32 $0x11000, s2;
	v7 =	vld [tilespmem:s2+$0x11000];
	(v2sf) =	vpush v5, $0xF  }
0x39a: {  	v63 =	vld [tilespmem:s22+$0x80];
	v3 =	vadd.s32 v4, v3  }
0x39b: {  	s31 =	simm.s32 $0xA;
	s20 =	simm.s32 $0x0;
	(xrf0) =	vadd.scan.msk.s32 $0xffff, v3  }
0x39c: {  	s19 =	sshll.u32 s21, $0x4;
	s21 =	simm.s32 $0xF;
	s28 =	smov.u32 s18;
	v4 =	vld [tilespmem:s22+$0x100]  }
0x39d: {  	s23 =	simm.s32 $0xC;
	s29 =	sadd.s32 $0xFFFFFFF0, s1;
	s30 =	sadd.s32 $0xFFFFFFC0, s0;
	v3 =	vld [tilespmem:s22+$0x180]  }
0x39e: {  	s24 =	simm.s32 $0xB;
	s0 =	sand.u32 $0x70, s29;
	s1 =	sand.u32 $0xFFFFFE00, s30  }
0x39f: {  	s26 =	simm.s32 $0xE;
	s25 =	simm.s32 $0xD;
	s22 =	simm.s32 $0x0;
	v5 =	vadd.s32 v7, v63  }
.LBB2_24:
0x3a0: {  	p1 =	sne.s32 s31, $0x0;
	s0 =	sor.u32 s0, s1;
	s1 =	spop (v2sf)  }
0x3a1: {  	v4 =	vadd.s32 v5, v4;
	v5, _, _ =	vpop (xrf0);
	s2 =	smov.u32 s28;
	s4 =	smov.u32 s25;
	s25 =	smov.u32 s23  }
0x3a2: {  	s23 =	smov.u32 s24;
	s9 =	sadd.s32 $0x11000, s0;
	v6 =	vld [tilespmem:s0+$0x11000];
	v3 =	vadd.s32 v4, v3;
	(v2sf) =	vpush v5, $0xF;
	s28 =	sadd.s32 s28, s1  }
0x3a3: {  	p2 =	seq.s32 s20, $0x0;
	s24 =	smov.u32 s31;
	v5 =	vld [tilespmem:s9+$0x80];
	(xrf0) =	vadd.scan.msk.s32 $0xffff, v3;
	p3 =	sge.s32 s28, s17  }
.Ltmp11:
0x3a4: {  	v4 =	vld [tilespmem:s9+$0x100];
	p2 =	por !p2, !p3;
	(pc) =	sbr.rel @p1 .LBB2_24-.Ltmp11, $4  }
0x3a5: {  	s0 =	sadd.s32 s21, s19;
	s21 =	smov.u32 s26;
	v3 =	vld [tilespmem:s9+$0x180];
	p2 =	por !p2, !p2  }
0x3a6: {  	s26 =	smov.u32 s4;
	s22 =	smov.u32 @p2 s0;
	s20 =	simm.s32 @p2 $0x1  }
0x3a7: {  	s30 =	sadd.s32 $0xFFFFFFC0, s30;
	s29 =	sadd.s32 $0xFFFFFFF0, s29;
	s18 =	smov.u32 @p2 s2  }
0x3a8: {  	s31 =	sadd.s32 $0xFFFFFFFF, s31;
	s1 =	sand.u32 $0xFFFFFE00, s30;
	s0 =	sand.u32 $0x70, s29;
	v5 =	vadd.s32 v6, v5  }
0x3a9: {  	s0 =	sor.u32 s0, s1  }
0x3aa: {  	s1 =	sadd.s32 $0x11000, s0;
	v6 =	vld [tilespmem:s0+$0x11000]  }
0x3ab: {  	v7 =	vld [tilespmem:s1+$0x80]  }
0x3ac: {  	v8 =	vld [tilespmem:s1+$0x100]  }
0x3ad: {  	v4 =	vadd.s32 v5, v4;
	v62 =	vld [tilespmem:s1+$0x180]  }
0x3ae: {  	v3 =	vadd.s32 v4, v3  }
0x3af: {  	(xrf0) =	vadd.scan.msk.s32 $0xffff, v3  }
0x3b0: {  	v3 =	vadd.s32 v6, v7  }
0x3b1: {  	v63, _, _ =	vpop (xrf0);
	v3 =	vadd.s32 v3, v8  }
0x3b2: {  	(v2sf) =	vpush v63, $0xF;
	v3 =	vadd.s32 v3, v62  }
0x3b3: {  	(xrf0) =	vadd.scan.msk.s32 $0xffff, v3;
	_ =	sdelay $0x1  }
0x3b4: {  	v3, _, _ =	vpop (xrf0)  }
0x3b5: {  	(v2sf) =	vpush v3, $0xF;
	_ =	sdelay $0x2  }
0x3b6: {  	s29 =	spop (v2sf);
	v3, _, _ =	vpop (xrf0)  }
0x3b7: {  	s0 =	sadd.s32 s28, s29;
	(v2sf) =	vpush v3, $0xF  }
0x3b8: {  	p1 =	seq.s32 s20, $0x0;
	p2 =	sge.s32 s0, s17  }
0x3b9: {  	p1 =	por !p1, !p2  }
0x3ba: {  	p1 =	por !p1, !p1;
	s30 =	spop (v2sf)  }
0x3bb: {  	s20 =	simm.s32 @p1 $0x1;
	s1 =	sadd.s32 s0, s30  }
0x3bc: {  	p4 =	seq.s32 s20, $0x0;
	p3 =	sge.s32 s1, s17  }
0x3bd: {  	p2 =	por !p4, !p3  }
0x3be: {  	p3 =	por !p2, !p2;
	s2 =	spop (v2sf)  }
0x3bf: {  	s20 =	simm.s32 @p3 $0x1;
	s2 =	sadd.s32 s1, s2  }
0x3c0: {  	s4 =	sadd.s32 s21, s19;
	p5 =	seq.s32 s20, $0x0;
	p4 =	sge.s32 s2, s17  }
0x3c1: {  	s22 =	smov.u32 @p1 s4;
	p2 =	por !p5, !p4  }
0x3c2: {  	s18 =	smov.u32 @p1 s28;
	p2 =	por !p2, !p2;
	s9 =	spop (v2sf)  }
0x3c3: {  	s18 =	smov.u32 @p3 s0;
	s20 =	simm.s32 @p2 $0x1;
	s4 =	sadd.s32 s2, s9  }
0x3c4: {  	s18 =	smov.u32 @p2 s1;
	p6 =	seq.s32 s20, $0x0;
	p5 =	sge.s32 s4, s17  }
0x3c5: {  	s1 =	simm.s32 $0x0;
	s9 =	sadd.s32 s26, s19;
	p6 =	por !p6, !p5  }
0x3c6: {  	s22 =	smov.u32 @p3 s9;
	p1 =	por !p6, !p6;
	s31 =	spop (v2sf)  }
0x3c7: {  	s9 =	sadd.s32 s25, s19;
	s20 =	simm.s32 @p1 $0x1;
	s0 =	sadd.s32 s4, s31  }
0x3c8: {  	s22 =	smov.u32 @p2 s9;
	p4 =	seq.s32 s20, $0x0;
	p5 =	sge.s32 s0, s17  }
0x3c9: {  	s18 =	smov.u32 @p1 s2;
	s0 =	sadd.s32 s23, s19;
	p6 =	por !p4, !p5  }
0x3ca: {  	s22 =	smov.u32 @p1 s0;
	s0 =	sadd.s32 s24, s19;
	p2 =	por !p6, !p6  }
0x3cb: {  	s22 =	smov.u32 @p2 s0;
	s18 =	smov.u32 @p2 s4;
	s0 =	simm.s32 $0x40  }
.LBB2_26:
0x3cc: {  	p1 =	sne.s32 s0, $0x1FC0;
	[tilespmem:s1+$0x10000] =	vst v0;
	s1 =	smov.u32 s0;
	s0 =	sadd.s32 $0x40, s0  }
.Ltmp12:
0x3cd: {  	(pc) =	sbr.rel @p1 .LBB2_26-.Ltmp12, $2  }
0x3ce: {  	_ =	sdelay $0x2  }
0x3cf: {  	s1 =	sshra.s32 s1, $0x2  }
0x3d0: {  	s0 =	sshll.u32 s16, $0x8  }
0x3d1: {  	s16 =	sor.u32 s0, s22  }
0x3d2: {  	[tilespmem:s1+$0x10000] =	vst v0;
	s17 =	simm.s32 $0x40;
	s0 =	simm.s32 $0x0;
	v3 =	vmov s16  }
.LBB2_28:
0x3d3: {  	p1 =	sne.s32 s17, $0x3FFC0;
	v4 =	vld [tilespmem:s0+$0x0];
	_ =	sdelay $0x4  }
0x3d4: {  	v5 =	vshrl.u32 v4, $0x7  }
0x3d5: {  	v4 =	vshll.u32 v4, $0x4;
	v5 =	vand.u32 $0xFFFFFF, v5  }
0x3d6: {  	v4 =	vor.u32 v1, v4;
	vm0 =	veq.s32 v5, v3  }
0x3d7: {  	v4 =	vand.u32 $0x7FF, v4  }
.Ltmp13:
0x3d8: {  	(pc) =	sbr.rel @p1 .LBB2_28-.Ltmp13, $2  }
0x3d9: {  	_ =	sdelay $0x2  }
0x3da: {  	s0 =	sshra.s32 s17, $0x2;
	s17 =	sadd.s32 $0x40, s17;
	[tilespmem:v4+s11+$0x0] =	vst.idx.add.s32.msk vm0, v2  }
0x3db: {  	v4 =	vld [tilespmem:s0+$0x0];
	_ =	sdelay $0x4  }
0x3dc: {  	v5 =	vshrl.u32 v4, $0x7  }
0x3dd: {  	v4 =	vshll.u32 v4, $0x4;
	v5 =	vand.u32 $0xFFFFFF, v5  }
0x3de: {  	v4 =	vor.u32 v1, v4;
	vm0 =	veq.s32 v5, v3  }
0x3df: {  	v3 =	vand.u32 $0x7FF, v4;
	_ =	sdelay $0x4  }
0x3e0: {  	[tilespmem:v3+s11+$0x0] =	vst.idx.add.s32.msk vm0, v2  }
0x3e1: {  	[spmem:s5] =	stream.strided.scatter [tilespmem:s11], [sflag:$0x1], $0x800, s12, s8, $0x38;
	[tilespmem:$0x16080] =	vst v63  }
0x3e2: {  	_ =	swait.ge [sflag:s10], $0x800  }
0x3e3: {  	[sflag:s10] =	ssyncset.done $0x0  }
0x3e4: {  	[sflag:s10] =	ssyncadd.s32 $0xFFFFF800  }
0x3e5: {  	[bflag:$0x0] =	sbarrier.arrive $0xFFFF  }
0x3e6: {  	[tilespmem:s13], [sflag:$0x1] =	stream.linear.gather [spmem:s3], $0x4000, $0x38;
	[tilespmem:$0x16080] =	vst v63  }
0x3e7: {  	_ =	swait.ge [sflag:s10], $0x4000  }
0x3e8: {  	[sflag:s10] =	ssyncset.done $0x0  }
0x3e9: {  	[sflag:s10] =	ssyncadd.s32 $0xFFFFC000  }
0x3ea: {  	s17 =	simm.s32 $0x12FF0;
	[bflag:$0x0] =	sbarrier.arrive $0xFFFF  }
0x3eb: {  	v3 =	vld [tilespmem:s17+$0xFFFFFC10]  }
0x3ec: {  	v4 =	vld [tilespmem:s17+$0xFFFFFC20]  }
0x3ed: {  	v5 =	vld [tilespmem:s17+$0xFFFFFC30]  }
0x3ee: {  	v6 =	vld [tilespmem:s17+$0xFFFFFC40]  }
0x3ef: {  	v7 =	vld [tilespmem:s17+$0xFFFFFC50]  }
0x3f0: {  	v8 =	vld [tilespmem:s17+$0xFFFFFC60]  }
0x3f1: {  	v3 =	vadd.s32 v3, v4;
	v4 =	vld [tilespmem:s17+$0xFFFFFC70]  }
0x3f2: {  	v3 =	vadd.s32 v3, v5;
	v5 =	vld [tilespmem:s17+$0xFFFFFC80]  }
0x3f3: {  	v3 =	vadd.s32 v3, v6;
	v6 =	vld [tilespmem:s17+$0xFFFFFE10]  }
0x3f4: {  	v3 =	vadd.s32 v3, v7;
	v7 =	vld [tilespmem:s17+$0xFFFFFE20]  }
0x3f5: {  	v3 =	vadd.s32 v3, v8;
	v8 =	vld [tilespmem:s17+$0xFFFFFE30]  }
0x3f6: {  	v3 =	vadd.s32 v3, v4;
	v4 =	vld [tilespmem:s17+$0xFFFFFE40]  }
0x3f7: {  	v3 =	vadd.s32 v3, v5;
	v5 =	vld [tilespmem:s17+$0xFFFFFE50]  }
0x3f8: {  	v3 =	vadd.s32 v3, v6;
	v6 =	vld [tilespmem:s17+$0xFFFFFE60]  }
0x3f9: {  	v3 =	vadd.s32 v3, v7;
	v7 =	vld [tilespmem:s17+$0xFFFFFE70]  }
0x3fa: {  	v3 =	vadd.s32 v3, v8;
	v8 =	vld [tilespmem:s17+$0xFFFFFE80]  }
0x3fb: {  	v3 =	vadd.s32 v3, v4;
	v4 =	vld [tilespmem:s17+$0xFFFFFC90]  }
0x3fc: {  	v3 =	vadd.s32 v3, v5;
	v5 =	vld [tilespmem:s17+$0xFFFFFCA0]  }
0x3fd: {  	v3 =	vadd.s32 v3, v6;
	v6 =	vld [tilespmem:s17+$0xFFFFFCB0]  }
0x3fe: {  	v3 =	vadd.s32 v3, v7;
	v7 =	vld [tilespmem:s17+$0xFFFFFCC0]  }
0x3ff: {  	v3 =	vadd.s32 v3, v8;
	v8 =	vld [tilespmem:s17+$0xFFFFFCD0]  }
0x400: {  	v3 =	vadd.s32 v3, v4;
	v4 =	vld [tilespmem:s17+$0xFFFFFCE0]  }
0x401: {  	v3 =	vadd.s32 v3, v5;
	v5 =	vld [tilespmem:s17+$0xFFFFFCF0]  }
0x402: {  	v3 =	vadd.s32 v3, v6;
	v6 =	vld [tilespmem:s17+$0xFFFFFD00]  }
0x403: {  	v3 =	vadd.s32 v3, v7;
	v7 =	vld [tilespmem:s17+$0xFFFFFE90]  }
0x404: {  	v3 =	vadd.s32 v3, v8;
	v8 =	vld [tilespmem:s17+$0xFFFFFEA0]  }
0x405: {  	v3 =	vadd.s32 v3, v4;
	v4 =	vld [tilespmem:s17+$0xFFFFFEB0]  }
0x406: {  	v3 =	vadd.s32 v3, v5;
	v5 =	vld [tilespmem:s17+$0xFFFFFEC0]  }
0x407: {  	v3 =	vadd.s32 v3, v6;
	v6 =	vld [tilespmem:s17+$0xFFFFFED0]  }
0x408: {  	v3 =	vadd.s32 v3, v7;
	v7 =	vld [tilespmem:s17+$0xFFFFFEE0]  }
0x409: {  	v3 =	vadd.s32 v3, v8;
	v8 =	vld [tilespmem:s17+$0xFFFFFEF0]  }
0x40a: {  	v3 =	vadd.s32 v3, v4;
	v4 =	vld [tilespmem:s17+$0xFFFFFF00]  }
0x40b: {  	v3 =	vadd.s32 v3, v5;
	v5 =	vld [tilespmem:s17+$0xFFFFFD10]  }
0x40c: {  	v3 =	vadd.s32 v3, v6;
	v6 =	vld [tilespmem:s17+$0xFFFFFD20]  }
0x40d: {  	v3 =	vadd.s32 v3, v7;
	v7 =	vld [tilespmem:s17+$0xFFFFFD30]  }
0x40e: {  	v3 =	vadd.s32 v3, v8;
	v8 =	vld [tilespmem:s17+$0xFFFFFD40]  }
0x40f: {  	v3 =	vadd.s32 v3, v4;
	v4 =	vld [tilespmem:s17+$0xFFFFFD50]  }
0x410: {  	v3 =	vadd.s32 v3, v5;
	v5 =	vld [tilespmem:s17+$0xFFFFFD60]  }
0x411: {  	v3 =	vadd.s32 v3, v6;
	v6 =	vld [tilespmem:s17+$0xFFFFFD70]  }
0x412: {  	v3 =	vadd.s32 v3, v7;
	v7 =	vld [tilespmem:s17+$0xFFFFFD80]  }
0x413: {  	v3 =	vadd.s32 v3, v8;
	v8 =	vld [tilespmem:s17+$0xFFFFFF10]  }
0x414: {  	v3 =	vadd.s32 v3, v4;
	v4 =	vld [tilespmem:s17+$0xFFFFFF20]  }
0x415: {  	v3 =	vadd.s32 v3, v5;
	v5 =	vld [tilespmem:s17+$0xFFFFFF30]  }
0x416: {  	v3 =	vadd.s32 v3, v6;
	v6 =	vld [tilespmem:s17+$0xFFFFFF40]  }
0x417: {  	v3 =	vadd.s32 v3, v7;
	v7 =	vld [tilespmem:s17+$0xFFFFFF50]  }
0x418: {  	v3 =	vadd.s32 v3, v8;
	v8 =	vld [tilespmem:s17+$0xFFFFFF60]  }
0x419: {  	v3 =	vadd.s32 v3, v4;
	v4 =	vld [tilespmem:s17+$0xFFFFFF70]  }
0x41a: {  	v3 =	vadd.s32 v3, v5;
	v5 =	vld [tilespmem:s17+$0xFFFFFF80]  }
0x41b: {  	v3 =	vadd.s32 v3, v6;
	v6 =	vld [tilespmem:s17+$0xFFFFFD90]  }
0x41c: {  	v3 =	vadd.s32 v3, v7;
	v7 =	vld [tilespmem:s17+$0xFFFFFDA0]  }
0x41d: {  	v3 =	vadd.s32 v3, v8;
	v8 =	vld [tilespmem:s17+$0xFFFFFDB0]  }
0x41e: {  	v3 =	vadd.s32 v3, v4;
	v4 =	vld [tilespmem:s17+$0xFFFFFDC0]  }
0x41f: {  	v3 =	vadd.s32 v3, v5;
	v5 =	vld [tilespmem:s17+$0xFFFFFDD0]  }
0x420: {  	v3 =	vadd.s32 v3, v6;
	v6 =	vld [tilespmem:s17+$0xFFFFFDE0]  }
0x421: {  	v3 =	vadd.s32 v3, v7;
	v7 =	vld [tilespmem:s17+$0xFFFFFDF0]  }
0x422: {  	v3 =	vadd.s32 v3, v8;
	v8 =	vld [tilespmem:s17+$0xFFFFFE00]  }
0x423: {  	v3 =	vadd.s32 v3, v4;
	v4 =	vld [tilespmem:s17+$0xFFFFFF90]  }
0x424: {  	v9 =	vld [tilespmem:s17+$0xFFFFFFA0];
	v3 =	vadd.s32 v3, v5  }
0x425: {  	v3 =	vadd.s32 v3, v6;
	v6 =	vld [tilespmem:s17+$0xFFFFFFB0]  }
0x426: {  	v10 =	vld [tilespmem:s17+$0xFFFFFFC0];
	v3 =	vadd.s32 v3, v7  }
0x427: {  	v11 =	vld [tilespmem:s17+$0xFFFFFFD0];
	v3 =	vadd.s32 v3, v8  }
0x428: {  	v5 =	vld [tilespmem:s17+$0xFFFFFFE0];
	v3 =	vadd.s32 v3, v4  }
0x429: {  	s31 =	sadd.s32 s15, s18;
	s19 =	simm.s32 $0x0;
	v4 =	vld [tilespmem:s17+$0xFFFFFFF0];
	v3 =	vadd.s32 v3, v9  }
0x42a: {  	s18 =	simm.s32 $0x7;
	s24 =	simm.s32 $0x12BF0;
	s21 =	simm.s32 $0x6;
	v6 =	vadd.s32 v3, v6;
	v3 =	vld [tilespmem:s17+$0x0]  }
0x42b: {  	s25 =	simm.s32 $0x5;
	s23 =	simm.s32 $0x0;
	s20 =	simm.s32 $0x0;
	v7 =	vld [tilespmem:s24+$0xFFFFFC10];
	v6 =	vadd.s32 v6, v10  }
0x42c: {  	s22 =	simm.s32 $0x0;
	s15 =	ssub.s32 $0x20001, s31;
	v8 =	vld [tilespmem:s24+$0xFFFFFC20];
	s17 =	simm.s32 $0x0;
	v6 =	vadd.s32 v6, v11  }
.LBB2_30:
0x42d: {  	p1 =	seq.s32 s25, $0x0;
	v9 =	vld [tilespmem:s24+$0xFFFFFC30];
	v5 =	vadd.s32 v6, v5  }
0x42e: {  	v6 =	vld [tilespmem:s24+$0xFFFFFC40];
	v4 =	vadd.s32 v5, v4  }
0x42f: {  	v5 =	vld [tilespmem:s24+$0xFFFFFC50];
	v3 =	vadd.s32 v4, v3  }
0x430: {  	v4 =	vld [tilespmem:s24+$0xFFFFFC60];
	(xrf0) =	vadd.scan.msk.s32 $0xffff, v3  }
0x431: {  	v3 =	vadd.s32 v7, v8;
	v7 =	vld [tilespmem:s24+$0xFFFFFC70]  }
0x432: {  	v3 =	vadd.s32 v3, v9;
	v8 =	vld [tilespmem:s24+$0xFFFFFC80]  }
0x433: {  	v3 =	vadd.s32 v3, v6;
	v6 =	vld [tilespmem:s24+$0xFFFFFE10]  }
0x434: {  	v3 =	vadd.s32 v3, v5;
	v5 =	vld [tilespmem:s24+$0xFFFFFE20]  }
0x435: {  	v3 =	vadd.s32 v3, v4;
	v4 =	vld [tilespmem:s24+$0xFFFFFE30]  }
0x436: {  	v3 =	vadd.s32 v3, v7;
	v7 =	vld [tilespmem:s24+$0xFFFFFE40];
	v9, _, _ =	vpop (xrf0)  }
0x437: {  	v3 =	vadd.s32 v3, v8;
	v8 =	vld [tilespmem:s24+$0xFFFFFE50];
	(v2sf) =	vpush v9, $0xF  }
0x438: {  	v3 =	vadd.s32 v3, v6;
	v6 =	vld [tilespmem:s24+$0xFFFFFE60]  }
0x439: {  	v3 =	vadd.s32 v3, v5;
	v5 =	vld [tilespmem:s24+$0xFFFFFE70]  }
0x43a: {  	v3 =	vadd.s32 v3, v4;
	v4 =	vld [tilespmem:s24+$0xFFFFFE80]  }
0x43b: {  	v3 =	vadd.s32 v3, v7;
	v7 =	vld [tilespmem:s24+$0xFFFFFC90]  }
0x43c: {  	v3 =	vadd.s32 v3, v8;
	v8 =	vld [tilespmem:s24+$0xFFFFFCA0]  }
0x43d: {  	v3 =	vadd.s32 v3, v6;
	v6 =	vld [tilespmem:s24+$0xFFFFFCB0]  }
0x43e: {  	v3 =	vadd.s32 v3, v5;
	v5 =	vld [tilespmem:s24+$0xFFFFFCC0]  }
0x43f: {  	v3 =	vadd.s32 v3, v4;
	v4 =	vld [tilespmem:s24+$0xFFFFFCD0]  }
0x440: {  	v3 =	vadd.s32 v3, v7;
	v7 =	vld [tilespmem:s24+$0xFFFFFCE0]  }
0x441: {  	v3 =	vadd.s32 v3, v8;
	v8 =	vld [tilespmem:s24+$0xFFFFFCF0]  }
0x442: {  	v3 =	vadd.s32 v3, v6;
	v6 =	vld [tilespmem:s24+$0xFFFFFD00]  }
0x443: {  	v3 =	vadd.s32 v3, v5;
	v5 =	vld [tilespmem:s24+$0xFFFFFE90]  }
0x444: {  	v3 =	vadd.s32 v3, v4;
	v4 =	vld [tilespmem:s24+$0xFFFFFEA0]  }
0x445: {  	v3 =	vadd.s32 v3, v7;
	v7 =	vld [tilespmem:s24+$0xFFFFFEB0]  }
0x446: {  	v3 =	vadd.s32 v3, v8;
	v8 =	vld [tilespmem:s24+$0xFFFFFEC0];
	s0 =	spop (v2sf)  }
0x447: {  	v3 =	vadd.s32 v3, v6;
	v6 =	vld [tilespmem:s24+$0xFFFFFED0];
	s23 =	sadd.s32 s23, s0  }
0x448: {  	p2 =	seq.s32 s19, $0x0;
	v3 =	vadd.s32 v3, v5;
	v5 =	vld [tilespmem:s24+$0xFFFFFEE0];
	p3 =	sge.s32 s23, s15  }
0x449: {  	v3 =	vadd.s32 v3, v4;
	v4 =	vld [tilespmem:s24+$0xFFFFFEF0];
	p2 =	por !p2, !p3  }
0x44a: {  	v3 =	vadd.s32 v3, v7;
	v7 =	vld [tilespmem:s24+$0xFFFFFF00];
	p2 =	por !p2, !p2  }
0x44b: {  	v3 =	vadd.s32 v3, v8;
	v8 =	vld [tilespmem:s24+$0xFFFFFD10];
	s20 =	smov.u32 @p2 s18;
	s19 =	simm.s32 @p2 $0x1;
	s18 =	smov.u32 s21  }
0x44c: {  	s17 =	smov.u32 @p2 s22;
	s22 =	smov.u32 s23;
	s21 =	smov.u32 s25;
	v3 =	vadd.s32 v3, v6;
	v6 =	vld [tilespmem:s24+$0xFFFFFD20]  }
0x44d: {  	v3 =	vadd.s32 v3, v5;
	v5 =	vld [tilespmem:s24+$0xFFFFFD30]  }
0x44e: {  	v3 =	vadd.s32 v3, v4;
	v4 =	vld [tilespmem:s24+$0xFFFFFD40]  }
0x44f: {  	v3 =	vadd.s32 v3, v7;
	v7 =	vld [tilespmem:s24+$0xFFFFFD50]  }
0x450: {  	v3 =	vadd.s32 v3, v8;
	v8 =	vld [tilespmem:s24+$0xFFFFFD60]  }
0x451: {  	v3 =	vadd.s32 v3, v6;
	v6 =	vld [tilespmem:s24+$0xFFFFFD70]  }
0x452: {  	v3 =	vadd.s32 v3, v5;
	v5 =	vld [tilespmem:s24+$0xFFFFFD80]  }
0x453: {  	v3 =	vadd.s32 v3, v4;
	v4 =	vld [tilespmem:s24+$0xFFFFFF10]  }
0x454: {  	v3 =	vadd.s32 v3, v7;
	v7 =	vld [tilespmem:s24+$0xFFFFFF20]  }
0x455: {  	v3 =	vadd.s32 v3, v8;
	v8 =	vld [tilespmem:s24+$0xFFFFFF30]  }
0x456: {  	v3 =	vadd.s32 v3, v6;
	v6 =	vld [tilespmem:s24+$0xFFFFFF40]  }
0x457: {  	v3 =	vadd.s32 v3, v5;
	v5 =	vld [tilespmem:s24+$0xFFFFFF50]  }
0x458: {  	v3 =	vadd.s32 v3, v4;
	v4 =	vld [tilespmem:s24+$0xFFFFFF60]  }
0x459: {  	v3 =	vadd.s32 v3, v7;
	v7 =	vld [tilespmem:s24+$0xFFFFFF70]  }
0x45a: {  	v3 =	vadd.s32 v3, v8;
	v8 =	vld [tilespmem:s24+$0xFFFFFF80]  }
0x45b: {  	v3 =	vadd.s32 v3, v6;
	v6 =	vld [tilespmem:s24+$0xFFFFFD90]  }
0x45c: {  	v3 =	vadd.s32 v3, v5;
	v5 =	vld [tilespmem:s24+$0xFFFFFDA0]  }
0x45d: {  	v3 =	vadd.s32 v3, v4;
	v4 =	vld [tilespmem:s24+$0xFFFFFDB0]  }
0x45e: {  	v3 =	vadd.s32 v3, v7;
	v7 =	vld [tilespmem:s24+$0xFFFFFDC0]  }
0x45f: {  	v3 =	vadd.s32 v3, v8;
	v8 =	vld [tilespmem:s24+$0xFFFFFDD0]  }
0x460: {  	v3 =	vadd.s32 v3, v6;
	v6 =	vld [tilespmem:s24+$0xFFFFFDE0]  }
0x461: {  	v3 =	vadd.s32 v3, v5;
	v5 =	vld [tilespmem:s24+$0xFFFFFDF0]  }
0x462: {  	v3 =	vadd.s32 v3, v4;
	v4 =	vld [tilespmem:s24+$0xFFFFFE00]  }
0x463: {  	v3 =	vadd.s32 v3, v7;
	v7 =	vld [tilespmem:s24+$0xFFFFFF90]  }
0x464: {  	v3 =	vadd.s32 v3, v8;
	v8 =	vld [tilespmem:s24+$0xFFFFFFA0]  }
0x465: {  	v3 =	vadd.s32 v3, v6;
	v6 =	vld [tilespmem:s24+$0xFFFFFFB0]  }
0x466: {  	v3 =	vadd.s32 v3, v5;
	v9 =	vld [tilespmem:s24+$0xFFFFFFC0]  }
0x467: {  	v3 =	vadd.s32 v3, v4;
	v10 =	vld [tilespmem:s24+$0xFFFFFFD0]  }
.Ltmp14:
0x468: {  	v3 =	vadd.s32 v3, v7;
	v5 =	vld [tilespmem:s24+$0xFFFFFFE0];
	(pc) =	sbr.rel @!p1 .LBB2_30-.Ltmp14, $4  }
0x469: {  	v3 =	vadd.s32 v3, v8;
	v4 =	vld [tilespmem:s24+$0xFFFFFFF0]  }
0x46a: {  	v6 =	vadd.s32 v3, v6;
	v3 =	vld [tilespmem:s24+$0x0];
	s24 =	sadd.s32 $0xFFFFFC00, s24  }
0x46b: {  	v7 =	vld [tilespmem:s24+$0xFFFFFC10];
	v6 =	vadd.s32 v6, v9  }
0x46c: {  	s25 =	sadd.s32 $0xFFFFFFFF, s25;
	v8 =	vld [tilespmem:s24+$0xFFFFFC20];
	v6 =	vadd.s32 v6, v10  }
0x46d: {  	v9 =	vld [tilespmem:s24+$0xFFFFFC30]  }
0x46e: {  	v10 =	vld [tilespmem:s24+$0xFFFFFC40]  }
0x46f: {  	v11 =	vld [tilespmem:s24+$0xFFFFFC50]  }
0x470: {  	v12 =	vld [tilespmem:s24+$0xFFFFFC60]  }
0x471: {  	v52 =	vld [tilespmem:s24+$0xFFFFFC70];
	v7 =	vadd.s32 v7, v8  }
0x472: {  	v53 =	vld [tilespmem:s24+$0xFFFFFC80];
	v7 =	vadd.s32 v7, v9  }
0x473: {  	v54 =	vld [tilespmem:s24+$0xFFFFFE10];
	v7 =	vadd.s32 v7, v10  }
0x474: {  	v55 =	vld [tilespmem:s24+$0xFFFFFE20];
	v7 =	vadd.s32 v7, v11  }
0x475: {  	v56 =	vld [tilespmem:s24+$0xFFFFFE30];
	v7 =	vadd.s32 v7, v12  }
0x476: {  	v57 =	vld [tilespmem:s24+$0xFFFFFE40];
	v7 =	vadd.s32 v7, v52  }
0x477: {  	v58 =	vld [tilespmem:s24+$0xFFFFFE50];
	v7 =	vadd.s32 v7, v53  }
0x478: {  	v59 =	vld [tilespmem:s24+$0xFFFFFE60];
	v7 =	vadd.s32 v7, v54  }
0x479: {  	v60 =	vld [tilespmem:s24+$0xFFFFFE70];
	v7 =	vadd.s32 v7, v55  }
0x47a: {  	v61 =	vld [tilespmem:s24+$0xFFFFFE80];
	v7 =	vadd.s32 v7, v56  }
0x47b: {  	v62 =	vld [tilespmem:s24+$0xFFFFFC90];
	v7 =	vadd.s32 v7, v57  }
0x47c: {  	v63 =	vld [tilespmem:s24+$0xFFFFFCA0];
	v7 =	vadd.s32 v7, v58  }
0x47d: {  	v16 =	vld [tilespmem:s24+$0xFFFFFCB0];
	v7 =	vadd.s32 v7, v59  }
0x47e: {  	v17 =	vld [tilespmem:s24+$0xFFFFFCC0];
	v7 =	vadd.s32 v7, v60  }
0x47f: {  	v18 =	vld [tilespmem:s24+$0xFFFFFCD0];
	v7 =	vadd.s32 v7, v61  }
0x480: {  	v19 =	vld [tilespmem:s24+$0xFFFFFCE0];
	v7 =	vadd.s32 v7, v62  }
0x481: {  	v20 =	vld [tilespmem:s24+$0xFFFFFCF0];
	v7 =	vadd.s32 v7, v63  }
0x482: {  	v21 =	vld [tilespmem:s24+$0xFFFFFD00];
	v7 =	vadd.s32 v7, v16  }
0x483: {  	v22 =	vld [tilespmem:s24+$0xFFFFFE90];
	v7 =	vadd.s32 v7, v17  }
0x484: {  	v23 =	vld [tilespmem:s24+$0xFFFFFEA0];
	v7 =	vadd.s32 v7, v18  }
0x485: {  	v24 =	vld [tilespmem:s24+$0xFFFFFEB0];
	v7 =	vadd.s32 v7, v19  }
0x486: {  	v25 =	vld [tilespmem:s24+$0xFFFFFEC0];
	v7 =	vadd.s32 v7, v20  }
0x487: {  	v26 =	vld [tilespmem:s24+$0xFFFFFED0];
	v7 =	vadd.s32 v7, v21  }
0x488: {  	v27 =	vld [tilespmem:s24+$0xFFFFFEE0];
	v7 =	vadd.s32 v7, v22  }
0x489: {  	v28 =	vld [tilespmem:s24+$0xFFFFFEF0];
	v7 =	vadd.s32 v7, v23  }
0x48a: {  	v29 =	vld [tilespmem:s24+$0xFFFFFF00];
	v7 =	vadd.s32 v7, v24  }
0x48b: {  	v30 =	vld [tilespmem:s24+$0xFFFFFD10];
	v7 =	vadd.s32 v7, v25  }
0x48c: {  	v31 =	vld [tilespmem:s24+$0xFFFFFD20];
	v7 =	vadd.s32 v7, v26  }
0x48d: {  	v32 =	vld [tilespmem:s24+$0xFFFFFD30];
	v7 =	vadd.s32 v7, v27  }
0x48e: {  	v33 =	vld [tilespmem:s24+$0xFFFFFD40];
	v7 =	vadd.s32 v7, v28  }
0x48f: {  	v34 =	vld [tilespmem:s24+$0xFFFFFD50];
	v7 =	vadd.s32 v7, v29  }
0x490: {  	v35 =	vld [tilespmem:s24+$0xFFFFFD60];
	v7 =	vadd.s32 v7, v30  }
0x491: {  	v36 =	vld [tilespmem:s24+$0xFFFFFD70];
	v7 =	vadd.s32 v7, v31  }
0x492: {  	v37 =	vld [tilespmem:s24+$0xFFFFFD80];
	v7 =	vadd.s32 v7, v32  }
0x493: {  	v38 =	vld [tilespmem:s24+$0xFFFFFF10];
	v7 =	vadd.s32 v7, v33  }
0x494: {  	v39 =	vld [tilespmem:s24+$0xFFFFFF20];
	v7 =	vadd.s32 v7, v34  }
0x495: {  	v40 =	vld [tilespmem:s24+$0xFFFFFF30];
	v7 =	vadd.s32 v7, v35  }
0x496: {  	v41 =	vld [tilespmem:s24+$0xFFFFFF40];
	v7 =	vadd.s32 v7, v36  }
0x497: {  	v42 =	vld [tilespmem:s24+$0xFFFFFF50];
	v7 =	vadd.s32 v7, v37  }
0x498: {  	v43 =	vld [tilespmem:s24+$0xFFFFFF60];
	v7 =	vadd.s32 v7, v38  }
0x499: {  	v44 =	vld [tilespmem:s24+$0xFFFFFF70];
	v7 =	vadd.s32 v7, v39  }
0x49a: {  	v45 =	vld [tilespmem:s24+$0xFFFFFF80];
	v7 =	vadd.s32 v7, v40  }
0x49b: {  	v46 =	vld [tilespmem:s24+$0xFFFFFD90];
	v7 =	vadd.s32 v7, v41  }
0x49c: {  	v47 =	vld [tilespmem:s24+$0xFFFFFDA0];
	v7 =	vadd.s32 v7, v42  }
0x49d: {  	v48 =	vld [tilespmem:s24+$0xFFFFFDB0];
	v7 =	vadd.s32 v7, v43  }
0x49e: {  	v49 =	vld [tilespmem:s24+$0xFFFFFDC0];
	v7 =	vadd.s32 v7, v44  }
0x49f: {  	v50 =	vld [tilespmem:s24+$0xFFFFFDD0];
	v7 =	vadd.s32 v7, v45  }
0x4a0: {  	v51 =	vld [tilespmem:s24+$0xFFFFFDE0];
	v7 =	vadd.s32 v7, v46  }
0x4a1: {  	v52 =	vld [tilespmem:s24+$0xFFFFFDF0];
	v7 =	vadd.s32 v7, v47  }
0x4a2: {  	v53 =	vld [tilespmem:s24+$0xFFFFFE00];
	v7 =	vadd.s32 v7, v48  }
0x4a3: {  	v54 =	vld [tilespmem:s24+$0xFFFFFF90];
	v7 =	vadd.s32 v7, v49  }
0x4a4: {  	v55 =	vld [tilespmem:s24+$0xFFFFFFA0];
	v7 =	vadd.s32 v7, v50  }
0x4a5: {  	v56 =	vld [tilespmem:s24+$0xFFFFFFB0];
	v7 =	vadd.s32 v7, v51  }
0x4a6: {  	v57 =	vld [tilespmem:s24+$0xFFFFFFC0];
	v7 =	vadd.s32 v7, v52  }
0x4a7: {  	v58 =	vld [tilespmem:s24+$0xFFFFFFD0];
	v7 =	vadd.s32 v7, v53  }
0x4a8: {  	v59 =	vld [tilespmem:s24+$0xFFFFFFE0];
	v7 =	vadd.s32 v7, v54  }
0x4a9: {  	v5 =	vadd.s32 v6, v5;
	v6 =	vadd.s32 v7, v55;
	v7 =	vld [tilespmem:s24+$0xFFFFFFF0]  }
0x4aa: {  	v4 =	vadd.s32 v5, v4;
	v5 =	vadd.s32 v6, v56;
	v6 =	vld [tilespmem:s24+$0x0]  }
0x4ab: {  	v3 =	vadd.s32 v4, v3;
	v4 =	vadd.s32 v5, v57  }
0x4ac: {  	(xrf0) =	vadd.scan.msk.s32 $0xffff, v3;
	v3 =	vadd.s32 v4, v58  }
0x4ad: {  	v3 =	vadd.s32 v3, v59  }
0x4ae: {  	v3 =	vadd.s32 v3, v7  }
0x4af: {  	v3 =	vadd.s32 v3, v6  }
0x4b0: {  	(xrf0) =	vadd.scan.msk.s32 $0xffff, v3;
	_ =	sdelay $0x1  }
0x4b1: {  	v3, _, _ =	vpop (xrf0)  }
0x4b2: {  	(v2sf) =	vpush v3, $0xF;
	_ =	sdelay $0x2  }
0x4b3: {  	v3, _, _ =	vpop (xrf0)  }
0x4b4: {  	(v2sf) =	vpush v3, $0xF;
	_ =	sdelay $0xa  }
0x4b5: {  	s0 =	spop (v2sf)  }
0x4b6: {  	s0 =	sadd.s32 s23, s0  }
0x4b7: {  	p1 =	seq.s32 s19, $0x0;
	p2 =	sge.s32 s0, s15  }
0x4b8: {  	p1 =	por !p1, !p2  }
0x4b9: {  	p1 =	por !p1, !p1;
	s1 =	spop (v2sf)  }
0x4ba: {  	s19 =	simm.s32 @p1 $0x1;
	s1 =	sadd.s32 s0, s1  }
0x4bb: {  	p6 =	seq.s32 s19, $0x0;
	p3 =	sge.s32 s1, s15  }
0x4bc: {  	p2 =	por !p6, !p3  }
0x4bd: {  	s20 =	smov.u32 @p1 s18;
	s17 =	smov.u32 @p1 s22;
	p1 =	por !p2, !p2  }
0x4be: {  	s20 =	smov.u32 @p1 s21  }
0x4bf: {  	s19 =	sshll.u32 s20, $0xA;
	s21 =	sshll.u32 s20, $0x8  }
0x4c0: {  	s17 =	smov.u32 @p1 s0;
	s0 =	sor.u32 $0x3C0, s19;
	s1 =	sor.u32 $0xF0, s21  }
0x4c1: {  	s2 =	sand.u32 $0x70, s1;
	s4 =	sand.u32 $0xFFFFFE00, s0  }
0x4c2: {  	s2 =	sor.u32 s2, s4  }
0x4c3: {  	s4 =	sadd.s32 $0x11000, s2;
	v3 =	vld [tilespmem:s2+$0x11000]  }
0x4c4: {  	v4 =	vld [tilespmem:s4+$0x80]  }
0x4c5: {  	s0 =	sadd.s32 $0xFFFFFFC0, s0;
	s1 =	sadd.s32 $0xFFFFFFF0, s1;
	v5 =	vld [tilespmem:s4+$0x100]  }
0x4c6: {  	s22 =	sand.u32 $0x70, s1;
	s9 =	sand.u32 $0xFFFFFE00, s0;
	v6 =	vld [tilespmem:s4+$0x180]  }
0x4c7: {  	s2 =	sor.u32 s22, s9  }
0x4c8: {  	s23 =	sadd.s32 $0x11000, s2;
	v7 =	vld [tilespmem:s2+$0x11000]  }
0x4c9: {  	s0 =	sadd.s32 $0xFFFFFFC0, s0;
	s1 =	sadd.s32 $0xFFFFFFF0, s1;
	v60 =	vld [tilespmem:s23+$0x80];
	v3 =	vadd.s32 v3, v4  }
0x4ca: {  	s24 =	sand.u32 $0x70, s1;
	s25 =	sand.u32 $0xFFFFFE00, s0;
	v61 =	vld [tilespmem:s23+$0x100];
	v3 =	vadd.s32 v3, v5  }
0x4cb: {  	s2 =	sor.u32 s24, s25;
	v62 =	vld [tilespmem:s23+$0x180];
	v3 =	vadd.s32 v3, v6  }
0x4cc: {  	s4 =	sadd.s32 $0x11000, s2;
	v5 =	vld [tilespmem:s2+$0x11000];
	(xrf0) =	vadd.scan.msk.s32 $0xffff, v3  }
0x4cd: {  	v6 =	vld [tilespmem:s4+$0x80];
	_ =	sdelay $0x2  }
0x4ce: {  	v4 =	vadd.s32 v7, v60  }
0x4cf: {  	v4 =	vadd.s32 v4, v61  }
0x4d0: {  	v3 =	vadd.s32 v4, v62;
	v5 =	vadd.s32 v5, v6;
	v6, _, _ =	vpop (xrf0)  }
0x4d1: {  	(xrf0) =	vadd.scan.msk.s32 $0xffff, v3;
	(v2sf) =	vpush v6, $0xF  }
0x4d2: {  	v4 =	vld [tilespmem:s4+$0x100];
	_ =	sdelay $0x1  }
0x4d3: {  	v3 =	vld [tilespmem:s4+$0x180];
	_ =	sdelay $0x1  }
0x4d4: {  	s0 =	sadd.s32 $0xFFFFFFC0, s0;
	s1 =	sadd.s32 $0xFFFFFFF0, s1  }
0x4d5: {  	s26 =	sand.u32 $0x70, s1;
	s30 =	sand.u32 $0xFFFFFE00, s0;
	v4 =	vadd.s32 v5, v4;
	v5, _, _ =	vpop (xrf0)  }
0x4d6: {  	s2 =	sor.u32 s26, s30;
	(v2sf) =	vpush v5, $0xF  }
0x4d7: {  	s31 =	sadd.s32 $0x11000, s2;
	v7 =	vld [tilespmem:s2+$0x11000];
	v4 =	vadd.s32 v4, v3  }
0x4d8: {  	v63 =	vld [tilespmem:s31+$0x80];
	(xrf0) =	vadd.scan.msk.s32 $0xffff, v4  }
0x4d9: {  	s29 =	simm.s32 $0xA;
	v3 =	vld [tilespmem:s31+$0x100]  }
0x4da: {  	s18 =	sshll.u32 s20, $0x4;
	s20 =	simm.s32 $0xF;
	s19 =	simm.s32 $0x0;
	v4 =	vld [tilespmem:s31+$0x180]  }
0x4db: {  	s21 =	simm.s32 $0xB;
	s22 =	simm.s32 $0xC;
	s25 =	simm.s32 $0xE  }
0x4dc: {  	s28 =	sadd.s32 $0xFFFFFFC0, s0;
	s24 =	simm.s32 $0x0;
	s26 =	sadd.s32 $0xFFFFFFF0, s1  }
0x4dd: {  	s23 =	simm.s32 $0xD;
	s1 =	sand.u32 $0xFFFFFE00, s28;
	s0 =	sand.u32 $0x70, s26;
	v5 =	vadd.s32 v7, v63  }
.LBB2_32:
0x4de: {  	p1 =	sne.s32 s29, $0x0;
	s0 =	sor.u32 s0, s1;
	v3 =	vadd.s32 v5, v3;
	v5, _, _ =	vpop (xrf0);
	s1 =	spop (v2sf)  }
0x4df: {  	s2 =	sadd.s32 $0x11000, s0;
	v6 =	vld [tilespmem:s0+$0x11000];
	v3 =	vadd.s32 v3, v4;
	(v2sf) =	vpush v5, $0xF;
	s17 =	sadd.s32 s17, s1;
	s0 =	smov.u32 s22  }
0x4e0: {  	p2 =	seq.s32 s19, $0x0;
	s22 =	smov.u32 s21;
	v5 =	vld [tilespmem:s2+$0x80];
	(xrf0) =	vadd.scan.msk.s32 $0xffff, v3;
	p3 =	sge.s32 s17, s15  }
.Ltmp15:
0x4e1: {  	s21 =	smov.u32 s29;
	v3 =	vld [tilespmem:s2+$0x100];
	p2 =	por !p2, !p3;
	(pc) =	sbr.rel @p1 .LBB2_32-.Ltmp15, $4  }
0x4e2: {  	s1 =	sadd.s32 s20, s18;
	s20 =	smov.u32 s25;
	v4 =	vld [tilespmem:s2+$0x180];
	p2 =	por !p2, !p2  }
0x4e3: {  	s25 =	smov.u32 s23;
	s24 =	smov.u32 @p2 s1;
	s19 =	simm.s32 @p2 $0x1  }
0x4e4: {  	s28 =	sadd.s32 $0xFFFFFFC0, s28;
	s26 =	sadd.s32 $0xFFFFFFF0, s26;
	s23 =	smov.u32 s0  }
0x4e5: {  	s29 =	sadd.s32 $0xFFFFFFFF, s29;
	s0 =	sand.u32 $0x70, s26;
	s1 =	sand.u32 $0xFFFFFE00, s28;
	v5 =	vadd.s32 v6, v5  }
0x4e6: {  	s0 =	sor.u32 s0, s1  }
0x4e7: {  	s1 =	sadd.s32 $0x11000, s0;
	v6 =	vld [tilespmem:s0+$0x11000]  }
0x4e8: {  	v7 =	vld [tilespmem:s1+$0x80]  }
0x4e9: {  	v8 =	vld [tilespmem:s1+$0x100]  }
0x4ea: {  	v3 =	vadd.s32 v5, v3;
	v62 =	vld [tilespmem:s1+$0x180]  }
0x4eb: {  	v3 =	vadd.s32 v3, v4  }
0x4ec: {  	(xrf0) =	vadd.scan.msk.s32 $0xffff, v3  }
0x4ed: {  	v3 =	vadd.s32 v6, v7  }
0x4ee: {  	v63, _, _ =	vpop (xrf0);
	v3 =	vadd.s32 v3, v8  }
0x4ef: {  	(v2sf) =	vpush v63, $0xF;
	v3 =	vadd.s32 v3, v62  }
0x4f0: {  	(xrf0) =	vadd.scan.msk.s32 $0xffff, v3;
	_ =	sdelay $0x1  }
0x4f1: {  	v3, _, _ =	vpop (xrf0)  }
0x4f2: {  	(v2sf) =	vpush v3, $0xF;
	_ =	sdelay $0x2  }
0x4f3: {  	s28 =	spop (v2sf);
	v3, _, _ =	vpop (xrf0)  }
0x4f4: {  	s0 =	sadd.s32 s17, s28;
	(v2sf) =	vpush v3, $0xF  }
0x4f5: {  	p1 =	seq.s32 s19, $0x0;
	p2 =	sge.s32 s0, s15  }
0x4f6: {  	p1 =	por !p1, !p2  }
0x4f7: {  	p1 =	por !p1, !p1;
	s29 =	spop (v2sf)  }
0x4f8: {  	s19 =	simm.s32 @p1 $0x1;
	s0 =	sadd.s32 s0, s29  }
0x4f9: {  	p4 =	seq.s32 s19, $0x0;
	p3 =	sge.s32 s0, s15  }
0x4fa: {  	p2 =	por !p4, !p3  }
0x4fb: {  	p3 =	por !p2, !p2;
	s30 =	spop (v2sf)  }
0x4fc: {  	s19 =	simm.s32 @p3 $0x1;
	s0 =	sadd.s32 s0, s30  }
0x4fd: {  	p5 =	seq.s32 s19, $0x0;
	p4 =	sge.s32 s0, s15  }
0x4fe: {  	p2 =	por !p5, !p4  }
0x4ff: {  	p2 =	por !p2, !p2;
	s31 =	spop (v2sf)  }
0x500: {  	s19 =	simm.s32 @p2 $0x1;
	s0 =	sadd.s32 s0, s31  }
0x501: {  	s1 =	sadd.s32 s20, s18;
	p6 =	seq.s32 s19, $0x0;
	p5 =	sge.s32 s0, s15  }
0x502: {  	s24 =	smov.u32 @p1 s1;
	p6 =	por !p6, !p5  }
0x503: {  	s1 =	sadd.s32 s25, s18;
	p1 =	por !p6, !p6;
	s2 =	spop (v2sf)  }
0x504: {  	s24 =	smov.u32 @p3 s1;
	s19 =	simm.s32 @p1 $0x1;
	s0 =	sadd.s32 s0, s2  }
0x505: {  	s1 =	sadd.s32 s23, s18;
	p4 =	seq.s32 s19, $0x0;
	p5 =	sge.s32 s0, s15  }
0x506: {  	s24 =	smov.u32 @p2 s1;
	s0 =	sadd.s32 s22, s18;
	p6 =	por !p4, !p5  }
0x507: {  	s24 =	smov.u32 @p1 s0;
	s0 =	sadd.s32 s21, s18;
	p1 =	por !p6, !p6  }
0x508: {  	s24 =	smov.u32 @p1 s0;
	s0 =	sshll.u32 @!p0 s16, $0x7  }
0x509: {  	s0 =	sor.u32 @!p0 s0, s24  }
0x50a: {  	s14 =	sadd.s32 $0x1, s14;
	v3 =	vmov @!p0 s0  }
0x50b: {  	s1 =	simm.s32 @!p0 $0x15000;
	p1 =	sne.s32 s14, s7;
	s0 =	simm.s32 @!p0 $0x0;
	[tilespmem:$0x15000] =	vst @!p0 v3  }
0x50c: {  	[hbm4b:s6+s0] =	stream.linear.scatter @!p0 [tilespmem:s1], [sflag:$0x1], $0x80, $0x38;
	[tilespmem:$0x16080] =	vst v63  }
.Ltmp16:
0x50d: {  	_ = 	snop;
	(pc) =	sbr.rel @p1 .LBB2_1-.Ltmp16, $4  }
0x50e: {  	s0 =	simm.s32 @!p0 $0x1  }
0x50f: {  	_ =	swait.ge @!p0 [sflag:s0], $0x80  }
0x510: {  	[sflag:s0] =	ssyncset.done @!p0 $0x0  }
0x511: {  	[sflag:s0] =	ssyncadd.s32 @!p0 $0xFFFFFF80  }
0x512: {  	_ =	sfence.sel $0x180000  }
0x513: {  	[bflag:$0x0] =	sbarrier.arrive $0xFFFF  }
0x514: {  	_ =	strace $0x90000047  }
0x515: {  	s0 =	stileid.u32;
	[bflag:$0x2] =	sbarrier.arrive $0xFFFF  }
0x516: {  	p0 =	sne.s32 s0, $0x0;
	s0 =	rddreg [dreg:$0x2]  }
0x517: {  	s0 =	sadd.s32 @!p0 $0x100000, s0  }
0x518: {  	[sflag:s0] =	ssyncadd.tile.s32 @!p0 $0x1;
	_ =	shalt  }
.Lfunc_end2:
_tile_overlayer_lowered:
.L_overlay_start_2:
0x519: {  	(tag) =	ssettag $0x2  }
0x51a: {  	s0 =	rddreg [dreg:$0x0];
	s2 =	stileid.u32  }
0x51b: {  	s1 =	rddreg [dreg:$0x1];
	p0 =	sne.s32 s2, $0x0  }
0x51c: {  	s3 =	rddreg [dreg:$0x2];
	[bflag:$0x3] =	sbarrier.arrive $0xFFFF;
	s2 =	simm.s32 @!p0 $0x1C01  }
0x51d: {  	[timem:s3], [sflag:s2] =	dma.local @!p0 [hbm:s0], s1  }
0x51e: {  	s0 =	simm.s32 @!p0 $0x1  }
0x51f: {  	_ =	swait.ge @!p0 [sflag:s0], s1  }
0x520: {  	s1 =	ssub.s32 @!p0 $0x0, s1;
	[sflag:s0] =	ssyncset.done @!p0 $0x0  }
0x521: {  	[sflag:s0] =	ssyncadd.s32 @!p0 s1  }
0x522: {  	[bflag:$0x3] =	sbarrier.arrive $0xFFFF  }
0x523: {  	_ =	shalt  }

</sc_bundles>
